<compile_context>
chip_gen: v7x
topology: tpu7x:2x2x1
jax: 0.10.2.dev20260603
libtpu: 0.0.44.dev20260713+nightly
codegen_flags: <defaults>
</compile_context>

<pallas_src>
import functools

import jax
import jax.numpy as jnp
from jax import lax
from jax.experimental import pallas as pl
from jax.experimental.pallas import tpu as pltpu
from jax.experimental.pallas import tpu_sc as plsc

MODEL_DIM = 768
NUM_EXPERTS = 8
INNER = MODEL_DIM * 4
BLK = 1024
T_TOK = 8192
NSEL = T_TOK // NUM_EXPERTS


def _scan_body(order_hbm, sk_hbm, bits_hbm, perm_hbm, ordv, skv, bitsv,
               taken, outrow):
    c = lax.axis_index("c")
    s = lax.axis_index("s")

    @pl.when(s == 0)
    def _():
        b = c
        zeros = jnp.zeros((16,), jnp.int32)

        def zb(j, carry):
            taken[pl.ds(j * 16, 16)] = zeros
            return carry

        lax.fori_loop(0, T_TOK // 16, zb, 0)

        for e in range(NUM_EXPERTS):
            row = b * NUM_EXPERTS + e
            pltpu.sync_copy(order_hbm.at[row], ordv)
            pltpu.sync_copy(sk_hbm.at[row], skv)
            pltpu.sync_copy(bits_hbm.at[row], bitsv)

            def cond1(cr):
                cnt, i = cr
                return jnp.logical_and(cnt < NSEL, i < T_TOK // 16)

            def body1(cr):
                cnt, i = cr
                sl = pl.ds(i * 16, 16)
                idx = ordv[sl]
                skc = skv[sl]
                tk = plsc.load_gather(taken, [idx])
                elig = jnp.logical_and(tk == 0, skc < 0)
                plsc.store_compressed(outrow.at[pl.ds(cnt, 16)], idx,
                                      mask=elig)
                nacc = plsc.all_reduce_population_count(elig)[0]
                return (cnt + nacc, i + 1)

            cnt, _ = lax.while_loop(cond1, body1,
                                    (jnp.int32(0), jnp.int32(0)))

            def cond2(cr):
                cnt2, j = cr
                return jnp.logical_and(cnt2 < NSEL, j < T_TOK // 16)

            def body2(cr):
                cnt2, j = cr
                sl = pl.ds(j * 16, 16)
                tok = j * 16 + lax.iota(jnp.int32, 16)
                bz = bitsv[sl] == 0
                tk = taken[sl]
                cand = jnp.logical_or(
                    jnp.logical_and(tk >= 1, tk <= e),
                    jnp.logical_and(bz, tk == 0))
                plsc.store_compressed(outrow.at[pl.ds(cnt2, 16)], tok,
                                      mask=cand)
                nacc = plsc.all_reduce_population_count(cand)[0]
                return (cnt2 + nacc, j + 1)

            lax.while_loop(cond2, body2, (cnt, jnp.int32(0)))

            stamp = jnp.full((16,), e + 1, jnp.int32)

            def sb(k, carry):
                sel = outrow[pl.ds(k * 16, 16)]
                plsc.store_scatter(taken, [sel], stamp)
                return carry

            lax.fori_loop(0, NSEL // 16, sb, 0)
            pltpu.sync_copy(outrow.at[pl.ds(0, NSEL)], perm_hbm.at[row])


def _route_scan(order2, sk2, bits2):
    mesh = plsc.VectorSubcoreMesh(core_axis_name="c", subcore_axis_name="s")
    return pl.kernel(
        _scan_body,
        out_type=jax.ShapeDtypeStruct((2 * NUM_EXPERTS, NSEL), jnp.int32),
        mesh=mesh,
        compiler_params=pltpu.CompilerParams(needs_layout_passes=False),
        scratch_types=[
            pltpu.VMEM((T_TOK,), jnp.int32),
            pltpu.VMEM((T_TOK,), jnp.int32),
            pltpu.VMEM((T_TOK,), jnp.int32),
            pltpu.VMEM((T_TOK,), jnp.int32),
            pltpu.VMEM((NSEL + 16,), jnp.int32),
        ],
    )(order2, sk2, bits2)


def _mlp_body(alpha_ref, ei_ref, sp_ref, w1_ref, b1_ref, w2_ref, b2_ref,
              lnw_ref, lnb_ref, *rest, e, m, mp):
    out_ref = rest[-1]
    ei = ei_ref[...]
    mu = jnp.mean(ei, axis=1, keepdims=True)
    var = jnp.mean((ei - mu) ** 2, axis=1, keepdims=True)
    h = (ei - mu) / jnp.sqrt(var + 1e-5) * lnw_ref[...] + lnb_ref[...]
    ext = h[:, :mp]
    if m < mp:
        col = lax.broadcasted_iota(jnp.int32, (1, mp), 1)
        ext = jnp.where(col < m, ext, 0.0)
    a = lax.dot_general(ext.astype(jnp.bfloat16), w1_ref[...],
                        dimension_numbers=(((1,), (1,)), ((), ())),
                        preferred_element_type=jnp.float32) + b1_ref[...]
    inner = 0.5 * a * (1.0 + lax.erf(a * 0.7071067811865476))
    outp = lax.dot_general(inner.astype(jnp.bfloat16), w2_ref[...],
                           dimension_numbers=(((1,), (1,)), ((), ())),
                           preferred_element_type=jnp.float32) + b2_ref[...]
    if m < mp:
        outp = jnp.where(col < m, outp, 0.0)
    scale = alpha_ref[0, 0] * sp_ref[:, e:e + 1] + 1.0
    if mp == MODEL_DIM:
        out_ref[...] = ei + scale * outp
    else:
        out_ref[...] = jnp.concatenate(
            [ei[:, :mp] + scale * outp, ei[:, mp:]], axis=1)


def _mlp_small_body(alpha_ref, ei_ref, sp_ref, w1_ref, b1_ref, w2_ref,
                    b2_ref, lnw_ref, lnb_ref, out_ref):
    nb = NSEL // BLK
    j = pl.program_id(0)
    e = 3 + j // (2 * nb)
    m = 768 >> e
    ei = ei_ref[...]
    mu = jnp.mean(ei, axis=1, keepdims=True)
    var = jnp.mean((ei - mu) ** 2, axis=1, keepdims=True)
    h = (ei - mu) / jnp.sqrt(var + 1e-5) * lnw_ref[...] + lnb_ref[...]
    col = lax.broadcasted_iota(jnp.int32, (1, 128), 1)
    ext = jnp.where(col < m, h[:, :128], 0.0)
    a = lax.dot_general(ext.astype(jnp.bfloat16), w1_ref[...],
                        dimension_numbers=(((1,), (1,)), ((), ())),
                        preferred_element_type=jnp.float32) + b1_ref[...]
    inner = 0.5 * a * (1.0 + lax.erf(a * 0.7071067811865476))
    outp = lax.dot_general(inner.astype(jnp.bfloat16), w2_ref[...],
                           dimension_numbers=(((1,), (1,)), ((), ())),
                           preferred_element_type=jnp.float32) + b2_ref[...]
    outp = jnp.where(col < m, outp, 0.0)
    lane8 = lax.broadcasted_iota(jnp.int32, (1, NUM_EXPERTS), 1)
    spsel = jnp.sum(jnp.where(lane8 == e, sp_ref[...], 0.0), axis=1,
                    keepdims=True)
    scale = alpha_ref[0, 0] * spsel + 1.0
    out_ref[...] = jnp.concatenate(
        [ei[:, :128] + scale * outp, ei[:, 128:]], axis=1)


def _small_experts_mlp(ei, sp, alpha2d, l1_w, l1_b2d, l2_w, l2_b2d,
                       lnw2d, lnb2d):
    nb = NSEL // BLK

    def rmap(j):
        e = 3 + j // (2 * nb)
        jj = j % (2 * nb)
        return (jnp.where(jj < nb, e * nb + jj,
                          (T_TOK // BLK - nb) + e * nb + jj), 0)

    return pl.pallas_call(
        _mlp_small_body,
        grid=(5 * 2 * nb,),
        in_specs=[
            pl.BlockSpec(memory_space=pltpu.SMEM),
            pl.BlockSpec((BLK, MODEL_DIM), rmap),
            pl.BlockSpec((BLK, NUM_EXPERTS), rmap),
            pl.BlockSpec((INNER, 128), lambda j: (0, 0)),
            pl.BlockSpec((1, INNER), lambda j: (0, 0)),
            pl.BlockSpec((128, INNER), lambda j: (0, 0)),
            pl.BlockSpec((1, 128), lambda j: (0, 0)),
            pl.BlockSpec((1, MODEL_DIM), lambda j: (0, 0)),
            pl.BlockSpec((1, MODEL_DIM), lambda j: (0, 0)),
        ],
        out_specs=pl.BlockSpec((BLK, MODEL_DIM), rmap),
        out_shape=jax.ShapeDtypeStruct((2 * T_TOK, MODEL_DIM), jnp.float32),
        input_output_aliases={1: 0},
    )(alpha2d, ei, sp, l1_w, l1_b2d, l2_w, l2_b2d, lnw2d, lnb2d)


def _expert_mlp(e, ei, sp, alpha2d, l1_w, l1_b2d, l2_w, l2_b2d,
                lnw2d, lnb2d):
    m = MODEL_DIM >> e
    mp = max(128, ((m + 127) // 128) * 128)
    nb = NSEL // BLK

    def rmap(j):
        return (jnp.where(j < nb, e * nb + j,
                          (T_TOK // BLK - nb) + e * nb + j), 0)

    args = [alpha2d, ei, sp, l1_w, l1_b2d, l2_w, l2_b2d, lnw2d, lnb2d]
    in_specs = [
        pl.BlockSpec(memory_space=pltpu.SMEM),
        pl.BlockSpec((BLK, MODEL_DIM), rmap),
        pl.BlockSpec((BLK, NUM_EXPERTS), rmap),
        pl.BlockSpec((INNER, mp), lambda j: (0, 0)),
        pl.BlockSpec((1, INNER), lambda j: (0, 0)),
        pl.BlockSpec((mp, INNER), lambda j: (0, 0)),
        pl.BlockSpec((1, mp), lambda j: (0, 0)),
        pl.BlockSpec((1, MODEL_DIM), lambda j: (0, 0)),
        pl.BlockSpec((1, MODEL_DIM), lambda j: (0, 0)),
    ]
    aliases = {1: 0}
    return pl.pallas_call(
        functools.partial(_mlp_body, e=e, m=m, mp=mp),
        grid=(2 * nb,),
        in_specs=in_specs,
        out_specs=pl.BlockSpec((BLK, MODEL_DIM), rmap),
        out_shape=jax.ShapeDtypeStruct((2 * T_TOK, MODEL_DIM), jnp.float32),
        input_output_aliases=aliases,
    )(*args)


def kernel(x, router_prob, alpha, ln_w, ln_b, l1_w, l1_b, l2_w, l2_b):
    Bb, Tt, d = x.shape
    bits = lax.bitcast_convert_type(
        router_prob.transpose(0, 2, 1), jnp.int32).reshape(
            Bb * NUM_EXPERTS, Tt)
    iota = lax.broadcasted_iota(jnp.int32, bits.shape, 1)
    sk2, order2 = lax.sort((-bits, iota), num_keys=1, is_stable=True)
    perm = _route_scan(order2, sk2, bits)
    permb = perm.reshape(Bb, Tt)

    sps_all = jnp.take_along_axis(router_prob, permb[:, :, None], axis=1)

    alpha2d = jnp.reshape(alpha, (1, 1)).astype(jnp.float32)
    l1_b2d = l1_b.reshape(1, INNER)
    l2_b2d = l2_b.reshape(1, MODEL_DIM)
    lnw2d = ln_w.reshape(1, MODEL_DIM)
    lnb2d = ln_b.reshape(1, MODEL_DIM)

    l1_wb = l1_w.astype(jnp.bfloat16)
    l2_wb = l2_w.astype(jnp.bfloat16)
    eis_all = jnp.take_along_axis(x, permb[:, :, None], axis=1)
    spg = sps_all.reshape(Bb * Tt, NUM_EXPERTS)
    y = eis_all.reshape(Bb * Tt, d)
    for e in range(3):
        y = _expert_mlp(e, y, spg, alpha2d, l1_wb, l1_b2d, l2_wb, l2_b2d,
                        lnw2d, lnb2d)
    y = _small_experts_mlp(y, spg, alpha2d, l1_wb, l1_b2d, l2_wb, l2_b2d,
                           lnw2d, lnb2d)
    return y.reshape(Bb, Tt, d), sps_all

# --- scband reference (transcript-rebuilt; emitter-appended) ---
"""Pipeline reference for scband-nemlp-22806276342192 (READ-ONLY COPY).

The authoritative reference and input builder live on the scoring server;
editing this copy changes nothing except your own understanding.
"""

import jax, jax.numpy as jnp
import numpy as np

MODEL_DIM = 768
NUM_EXPERTS = 8
B, T = 2, 8192
INNER = MODEL_DIM * 4


def setup_inputs(seed: int = 0) -> dict:
    key = jax.random.key(seed)
    ks = jax.random.split(key, 6)
    x = jax.random.normal(ks[0], (B, T, MODEL_DIM), dtype=jnp.float32)
    router_prob = jax.random.uniform(ks[1], (B, T, NUM_EXPERTS), dtype=jnp.float32)
    alpha = jnp.float32(1.0)
    ln_w = jnp.ones((MODEL_DIM,), jnp.float32)
    ln_b = jnp.zeros((MODEL_DIM,), jnp.float32)
    bound1 = 1.0 / np.sqrt(MODEL_DIM)
    l1_w = jax.random.uniform(ks[2], (INNER, MODEL_DIM), jnp.float32, -bound1, bound1)
    l1_b = jax.random.uniform(ks[3], (INNER,), jnp.float32, -bound1, bound1)
    bound2 = 1.0 / np.sqrt(INNER)
    l2_w = jax.random.uniform(ks[4], (MODEL_DIM, INNER), jnp.float32, -bound2, bound2)
    l2_b = jax.random.uniform(ks[5], (MODEL_DIM,), jnp.float32, -bound2, bound2)
    return {"x": x, "router_prob": router_prob, "alpha": alpha, "ln_w": ln_w, "ln_b": ln_b, "l1_w": l1_w, "l1_b": l1_b, "l2_w": l2_w, "l2_b": l2_b}


def _select(raw_rp, x):
    Bb, Tt, E = raw_rp.shape
    n = Tt // E
    rp = raw_rp
    eis, sps = [], []
    brow = jnp.arange(Bb)[:, None]
    for e in range(E):
        _, idx = jax.lax.top_k(rp[:, :, e], n)
        eis.append(jnp.take_along_axis(x, idx[:, :, None], axis=1))
        sps.append(jnp.take_along_axis(raw_rp, idx[:, :, None], axis=1))
        rp = rp.at[brow, idx, :].set(0.0)
    return eis, sps


def _forward(x, router_prob, alpha, ln_w, ln_b, l1_w, l1_b, l2_w, l2_b):
    eis, sps = _select(router_prob, x)
    d = x.shape[-1]
    E = router_prob.shape[-1]
    outs, probs = [], []
    for e in range(E):
        ei = eis[e]
        mu = jnp.mean(ei, axis=-1, keepdims=True)
        var = jnp.mean((ei - mu) ** 2, axis=-1, keepdims=True)
        h = (ei - mu) / jnp.sqrt(var + 1e-5) * ln_w + ln_b
        m = d // (2 ** e)
        ext = h[:, :, :m]
        inner = jax.nn.gelu(ext @ l1_w[:, :m].T + l1_b, approximate=False)
        outp = inner @ l2_w[:m].T + l2_b[:m]
        outp = jnp.pad(outp, ((0, 0), (0, 0), (0, d - m)))
        sp = sps[e]
        scale = (alpha * sp[:, :, e] + 1.0)[:, :, None]
        outs.append(ei + scale * outp)
        probs.append(sp)
    return jnp.concatenate(outs, axis=1), jnp.concatenate(probs, axis=1)


def reference(x, router_prob, alpha, ln_w, ln_b, l1_w, l1_b, l2_w, l2_b):
    return _forward(x, router_prob, alpha, ln_w, ln_b, l1_w, l1_b, l2_w, l2_b)

if __name__ == "__main__":
    import jax
    _d = setup_inputs()
    print(jax.jit(kernel)(*tuple(_d.values())))

</pallas_src>

<mosaic_0001>
#map = affine_map<(d0, d1) -> (0, 0)>
module attributes {stable_mosaic.version = 14 : i64} {
  func.func @_scan_body(%arg0: i32, %arg1: i32, %arg2: memref<16x8192xi32, #tpu.memory_space<hbm>>, %arg3: memref<16x8192xi32, #tpu.memory_space<hbm>>, %arg4: memref<16x8192xi32, #tpu.memory_space<hbm>>, %arg5: memref<16x1024xi32, #tpu.memory_space<hbm>>, %arg6: memref<8192xi32, #tpu.memory_space<vmem>>, %arg7: memref<8192xi32, #tpu.memory_space<vmem>>, %arg8: memref<8192xi32, #tpu.memory_space<vmem>>, %arg9: memref<8192xi32, #tpu.memory_space<vmem>>, %arg10: memref<1040xi32, #tpu.memory_space<vmem>>) attributes {dimension_semantics = [#tpu.dimension_semantics<core_parallel>, #tpu.dimension_semantics<subcore_parallel>], iteration_bounds = array<i64: 2, 16>, scalar_prefetch = 0 : i64, scratch_operands = 5 : i64, tpu.core_type = #tpu.core_type<sc_vector_subcore>, window_params = [{transform_indices = #map}, {transform_indices = #map}, {transform_indices = #map}, {transform_indices = #map}]} {
    %eq3A = arith.constant 0 : i32
    %eq3A_0 = arith.cmpi eq, %arg1, %eq3A : i32
    %convert_element_type3A = arith.extui %eq3A_0 : i1 to i32
    %cond3A = arith.constant 0 : i32
    %cond3A_1 = arith.cmpi ne, %convert_element_type3A, %cond3A : i32
    scf.if %cond3A_1 {
      %broadcast_in_dim3A = arith.constant 0 : i32
      %broadcast_in_dim3A_2 = vector.broadcast %broadcast_in_dim3A : i32 to vector<16xi32>
      %scan3A = arith.constant 0 : i32
      %scan3A_3 = arith.constant 0 : i32
      %scan3A_4 = arith.constant 512 : i32
      %scan3A_5 = arith.addi %scan3A_3, %scan3A_4 : i32
      %scan3A_6 = arith.constant 1 : i32
      scf.for %scan3A_141 = %scan3A_3 to %scan3A_5 step %scan3A_6  : i32 {
        %mul3A_142 = arith.constant 16 : i32
        %mul3A_143 = arith.muli %scan3A_141, %mul3A_142 : i32
        %swap3A = arith.index_cast %mul3A_143 : i32 to index
        %swap3A_144 = tpu.vector_load %arg9[%swap3A] {strides = array<i32>} : memref<8192xi32, #tpu.memory_space<vmem>>, vector<16xi32>,
        tpu.vector_store %arg9[%swap3A], %broadcast_in_dim3A_2 {strides = array<i32>} : memref<8192xi32, #tpu.memory_space<vmem>>, vector<16xi32>,
      }
      %scan3A_7 = arith.constant 512 : i32
      %mul3A = arith.constant 8 : i32
      %mul3A_8 = arith.muli %arg0, %mul3A : i32
      %add3A = arith.constant 0 : i32
      %add3A_9 = arith.addi %mul3A_8, %add3A : i32
      "tpu.region"() ({
        %run_scoped3A = tpu.sem_alloc : memref<!tpu.dma_semaphore, #tpu.memory_space<semaphore_mem>>
        %dma_start3A = arith.constant 0 : i32
        %dma_start3A_141 = tpu.memref_slice %arg2[%add3A_9, %dma_start3A] : memref<16x8192xi32, #tpu.memory_space<hbm>> -> memref<1x8192xi32, #tpu.memory_space<hbm>>
        %dma_start3A_142 = tpu.memref_squeeze %dma_start3A_141 : memref<1x8192xi32, #tpu.memory_space<hbm>> -> memref<8192xi32, #tpu.memory_space<hbm>>
        %dma_start3A_143 = arith.constant 0 : i32
        %dma_start3A_144 = tpu.memref_slice %arg2[%add3A_9, %dma_start3A_143] : memref<16x8192xi32, #tpu.memory_space<hbm>> -> memref<1x8192xi32, #tpu.memory_space<hbm>>
        %dma_start3A_145 = tpu.memref_squeeze %dma_start3A_144 : memref<1x8192xi32, #tpu.memory_space<hbm>> -> memref<8192xi32, #tpu.memory_space<hbm>>
        tpu.enqueue_dma source(%dma_start3A_145 : memref<8192xi32, #tpu.memory_space<hbm>>) target(%arg6 : memref<8192xi32, #tpu.memory_space<vmem>>) target_semaphore(%run_scoped3A : memref<!tpu.dma_semaphore, #tpu.memory_space<semaphore_mem>>)
        %dma_wait3A = arith.constant 0 : i32
        %dma_wait3A_146 = tpu.memref_slice %arg2[%add3A_9, %dma_wait3A] : memref<16x8192xi32, #tpu.memory_space<hbm>> -> memref<1x8192xi32, #tpu.memory_space<hbm>>
        %dma_wait3A_147 = tpu.memref_squeeze %dma_wait3A_146 : memref<1x8192xi32, #tpu.memory_space<hbm>> -> memref<8192xi32, #tpu.memory_space<hbm>>
        %dma_wait3A_148 = arith.constant 0 : i32
        %dma_wait3A_149 = tpu.memref_slice %arg2[%add3A_9, %dma_wait3A_148] : memref<16x8192xi32, #tpu.memory_space<hbm>> -> memref<1x8192xi32, #tpu.memory_space<hbm>>
        %dma_wait3A_150 = tpu.memref_squeeze %dma_wait3A_149 : memref<1x8192xi32, #tpu.memory_space<hbm>> -> memref<8192xi32, #tpu.memory_space<hbm>>
        tpu.wait_dma2 semaphore(%run_scoped3A : memref<!tpu.dma_semaphore, #tpu.memory_space<semaphore_mem>>) src(%dma_wait3A_150 : memref<8192xi32, #tpu.memory_space<hbm>>) dst(%arg6 : memref<8192xi32, #tpu.memory_space<vmem>>)
        tpu.yield
      }) : () -> ()
      "tpu.region"() ({
        %run_scoped3A = tpu.sem_alloc : memref<!tpu.dma_semaphore, #tpu.memory_space<semaphore_mem>>
        %dma_start3A = arith.constant 0 : i32
        %dma_start3A_141 = tpu.memref_slice %arg3[%add3A_9, %dma_start3A] : memref<16x8192xi32, #tpu.memory_space<hbm>> -> memref<1x8192xi32, #tpu.memory_space<hbm>>
        %dma_start3A_142 = tpu.memref_squeeze %dma_start3A_141 : memref<1x8192xi32, #tpu.memory_space<hbm>> -> memref<8192xi32, #tpu.memory_space<hbm>>
        %dma_start3A_143 = arith.constant 0 : i32
        %dma_start3A_144 = tpu.memref_slice %arg3[%add3A_9, %dma_start3A_143] : memref<16x8192xi32, #tpu.memory_space<hbm>> -> memref<1x8192xi32, #tpu.memory_space<hbm>>
        %dma_start3A_145 = tpu.memref_squeeze %dma_start3A_144 : memref<1x8192xi32, #tpu.memory_space<hbm>> -> memref<8192xi32, #tpu.memory_space<hbm>>
        tpu.enqueue_dma source(%dma_start3A_145 : memref<8192xi32, #tpu.memory_space<hbm>>) target(%arg7 : memref<8192xi32, #tpu.memory_space<vmem>>) target_semaphore(%run_scoped3A : memref<!tpu.dma_semaphore, #tpu.memory_space<semaphore_mem>>)
        %dma_wait3A = arith.constant 0 : i32
        %dma_wait3A_146 = tpu.memref_slice %arg3[%add3A_9, %dma_wait3A] : memref<16x8192xi32, #tpu.memory_space<hbm>> -> memref<1x8192xi32, #tpu.memory_space<hbm>>
        %dma_wait3A_147 = tpu.memref_squeeze %dma_wait3A_146 : memref<1x8192xi32, #tpu.memory_space<hbm>> -> memref<8192xi32, #tpu.memory_space<hbm>>
        %dma_wait3A_148 = arith.constant 0 : i32
        %dma_wait3A_149 = tpu.memref_slice %arg3[%add3A_9, %dma_wait3A_148] : memref<16x8192xi32, #tpu.memory_space<hbm>> -> memref<1x8192xi32, #tpu.memory_space<hbm>>
        %dma_wait3A_150 = tpu.memref_squeeze %dma_wait3A_149 : memref<1x8192xi32, #tpu.memory_space<hbm>> -> memref<8192xi32, #tpu.memory_space<hbm>>
        tpu.wait_dma2 semaphore(%run_scoped3A : memref<!tpu.dma_semaphore, #tpu.memory_space<semaphore_mem>>) src(%dma_wait3A_150 : memref<8192xi32, #tpu.memory_space<hbm>>) dst(%arg7 : memref<8192xi32, #tpu.memory_space<vmem>>)
        tpu.yield
      }) : () -> ()
      "tpu.region"() ({
        %run_scoped3A = tpu.sem_alloc : memref<!tpu.dma_semaphore, #tpu.memory_space<semaphore_mem>>
        %dma_start3A = arith.constant 0 : i32
        %dma_start3A_141 = tpu.memref_slice %arg4[%add3A_9, %dma_start3A] : memref<16x8192xi32, #tpu.memory_space<hbm>> -> memref<1x8192xi32, #tpu.memory_space<hbm>>
        %dma_start3A_142 = tpu.memref_squeeze %dma_start3A_141 : memref<1x8192xi32, #tpu.memory_space<hbm>> -> memref<8192xi32, #tpu.memory_space<hbm>>
        %dma_start3A_143 = arith.constant 0 : i32
        %dma_start3A_144 = tpu.memref_slice %arg4[%add3A_9, %dma_start3A_143] : memref<16x8192xi32, #tpu.memory_space<hbm>> -> memref<1x8192xi32, #tpu.memory_space<hbm>>
        %dma_start3A_145 = tpu.memref_squeeze %dma_start3A_144 : memref<1x8192xi32, #tpu.memory_space<hbm>> -> memref<8192xi32, #tpu.memory_space<hbm>>
        tpu.enqueue_dma source(%dma_start3A_145 : memref<8192xi32, #tpu.memory_space<hbm>>) target(%arg8 : memref<8192xi32, #tpu.memory_space<vmem>>) target_semaphore(%run_scoped3A : memref<!tpu.dma_semaphore, #tpu.memory_space<semaphore_mem>>)
        %dma_wait3A = arith.constant 0 : i32
        %dma_wait3A_146 = tpu.memref_slice %arg4[%add3A_9, %dma_wait3A] : memref<16x8192xi32, #tpu.memory_space<hbm>> -> memref<1x8192xi32, #tpu.memory_space<hbm>>
        %dma_wait3A_147 = tpu.memref_squeeze %dma_wait3A_146 : memref<1x8192xi32, #tpu.memory_space<hbm>> -> memref<8192xi32, #tpu.memory_space<hbm>>
        %dma_wait3A_148 = arith.constant 0 : i32
        %dma_wait3A_149 = tpu.memref_slice %arg4[%add3A_9, %dma_wait3A_148] : memref<16x8192xi32, #tpu.memory_space<hbm>> -> memref<1x8192xi32, #tpu.memory_space<hbm>>
        %dma_wait3A_150 = tpu.memref_squeeze %dma_wait3A_149 : memref<1x8192xi32, #tpu.memory_space<hbm>> -> memref<8192xi32, #tpu.memory_space<hbm>>
        tpu.wait_dma2 semaphore(%run_scoped3A : memref<!tpu.dma_semaphore, #tpu.memory_space<semaphore_mem>>) src(%dma_wait3A_150 : memref<8192xi32, #tpu.memory_space<hbm>>) dst(%arg8 : memref<8192xi32, #tpu.memory_space<vmem>>)
        tpu.yield
      }) : () -> ()
      %while3A = arith.constant 0 : i32
      %while3A_10 = arith.constant 0 : i32
      %while3A_11:2 = scf.while (%while3A_141 = %while3A, %while3A_142 = %while3A_10) : (i32, i32) -> (i32, i32) {
        %lt3A = arith.constant 1024 : i32
        %lt3A_143 = arith.cmpi slt, %while3A_141, %lt3A : i32
        %lt3A_144 = arith.constant 512 : i32
        %lt3A_145 = arith.cmpi slt, %while3A_142, %lt3A_144 : i32
        %and3A = arith.andi %lt3A_143, %lt3A_145 : i1
        scf.condition(%and3A) %while3A_141, %while3A_142 : i32, i32
      } do {
      ^bb0(%while3A_141: i32, %while3A_142: i32):
        %mul3A_143 = arith.constant 16 : i32
        %mul3A_144 = arith.muli %while3A_142, %mul3A_143 : i32
        %get3A = arith.index_cast %mul3A_144 : i32 to index
        %get3A_145 = tpu.vector_load %arg6[%get3A] {strides = array<i32>} : memref<8192xi32, #tpu.memory_space<vmem>>, vector<16xi32>,
        %get3A_146 = arith.index_cast %mul3A_144 : i32 to index
        %get3A_147 = tpu.vector_load %arg7[%get3A_146] {strides = array<i32>} : memref<8192xi32, #tpu.memory_space<vmem>>, vector<16xi32>,
        %gather3A = tpu.vector_load_idx %arg9[%get3A_145] : memref<8192xi32, #tpu.memory_space<vmem>>[vector<16xi32>], vector<16xi32>,
        %eq3A_148 = arith.constant 0 : i32
        %eq3A_149 = vector.broadcast %eq3A_148 : i32 to vector<16xi32>
        %eq3A_150 = arith.cmpi eq, %gather3A, %eq3A_149 : vector<16xi32>
        %lt3A = arith.constant 0 : i32
        %lt3A_151 = vector.broadcast %lt3A : i32 to vector<16xi32>
        %lt3A_152 = arith.cmpi slt, %get3A_147, %lt3A_151 : vector<16xi32>
        %and3A = arith.andi %eq3A_150, %lt3A_152 : vector<16xi1>
        %swap3A = arith.index_cast %while3A_141 : i32 to index
        %swap3A_153 = tpu.vector_load %arg10[%swap3A] masked %and3A {strides = array<i32>} : memref<1040xi32, #tpu.memory_space<vmem>>, vector<16xi32>, vector<16xi1>
        tpu.vector_store %arg10[%swap3A], %get3A_145 masked %and3A {strides = array<i32>} : memref<1040xi32, #tpu.memory_space<vmem>>, vector<16xi32>, vector<16xi1>
        %all_reduce_population_count3A = tpu.all_reduce %and3A {dim = 0 : i64, kind = #tpu.reduction_kind<sum>} : vector<16xi1> -> vector<16xi32>
        %slice3A = vector.extract_strided_slice %all_reduce_population_count3A {offsets = [0], sizes = [1], strides = [1]} : vector<16xi32> to vector<1xi32>
        %squeeze3A = vector.extract %slice3A[0] : i32 from vector<1xi32>
        %add3A_154 = arith.addi %while3A_141, %squeeze3A : i32
        %add3A_155 = arith.constant 1 : i32
        %add3A_156 = arith.addi %while3A_142, %add3A_155 : i32
        scf.yield %add3A_154, %add3A_156 : i32, i32
      }
      %while3A_12 = arith.constant 0 : i32
      %while3A_13:2 = scf.while (%while3A_141 = %while3A_11#0, %while3A_142 = %while3A_12) : (i32, i32) -> (i32, i32) {
        %lt3A = arith.constant 1024 : i32
        %lt3A_143 = arith.cmpi slt, %while3A_141, %lt3A : i32
        %lt3A_144 = arith.constant 512 : i32
        %lt3A_145 = arith.cmpi slt, %while3A_142, %lt3A_144 : i32
        %and3A = arith.andi %lt3A_143, %lt3A_145 : i1
        scf.condition(%and3A) %while3A_141, %while3A_142 : i32, i32
      } do {
      ^bb0(%while3A_141: i32, %while3A_142: i32):
        %mul3A_143 = arith.constant 16 : i32
        %mul3A_144 = arith.muli %while3A_142, %mul3A_143 : i32
        %mul3A_145 = arith.constant 16 : i32
        %mul3A_146 = arith.muli %while3A_142, %mul3A_145 : i32
        %iota3A = tpu.iota {dimensions = array<i32: 0>} : vector<16xi32>
        %add3A_147 = vector.broadcast %mul3A_146 : i32 to vector<16xi32>
        %add3A_148 = arith.addi %add3A_147, %iota3A : vector<16xi32>
        %get3A = arith.index_cast %mul3A_144 : i32 to index
        %get3A_149 = tpu.vector_load %arg8[%get3A] {strides = array<i32>} : memref<8192xi32, #tpu.memory_space<vmem>>, vector<16xi32>,
        %eq3A_150 = arith.constant 0 : i32
        %eq3A_151 = vector.broadcast %eq3A_150 : i32 to vector<16xi32>
        %eq3A_152 = arith.cmpi eq, %get3A_149, %eq3A_151 : vector<16xi32>
        %get3A_153 = arith.index_cast %mul3A_144 : i32 to index
        %get3A_154 = tpu.vector_load %arg9[%get3A_153] {strides = array<i32>} : memref<8192xi32, #tpu.memory_space<vmem>>, vector<16xi32>,
        %ge3A = arith.constant 1 : i32
        %ge3A_155 = vector.broadcast %ge3A : i32 to vector<16xi32>
        %ge3A_156 = arith.cmpi sge, %get3A_154, %ge3A_155 : vector<16xi32>
        %le3A = arith.constant 0 : i32
        %le3A_157 = vector.broadcast %le3A : i32 to vector<16xi32>
        %le3A_158 = arith.cmpi sle, %get3A_154, %le3A_157 : vector<16xi32>
        %and3A = arith.andi %ge3A_156, %le3A_158 : vector<16xi1>
        %eq3A_159 = arith.constant 0 : i32
        %eq3A_160 = vector.broadcast %eq3A_159 : i32 to vector<16xi32>
        %eq3A_161 = arith.cmpi eq, %get3A_154, %eq3A_160 : vector<16xi32>
        %and3A_162 = arith.andi %eq3A_152, %eq3A_161 : vector<16xi1>
        %or3A = arith.ori %and3A, %and3A_162 : vector<16xi1>
        %swap3A = arith.index_cast %while3A_141 : i32 to index
        %swap3A_163 = tpu.vector_load %arg10[%swap3A] masked %or3A {strides = array<i32>} : memref<1040xi32, #tpu.memory_space<vmem>>, vector<16xi32>, vector<16xi1>
        tpu.vector_store %arg10[%swap3A], %add3A_148 masked %or3A {strides = array<i32>} : memref<1040xi32, #tpu.memory_space<vmem>>, vector<16xi32>, vector<16xi1>
        %all_reduce_population_count3A = tpu.all_reduce %or3A {dim = 0 : i64, kind = #tpu.reduction_kind<sum>} : vector<16xi1> -> vector<16xi32>
        %slice3A = vector.extract_strided_slice %all_reduce_population_count3A {offsets = [0], sizes = [1], strides = [1]} : vector<16xi32> to vector<1xi32>
        %squeeze3A = vector.extract %slice3A[0] : i32 from vector<1xi32>
        %add3A_164 = arith.addi %while3A_141, %squeeze3A : i32
        %add3A_165 = arith.constant 1 : i32
        %add3A_166 = arith.addi %while3A_142, %add3A_165 : i32
        scf.yield %add3A_164, %add3A_166 : i32, i32
      }
      %broadcast_in_dim3A_14 = arith.constant 1 : i32
      %broadcast_in_dim3A_15 = vector.broadcast %broadcast_in_dim3A_14 : i32 to vector<16xi32>
      %scan3A_16 = arith.constant 0 : i32
      %scan3A_17 = arith.constant 0 : i32
      %scan3A_18 = arith.constant 64 : i32
      %scan3A_19 = arith.addi %scan3A_17, %scan3A_18 : i32
      %scan3A_20 = arith.constant 1 : i32
      scf.for %scan3A_141 = %scan3A_17 to %scan3A_19 step %scan3A_20  : i32 {
        %mul3A_142 = arith.constant 16 : i32
        %mul3A_143 = arith.muli %scan3A_141, %mul3A_142 : i32
        %get3A = arith.index_cast %mul3A_143 : i32 to index
        %get3A_144 = tpu.vector_load %arg10[%get3A] {strides = array<i32>} : memref<1040xi32, #tpu.memory_space<vmem>>, vector<16xi32>,
        tpu.vector_store_idx %arg9[%get3A_144], %broadcast_in_dim3A_15 : memref<8192xi32, #tpu.memory_space<vmem>>[vector<16xi32>], vector<16xi32>,
      }
      %scan3A_21 = arith.constant 64 : i32
      "tpu.region"() ({
        %run_scoped3A = tpu.sem_alloc : memref<!tpu.dma_semaphore, #tpu.memory_space<semaphore_mem>>
        %dma_start3A = arith.constant 0 : i32
        %dma_start3A_141 = tpu.memref_slice %arg10[%dma_start3A] : memref<1040xi32, #tpu.memory_space<vmem>> -> memref<1024xi32, #tpu.memory_space<vmem>>
        %dma_start3A_142 = arith.constant 0 : i32
        %dma_start3A_143 = tpu.memref_slice %arg5[%add3A_9, %dma_start3A_142] : memref<16x1024xi32, #tpu.memory_space<hbm>> -> memref<1x1024xi32, #tpu.memory_space<hbm>>
        %dma_start3A_144 = tpu.memref_squeeze %dma_start3A_143 : memref<1x1024xi32, #tpu.memory_space<hbm>> -> memref<1024xi32, #tpu.memory_space<hbm>>
        %dma_start3A_145 = arith.constant 0 : i32
        %dma_start3A_146 = tpu.memref_slice %arg5[%add3A_9, %dma_start3A_145] : memref<16x1024xi32, #tpu.memory_space<hbm>> -> memref<1x1024xi32, #tpu.memory_space<hbm>>
        %dma_start3A_147 = tpu.memref_squeeze %dma_start3A_146 : memref<1x1024xi32, #tpu.memory_space<hbm>> -> memref<1024xi32, #tpu.memory_space<hbm>>
        %dma_start3A_148 = arith.constant 0 : i32
        %dma_start3A_149 = tpu.memref_slice %arg10[%dma_start3A_148] : memref<1040xi32, #tpu.memory_space<vmem>> -> memref<1024xi32, #tpu.memory_space<vmem>>
        tpu.enqueue_dma source(%dma_start3A_149 : memref<1024xi32, #tpu.memory_space<vmem>>) target(%dma_start3A_147 : memref<1024xi32, #tpu.memory_space<hbm>>) target_semaphore(%run_scoped3A : memref<!tpu.dma_semaphore, #tpu.memory_space<semaphore_mem>>)
        %dma_wait3A = arith.constant 0 : i32
        %dma_wait3A_150 = tpu.memref_slice %arg10[%dma_wait3A] : memref<1040xi32, #tpu.memory_space<vmem>> -> memref<1024xi32, #tpu.memory_space<vmem>>
        %dma_wait3A_151 = arith.constant 0 : i32
        %dma_wait3A_152 = tpu.memref_slice %arg5[%add3A_9, %dma_wait3A_151] : memref<16x1024xi32, #tpu.memory_space<hbm>> -> memref<1x1024xi32, #tpu.memory_space<hbm>>
        %dma_wait3A_153 = tpu.memref_squeeze %dma_wait3A_152 : memref<1x1024xi32, #tpu.memory_space<hbm>> -> memref<1024xi32, #tpu.memory_space<hbm>>
        %dma_wait3A_154 = arith.constant 0 : i32
        %dma_wait3A_155 = tpu.memref_slice %arg5[%add3A_9, %dma_wait3A_154] : memref<16x1024xi32, #tpu.memory_space<hbm>> -> memref<1x1024xi32, #tpu.memory_space<hbm>>
        %dma_wait3A_156 = tpu.memref_squeeze %dma_wait3A_155 : memref<1x1024xi32, #tpu.memory_space<hbm>> -> memref<1024xi32, #tpu.memory_space<hbm>>
        %dma_wait3A_157 = arith.constant 0 : i32
        %dma_wait3A_158 = tpu.memref_slice %arg10[%dma_wait3A_157] : memref<1040xi32, #tpu.memory_space<vmem>> -> memref<1024xi32, #tpu.memory_space<vmem>>
        tpu.wait_dma2 semaphore(%run_scoped3A : memref<!tpu.dma_semaphore, #tpu.memory_space<semaphore_mem>>) src(%dma_wait3A_158 : memref<1024xi32, #tpu.memory_space<vmem>>) dst(%dma_wait3A_156 : memref<1024xi32, #tpu.memory_space<hbm>>)
        tpu.yield
      }) : () -> ()
      %mul3A_22 = arith.constant 8 : i32
      %mul3A_23 = arith.muli %arg0, %mul3A_22 : i32
      %add3A_24 = arith.constant 1 : i32
      %add3A_25 = arith.addi %mul3A_23, %add3A_24 : i32
      "tpu.region"() ({
        %run_scoped3A = tpu.sem_alloc : memref<!tpu.dma_semaphore, #tpu.memory_space<semaphore_mem>>
        %dma_start3A = arith.constant 0 : i32
        %dma_start3A_141 = tpu.memref_slice %arg2[%add3A_25, %dma_start3A] : memref<16x8192xi32, #tpu.memory_space<hbm>> -> memref<1x8192xi32, #tpu.memory_space<hbm>>
        %dma_start3A_142 = tpu.memref_squeeze %dma_start3A_141 : memref<1x8192xi32, #tpu.memory_space<hbm>> -> memref<8192xi32, #tpu.memory_space<hbm>>
        %dma_start3A_143 = arith.constant 0 : i32
        %dma_start3A_144 = tpu.memref_slice %arg2[%add3A_25, %dma_start3A_143] : memref<16x8192xi32, #tpu.memory_space<hbm>> -> memref<1x8192xi32, #tpu.memory_space<hbm>>
        %dma_start3A_145 = tpu.memref_squeeze %dma_start3A_144 : memref<1x8192xi32, #tpu.memory_space<hbm>> -> memref<8192xi32, #tpu.memory_space<hbm>>
        tpu.enqueue_dma source(%dma_start3A_145 : memref<8192xi32, #tpu.memory_space<hbm>>) target(%arg6 : memref<8192xi32, #tpu.memory_space<vmem>>) target_semaphore(%run_scoped3A : memref<!tpu.dma_semaphore, #tpu.memory_space<semaphore_mem>>)
        %dma_wait3A = arith.constant 0 : i32
        %dma_wait3A_146 = tpu.memref_slice %arg2[%add3A_25, %dma_wait3A] : memref<16x8192xi32, #tpu.memory_space<hbm>> -> memref<1x8192xi32, #tpu.memory_space<hbm>>
        %dma_wait3A_147 = tpu.memref_squeeze %dma_wait3A_146 : memref<1x8192xi32, #tpu.memory_space<hbm>> -> memref<8192xi32, #tpu.memory_space<hbm>>
        %dma_wait3A_148 = arith.constant 0 : i32
        %dma_wait3A_149 = tpu.memref_slice %arg2[%add3A_25, %dma_wait3A_148] : memref<16x8192xi32, #tpu.memory_space<hbm>> -> memref<1x8192xi32, #tpu.memory_space<hbm>>
        %dma_wait3A_150 = tpu.memref_squeeze %dma_wait3A_149 : memref<1x8192xi32, #tpu.memory_space<hbm>> -> memref<8192xi32, #tpu.memory_space<hbm>>
        tpu.wait_dma2 semaphore(%run_scoped3A : memref<!tpu.dma_semaphore, #tpu.memory_space<semaphore_mem>>) src(%dma_wait3A_150 : memref<8192xi32, #tpu.memory_space<hbm>>) dst(%arg6 : memref<8192xi32, #tpu.memory_space<vmem>>)
        tpu.yield
      }) : () -> ()
      "tpu.region"() ({
        %run_scoped3A = tpu.sem_alloc : memref<!tpu.dma_semaphore, #tpu.memory_space<semaphore_mem>>
        %dma_start3A = arith.constant 0 : i32
        %dma_start3A_141 = tpu.memref_slice %arg3[%add3A_25, %dma_start3A] : memref<16x8192xi32, #tpu.memory_space<hbm>> -> memref<1x8192xi32, #tpu.memory_space<hbm>>
        %dma_start3A_142 = tpu.memref_squeeze %dma_start3A_141 : memref<1x8192xi32, #tpu.memory_space<hbm>> -> memref<8192xi32, #tpu.memory_space<hbm>>
        %dma_start3A_143 = arith.constant 0 : i32
        %dma_start3A_144 = tpu.memref_slice %arg3[%add3A_25, %dma_start3A_143] : memref<16x8192xi32, #tpu.memory_space<hbm>> -> memref<1x8192xi32, #tpu.memory_space<hbm>>
        %dma_start3A_145 = tpu.memref_squeeze %dma_start3A_144 : memref<1x8192xi32, #tpu.memory_space<hbm>> -> memref<8192xi32, #tpu.memory_space<hbm>>
        tpu.enqueue_dma source(%dma_start3A_145 : memref<8192xi32, #tpu.memory_space<hbm>>) target(%arg7 : memref<8192xi32, #tpu.memory_space<vmem>>) target_semaphore(%run_scoped3A : memref<!tpu.dma_semaphore, #tpu.memory_space<semaphore_mem>>)
        %dma_wait3A = arith.constant 0 : i32
        %dma_wait3A_146 = tpu.memref_slice %arg3[%add3A_25, %dma_wait3A] : memref<16x8192xi32, #tpu.memory_space<hbm>> -> memref<1x8192xi32, #tpu.memory_space<hbm>>
        %dma_wait3A_147 = tpu.memref_squeeze %dma_wait3A_146 : memref<1x8192xi32, #tpu.memory_space<hbm>> -> memref<8192xi32, #tpu.memory_space<hbm>>
        %dma_wait3A_148 = arith.constant 0 : i32
        %dma_wait3A_149 = tpu.memref_slice %arg3[%add3A_25, %dma_wait3A_148] : memref<16x8192xi32, #tpu.memory_space<hbm>> -> memref<1x8192xi32, #tpu.memory_space<hbm>>
        %dma_wait3A_150 = tpu.memref_squeeze %dma_wait3A_149 : memref<1x8192xi32, #tpu.memory_space<hbm>> -> memref<8192xi32, #tpu.memory_space<hbm>>
        tpu.wait_dma2 semaphore(%run_scoped3A : memref<!tpu.dma_semaphore, #tpu.memory_space<semaphore_mem>>) src(%dma_wait3A_150 : memref<8192xi32, #tpu.memory_space<hbm>>) dst(%arg7 : memref<8192xi32, #tpu.memory_space<vmem>>)
        tpu.yield
      }) : () -> ()
      "tpu.region"() ({
        %run_scoped3A = tpu.sem_alloc : memref<!tpu.dma_semaphore, #tpu.memory_space<semaphore_mem>>
        %dma_start3A = arith.constant 0 : i32
        %dma_start3A_141 = tpu.memref_slice %arg4[%add3A_25, %dma_start3A] : memref<16x8192xi32, #tpu.memory_space<hbm>> -> memref<1x8192xi32, #tpu.memory_space<hbm>>
        %dma_start3A_142 = tpu.memref_squeeze %dma_start3A_141 : memref<1x8192xi32, #tpu.memory_space<hbm>> -> memref<8192xi32, #tpu.memory_space<hbm>>
        %dma_start3A_143 = arith.constant 0 : i32
        %dma_start3A_144 = tpu.memref_slice %arg4[%add3A_25, %dma_start3A_143] : memref<16x8192xi32, #tpu.memory_space<hbm>> -> memref<1x8192xi32, #tpu.memory_space<hbm>>
        %dma_start3A_145 = tpu.memref_squeeze %dma_start3A_144 : memref<1x8192xi32, #tpu.memory_space<hbm>> -> memref<8192xi32, #tpu.memory_space<hbm>>
        tpu.enqueue_dma source(%dma_start3A_145 : memref<8192xi32, #tpu.memory_space<hbm>>) target(%arg8 : memref<8192xi32, #tpu.memory_space<vmem>>) target_semaphore(%run_scoped3A : memref<!tpu.dma_semaphore, #tpu.memory_space<semaphore_mem>>)
        %dma_wait3A = arith.constant 0 : i32
        %dma_wait3A_146 = tpu.memref_slice %arg4[%add3A_25, %dma_wait3A] : memref<16x8192xi32, #tpu.memory_space<hbm>> -> memref<1x8192xi32, #tpu.memory_space<hbm>>
        %dma_wait3A_147 = tpu.memref_squeeze %dma_wait3A_146 : memref<1x8192xi32, #tpu.memory_space<hbm>> -> memref<8192xi32, #tpu.memory_space<hbm>>
        %dma_wait3A_148 = arith.constant 0 : i32
        %dma_wait3A_149 = tpu.memref_slice %arg4[%add3A_25, %dma_wait3A_148] : memref<16x8192xi32, #tpu.memory_space<hbm>> -> memref<1x8192xi32, #tpu.memory_space<hbm>>
        %dma_wait3A_150 = tpu.memref_squeeze %dma_wait3A_149 : memref<1x8192xi32, #tpu.memory_space<hbm>> -> memref<8192xi32, #tpu.memory_space<hbm>>
        tpu.wait_dma2 semaphore(%run_scoped3A : memref<!tpu.dma_semaphore, #tpu.memory_space<semaphore_mem>>) src(%dma_wait3A_150 : memref<8192xi32, #tpu.memory_space<hbm>>) dst(%arg8 : memref<8192xi32, #tpu.memory_space<vmem>>)
        tpu.yield
      }) : () -> ()
      %while3A_26 = arith.constant 0 : i32
      %while3A_27 = arith.constant 0 : i32
      %while3A_28:2 = scf.while (%while3A_141 = %while3A_26, %while3A_142 = %while3A_27) : (i32, i32) -> (i32, i32) {
        %lt3A = arith.constant 1024 : i32
        %lt3A_143 = arith.cmpi slt, %while3A_141, %lt3A : i32
        %lt3A_144 = arith.constant 512 : i32
        %lt3A_145 = arith.cmpi slt, %while3A_142, %lt3A_144 : i32
        %and3A = arith.andi %lt3A_143, %lt3A_145 : i1
        scf.condition(%and3A) %while3A_141, %while3A_142 : i32, i32
      } do {
      ^bb0(%while3A_141: i32, %while3A_142: i32):
        %mul3A_143 = arith.constant 16 : i32
        %mul3A_144 = arith.muli %while3A_142, %mul3A_143 : i32
        %get3A = arith.index_cast %mul3A_144 : i32 to index
        %get3A_145 = tpu.vector_load %arg6[%get3A] {strides = array<i32>} : memref<8192xi32, #tpu.memory_space<vmem>>, vector<16xi32>,
        %get3A_146 = arith.index_cast %mul3A_144 : i32 to index
        %get3A_147 = tpu.vector_load %arg7[%get3A_146] {strides = array<i32>} : memref<8192xi32, #tpu.memory_space<vmem>>, vector<16xi32>,
        %gather3A = tpu.vector_load_idx %arg9[%get3A_145] : memref<8192xi32, #tpu.memory_space<vmem>>[vector<16xi32>], vector<16xi32>,
        %eq3A_148 = arith.constant 0 : i32
        %eq3A_149 = vector.broadcast %eq3A_148 : i32 to vector<16xi32>
        %eq3A_150 = arith.cmpi eq, %gather3A, %eq3A_149 : vector<16xi32>
        %lt3A = arith.constant 0 : i32
        %lt3A_151 = vector.broadcast %lt3A : i32 to vector<16xi32>
        %lt3A_152 = arith.cmpi slt, %get3A_147, %lt3A_151 : vector<16xi32>
        %and3A = arith.andi %eq3A_150, %lt3A_152 : vector<16xi1>
        %swap3A = arith.index_cast %while3A_141 : i32 to index
        %swap3A_153 = tpu.vector_load %arg10[%swap3A] masked %and3A {strides = array<i32>} : memref<1040xi32, #tpu.memory_space<vmem>>, vector<16xi32>, vector<16xi1>
        tpu.vector_store %arg10[%swap3A], %get3A_145 masked %and3A {strides = array<i32>} : memref<1040xi32, #tpu.memory_space<vmem>>, vector<16xi32>, vector<16xi1>
        %all_reduce_population_count3A = tpu.all_reduce %and3A {dim = 0 : i64, kind = #tpu.reduction_kind<sum>} : vector<16xi1> -> vector<16xi32>
        %slice3A = vector.extract_strided_slice %all_reduce_population_count3A {offsets = [0], sizes = [1], strides = [1]} : vector<16xi32> to vector<1xi32>
        %squeeze3A = vector.extract %slice3A[0] : i32 from vector<1xi32>
        %add3A_154 = arith.addi %while3A_141, %squeeze3A : i32
        %add3A_155 = arith.constant 1 : i32
        %add3A_156 = arith.addi %while3A_142, %add3A_155 : i32
        scf.yield %add3A_154, %add3A_156 : i32, i32
      }
      %while3A_29 = arith.constant 0 : i32
      %while3A_30:2 = scf.while (%while3A_141 = %while3A_28#0, %while3A_142 = %while3A_29) : (i32, i32) -> (i32, i32) {
        %lt3A = arith.constant 1024 : i32
        %lt3A_143 = arith.cmpi slt, %while3A_141, %lt3A : i32
        %lt3A_144 = arith.constant 512 : i32
        %lt3A_145 = arith.cmpi slt, %while3A_142, %lt3A_144 : i32
        %and3A = arith.andi %lt3A_143, %lt3A_145 : i1
        scf.condition(%and3A) %while3A_141, %while3A_142 : i32, i32
      } do {
      ^bb0(%while3A_141: i32, %while3A_142: i32):
        %mul3A_143 = arith.constant 16 : i32
        %mul3A_144 = arith.muli %while3A_142, %mul3A_143 : i32
        %mul3A_145 = arith.constant 16 : i32
        %mul3A_146 = arith.muli %while3A_142, %mul3A_145 : i32
        %iota3A = tpu.iota {dimensions = array<i32: 0>} : vector<16xi32>
        %add3A_147 = vector.broadcast %mul3A_146 : i32 to vector<16xi32>
        %add3A_148 = arith.addi %add3A_147, %iota3A : vector<16xi32>
        %get3A = arith.index_cast %mul3A_144 : i32 to index
        %get3A_149 = tpu.vector_load %arg8[%get3A] {strides = array<i32>} : memref<8192xi32, #tpu.memory_space<vmem>>, vector<16xi32>,
        %eq3A_150 = arith.constant 0 : i32
        %eq3A_151 = vector.broadcast %eq3A_150 : i32 to vector<16xi32>
        %eq3A_152 = arith.cmpi eq, %get3A_149, %eq3A_151 : vector<16xi32>
        %get3A_153 = arith.index_cast %mul3A_144 : i32 to index
        %get3A_154 = tpu.vector_load %arg9[%get3A_153] {strides = array<i32>} : memref<8192xi32, #tpu.memory_space<vmem>>, vector<16xi32>,
        %ge3A = arith.constant 1 : i32
        %ge3A_155 = vector.broadcast %ge3A : i32 to vector<16xi32>
        %ge3A_156 = arith.cmpi sge, %get3A_154, %ge3A_155 : vector<16xi32>
        %le3A = arith.constant 1 : i32
        %le3A_157 = vector.broadcast %le3A : i32 to vector<16xi32>
        %le3A_158 = arith.cmpi sle, %get3A_154, %le3A_157 : vector<16xi32>
        %and3A = arith.andi %ge3A_156, %le3A_158 : vector<16xi1>
        %eq3A_159 = arith.constant 0 : i32
        %eq3A_160 = vector.broadcast %eq3A_159 : i32 to vector<16xi32>
        %eq3A_161 = arith.cmpi eq, %get3A_154, %eq3A_160 : vector<16xi32>
        %and3A_162 = arith.andi %eq3A_152, %eq3A_161 : vector<16xi1>
        %or3A = arith.ori %and3A, %and3A_162 : vector<16xi1>
        %swap3A = arith.index_cast %while3A_141 : i32 to index
        %swap3A_163 = tpu.vector_load %arg10[%swap3A] masked %or3A {strides = array<i32>} : memref<1040xi32, #tpu.memory_space<vmem>>, vector<16xi32>, vector<16xi1>
        tpu.vector_store %arg10[%swap3A], %add3A_148 masked %or3A {strides = array<i32>} : memref<1040xi32, #tpu.memory_space<vmem>>, vector<16xi32>, vector<16xi1>
        %all_reduce_population_count3A = tpu.all_reduce %or3A {dim = 0 : i64, kind = #tpu.reduction_kind<sum>} : vector<16xi1> -> vector<16xi32>
        %slice3A = vector.extract_strided_slice %all_reduce_population_count3A {offsets = [0], sizes = [1], strides = [1]} : vector<16xi32> to vector<1xi32>
        %squeeze3A = vector.extract %slice3A[0] : i32 from vector<1xi32>
        %add3A_164 = arith.addi %while3A_141, %squeeze3A : i32
        %add3A_165 = arith.constant 1 : i32
        %add3A_166 = arith.addi %while3A_142, %add3A_165 : i32
        scf.yield %add3A_164, %add3A_166 : i32, i32
      }
      %broadcast_in_dim3A_31 = arith.constant 2 : i32
      %broadcast_in_dim3A_32 = vector.broadcast %broadcast_in_dim3A_31 : i32 to vector<16xi32>
      %scan3A_33 = arith.constant 0 : i32
      %scan3A_34 = arith.constant 0 : i32
      %scan3A_35 = arith.constant 64 : i32
      %scan3A_36 = arith.addi %scan3A_34, %scan3A_35 : i32
      %scan3A_37 = arith.constant 1 : i32
      scf.for %scan3A_141 = %scan3A_34 to %scan3A_36 step %scan3A_37  : i32 {
        %mul3A_142 = arith.constant 16 : i32
        %mul3A_143 = arith.muli %scan3A_141, %mul3A_142 : i32
        %get3A = arith.index_cast %mul3A_143 : i32 to index
        %get3A_144 = tpu.vector_load %arg10[%get3A] {strides = array<i32>} : memref<1040xi32, #tpu.memory_space<vmem>>, vector<16xi32>,
        tpu.vector_store_idx %arg9[%get3A_144], %broadcast_in_dim3A_32 : memref<8192xi32, #tpu.memory_space<vmem>>[vector<16xi32>], vector<16xi32>,
      }
      %scan3A_38 = arith.constant 64 : i32
      "tpu.region"() ({
        %run_scoped3A = tpu.sem_alloc : memref<!tpu.dma_semaphore, #tpu.memory_space<semaphore_mem>>
        %dma_start3A = arith.constant 0 : i32
        %dma_start3A_141 = tpu.memref_slice %arg10[%dma_start3A] : memref<1040xi32, #tpu.memory_space<vmem>> -> memref<1024xi32, #tpu.memory_space<vmem>>
        %dma_start3A_142 = arith.constant 0 : i32
        %dma_start3A_143 = tpu.memref_slice %arg5[%add3A_25, %dma_start3A_142] : memref<16x1024xi32, #tpu.memory_space<hbm>> -> memref<1x1024xi32, #tpu.memory_space<hbm>>
        %dma_start3A_144 = tpu.memref_squeeze %dma_start3A_143 : memref<1x1024xi32, #tpu.memory_space<hbm>> -> memref<1024xi32, #tpu.memory_space<hbm>>
        %dma_start3A_145 = arith.constant 0 : i32
        %dma_start3A_146 = tpu.memref_slice %arg5[%add3A_25, %dma_start3A_145] : memref<16x1024xi32, #tpu.memory_space<hbm>> -> memref<1x1024xi32, #tpu.memory_space<hbm>>
        %dma_start3A_147 = tpu.memref_squeeze %dma_start3A_146 : memref<1x1024xi32, #tpu.memory_space<hbm>> -> memref<1024xi32, #tpu.memory_space<hbm>>
        %dma_start3A_148 = arith.constant 0 : i32
        %dma_start3A_149 = tpu.memref_slice %arg10[%dma_start3A_148] : memref<1040xi32, #tpu.memory_space<vmem>> -> memref<1024xi32, #tpu.memory_space<vmem>>
        tpu.enqueue_dma source(%dma_start3A_149 : memref<1024xi32, #tpu.memory_space<vmem>>) target(%dma_start3A_147 : memref<1024xi32, #tpu.memory_space<hbm>>) target_semaphore(%run_scoped3A : memref<!tpu.dma_semaphore, #tpu.memory_space<semaphore_mem>>)
        %dma_wait3A = arith.constant 0 : i32
        %dma_wait3A_150 = tpu.memref_slice %arg10[%dma_wait3A] : memref<1040xi32, #tpu.memory_space<vmem>> -> memref<1024xi32, #tpu.memory_space<vmem>>
        %dma_wait3A_151 = arith.constant 0 : i32
        %dma_wait3A_152 = tpu.memref_slice %arg5[%add3A_25, %dma_wait3A_151] : memref<16x1024xi32, #tpu.memory_space<hbm>> -> memref<1x1024xi32, #tpu.memory_space<hbm>>
        %dma_wait3A_153 = tpu.memref_squeeze %dma_wait3A_152 : memref<1x1024xi32, #tpu.memory_space<hbm>> -> memref<1024xi32, #tpu.memory_space<hbm>>
        %dma_wait3A_154 = arith.constant 0 : i32
        %dma_wait3A_155 = tpu.memref_slice %arg5[%add3A_25, %dma_wait3A_154] : memref<16x1024xi32, #tpu.memory_space<hbm>> -> memref<1x1024xi32, #tpu.memory_space<hbm>>
        %dma_wait3A_156 = tpu.memref_squeeze %dma_wait3A_155 : memref<1x1024xi32, #tpu.memory_space<hbm>> -> memref<1024xi32, #tpu.memory_space<hbm>>
        %dma_wait3A_157 = arith.constant 0 : i32
        %dma_wait3A_158 = tpu.memref_slice %arg10[%dma_wait3A_157] : memref<1040xi32, #tpu.memory_space<vmem>> -> memref<1024xi32, #tpu.memory_space<vmem>>
        tpu.wait_dma2 semaphore(%run_scoped3A : memref<!tpu.dma_semaphore, #tpu.memory_space<semaphore_mem>>) src(%dma_wait3A_158 : memref<1024xi32, #tpu.memory_space<vmem>>) dst(%dma_wait3A_156 : memref<1024xi32, #tpu.memory_space<hbm>>)
        tpu.yield
      }) : () -> ()
      %mul3A_39 = arith.constant 8 : i32
      %mul3A_40 = arith.muli %arg0, %mul3A_39 : i32
      %add3A_41 = arith.constant 2 : i32
      %add3A_42 = arith.addi %mul3A_40, %add3A_41 : i32
      "tpu.region"() ({
        %run_scoped3A = tpu.sem_alloc : memref<!tpu.dma_semaphore, #tpu.memory_space<semaphore_mem>>
        %dma_start3A = arith.constant 0 : i32
        %dma_start3A_141 = tpu.memref_slice %arg2[%add3A_42, %dma_start3A] : memref<16x8192xi32, #tpu.memory_space<hbm>> -> memref<1x8192xi32, #tpu.memory_space<hbm>>
        %dma_start3A_142 = tpu.memref_squeeze %dma_start3A_141 : memref<1x8192xi32, #tpu.memory_space<hbm>> -> memref<8192xi32, #tpu.memory_space<hbm>>
        %dma_start3A_143 = arith.constant 0 : i32
        %dma_start3A_144 = tpu.memref_slice %arg2[%add3A_42, %dma_start3A_143] : memref<16x8192xi32, #tpu.memory_space<hbm>> -> memref<1x8192xi32, #tpu.memory_space<hbm>>
        %dma_start3A_145 = tpu.memref_squeeze %dma_start3A_144 : memref<1x8192xi32, #tpu.memory_space<hbm>> -> memref<8192xi32, #tpu.memory_space<hbm>>
        tpu.enqueue_dma source(%dma_start3A_145 : memref<8192xi32, #tpu.memory_space<hbm>>) target(%arg6 : memref<8192xi32, #tpu.memory_space<vmem>>) target_semaphore(%run_scoped3A : memref<!tpu.dma_semaphore, #tpu.memory_space<semaphore_mem>>)
        %dma_wait3A = arith.constant 0 : i32
        %dma_wait3A_146 = tpu.memref_slice %arg2[%add3A_42, %dma_wait3A] : memref<16x8192xi32, #tpu.memory_space<hbm>> -> memref<1x8192xi32, #tpu.memory_space<hbm>>
        %dma_wait3A_147 = tpu.memref_squeeze %dma_wait3A_146 : memref<1x8192xi32, #tpu.memory_space<hbm>> -> memref<8192xi32, #tpu.memory_space<hbm>>
        %dma_wait3A_148 = arith.constant 0 : i32
        %dma_wait3A_149 = tpu.memref_slice %arg2[%add3A_42, %dma_wait3A_148] : memref<16x8192xi32, #tpu.memory_space<hbm>> -> memref<1x8192xi32, #tpu.memory_space<hbm>>
        %dma_wait3A_150 = tpu.memref_squeeze %dma_wait3A_149 : memref<1x8192xi32, #tpu.memory_space<hbm>> -> memref<8192xi32, #tpu.memory_space<hbm>>
        tpu.wait_dma2 semaphore(%run_scoped3A : memref<!tpu.dma_semaphore, #tpu.memory_space<semaphore_mem>>) src(%dma_wait3A_150 : memref<8192xi32, #tpu.memory_space<hbm>>) dst(%arg6 : memref<8192xi32, #tpu.memory_space<vmem>>)
        tpu.yield
      }) : () -> ()
      "tpu.region"() ({
        %run_scoped3A = tpu.sem_alloc : memref<!tpu.dma_semaphore, #tpu.memory_space<semaphore_mem>>
        %dma_start3A = arith.constant 0 : i32
        %dma_start3A_141 = tpu.memref_slice %arg3[%add3A_42, %dma_start3A] : memref<16x8192xi32, #tpu.memory_space<hbm>> -> memref<1x8192xi32, #tpu.memory_space<hbm>>
        %dma_start3A_142 = tpu.memref_squeeze %dma_start3A_141 : memref<1x8192xi32, #tpu.memory_space<hbm>> -> memref<8192xi32, #tpu.memory_space<hbm>>
        %dma_start3A_143 = arith.constant 0 : i32
        %dma_start3A_144 = tpu.memref_slice %arg3[%add3A_42, %dma_start3A_143] : memref<16x8192xi32, #tpu.memory_space<hbm>> -> memref<1x8192xi32, #tpu.memory_space<hbm>>
        %dma_start3A_145 = tpu.memref_squeeze %dma_start3A_144 : memref<1x8192xi32, #tpu.memory_space<hbm>> -> memref<8192xi32, #tpu.memory_space<hbm>>
        tpu.enqueue_dma source(%dma_start3A_145 : memref<8192xi32, #tpu.memory_space<hbm>>) target(%arg7 : memref<8192xi32, #tpu.memory_space<vmem>>) target_semaphore(%run_scoped3A : memref<!tpu.dma_semaphore, #tpu.memory_space<semaphore_mem>>)
        %dma_wait3A = arith.constant 0 : i32
        %dma_wait3A_146 = tpu.memref_slice %arg3[%add3A_42, %dma_wait3A] : memref<16x8192xi32, #tpu.memory_space<hbm>> -> memref<1x8192xi32, #tpu.memory_space<hbm>>
        %dma_wait3A_147 = tpu.memref_squeeze %dma_wait3A_146 : memref<1x8192xi32, #tpu.memory_space<hbm>> -> memref<8192xi32, #tpu.memory_space<hbm>>
        %dma_wait3A_148 = arith.constant 0 : i32
        %dma_wait3A_149 = tpu.memref_slice %arg3[%add3A_42, %dma_wait3A_148] : memref<16x8192xi32, #tpu.memory_space<hbm>> -> memref<1x8192xi32, #tpu.memory_space<hbm>>
        %dma_wait3A_150 = tpu.memref_squeeze %dma_wait3A_149 : memref<1x8192xi32, #tpu.memory_space<hbm>> -> memref<8192xi32, #tpu.memory_space<hbm>>
        tpu.wait_dma2 semaphore(%run_scoped3A : memref<!tpu.dma_semaphore, #tpu.memory_space<semaphore_mem>>) src(%dma_wait3A_150 : memref<8192xi32, #tpu.memory_space<hbm>>) dst(%arg7 : memref<8192xi32, #tpu.memory_space<vmem>>)
        tpu.yield
      }) : () -> ()
      "tpu.region"() ({
        %run_scoped3A = tpu.sem_alloc : memref<!tpu.dma_semaphore, #tpu.memory_space<semaphore_mem>>
        %dma_start3A = arith.constant 0 : i32
        %dma_start3A_141 = tpu.memref_slice %arg4[%add3A_42, %dma_start3A] : memref<16x8192xi32, #tpu.memory_space<hbm>> -> memref<1x8192xi32, #tpu.memory_space<hbm>>
        %dma_start3A_142 = tpu.memref_squeeze %dma_start3A_141 : memref<1x8192xi32, #tpu.memory_space<hbm>> -> memref<8192xi32, #tpu.memory_space<hbm>>
        %dma_start3A_143 = arith.constant 0 : i32
        %dma_start3A_144 = tpu.memref_slice %arg4[%add3A_42, %dma_start3A_143] : memref<16x8192xi32, #tpu.memory_space<hbm>> -> memref<1x8192xi32, #tpu.memory_space<hbm>>
        %dma_start3A_145 = tpu.memref_squeeze %dma_start3A_144 : memref<1x8192xi32, #tpu.memory_space<hbm>> -> memref<8192xi32, #tpu.memory_space<hbm>>
        tpu.enqueue_dma source(%dma_start3A_145 : memref<8192xi32, #tpu.memory_space<hbm>>) target(%arg8 : memref<8192xi32, #tpu.memory_space<vmem>>) target_semaphore(%run_scoped3A : memref<!tpu.dma_semaphore, #tpu.memory_space<semaphore_mem>>)
        %dma_wait3A = arith.constant 0 : i32
        %dma_wait3A_146 = tpu.memref_slice %arg4[%add3A_42, %dma_wait3A] : memref<16x8192xi32, #tpu.memory_space<hbm>> -> memref<1x8192xi32, #tpu.memory_space<hbm>>
        %dma_wait3A_147 = tpu.memref_squeeze %dma_wait3A_146 : memref<1x8192xi32, #tpu.memory_space<hbm>> -> memref<8192xi32, #tpu.memory_space<hbm>>
        %dma_wait3A_148 = arith.constant 0 : i32
        %dma_wait3A_149 = tpu.memref_slice %arg4[%add3A_42, %dma_wait3A_148] : memref<16x8192xi32, #tpu.memory_space<hbm>> -> memref<1x8192xi32, #tpu.memory_space<hbm>>
        %dma_wait3A_150 = tpu.memref_squeeze %dma_wait3A_149 : memref<1x8192xi32, #tpu.memory_space<hbm>> -> memref<8192xi32, #tpu.memory_space<hbm>>
        tpu.wait_dma2 semaphore(%run_scoped3A : memref<!tpu.dma_semaphore, #tpu.memory_space<semaphore_mem>>) src(%dma_wait3A_150 : memref<8192xi32, #tpu.memory_space<hbm>>) dst(%arg8 : memref<8192xi32, #tpu.memory_space<vmem>>)
        tpu.yield
      }) : () -> ()
      %while3A_43 = arith.constant 0 : i32
      %while3A_44 = arith.constant 0 : i32
      %while3A_45:2 = scf.while (%while3A_141 = %while3A_43, %while3A_142 = %while3A_44) : (i32, i32) -> (i32, i32) {
        %lt3A = arith.constant 1024 : i32
        %lt3A_143 = arith.cmpi slt, %while3A_141, %lt3A : i32
        %lt3A_144 = arith.constant 512 : i32
        %lt3A_145 = arith.cmpi slt, %while3A_142, %lt3A_144 : i32
        %and3A = arith.andi %lt3A_143, %lt3A_145 : i1
        scf.condition(%and3A) %while3A_141, %while3A_142 : i32, i32
      } do {
      ^bb0(%while3A_141: i32, %while3A_142: i32):
        %mul3A_143 = arith.constant 16 : i32
        %mul3A_144 = arith.muli %while3A_142, %mul3A_143 : i32
        %get3A = arith.index_cast %mul3A_144 : i32 to index
        %get3A_145 = tpu.vector_load %arg6[%get3A] {strides = array<i32>} : memref<8192xi32, #tpu.memory_space<vmem>>, vector<16xi32>,
        %get3A_146 = arith.index_cast %mul3A_144 : i32 to index
        %get3A_147 = tpu.vector_load %arg7[%get3A_146] {strides = array<i32>} : memref<8192xi32, #tpu.memory_space<vmem>>, vector<16xi32>,
        %gather3A = tpu.vector_load_idx %arg9[%get3A_145] : memref<8192xi32, #tpu.memory_space<vmem>>[vector<16xi32>], vector<16xi32>,
        %eq3A_148 = arith.constant 0 : i32
        %eq3A_149 = vector.broadcast %eq3A_148 : i32 to vector<16xi32>
        %eq3A_150 = arith.cmpi eq, %gather3A, %eq3A_149 : vector<16xi32>
        %lt3A = arith.constant 0 : i32
        %lt3A_151 = vector.broadcast %lt3A : i32 to vector<16xi32>
        %lt3A_152 = arith.cmpi slt, %get3A_147, %lt3A_151 : vector<16xi32>
        %and3A = arith.andi %eq3A_150, %lt3A_152 : vector<16xi1>
        %swap3A = arith.index_cast %while3A_141 : i32 to index
        %swap3A_153 = tpu.vector_load %arg10[%swap3A] masked %and3A {strides = array<i32>} : memref<1040xi32, #tpu.memory_space<vmem>>, vector<16xi32>, vector<16xi1>
        tpu.vector_store %arg10[%swap3A], %get3A_145 masked %and3A {strides = array<i32>} : memref<1040xi32, #tpu.memory_space<vmem>>, vector<16xi32>, vector<16xi1>
        %all_reduce_population_count3A = tpu.all_reduce %and3A {dim = 0 : i64, kind = #tpu.reduction_kind<sum>} : vector<16xi1> -> vector<16xi32>
        %slice3A = vector.extract_strided_slice %all_reduce_population_count3A {offsets = [0], sizes = [1], strides = [1]} : vector<16xi32> to vector<1xi32>
        %squeeze3A = vector.extract %slice3A[0] : i32 from vector<1xi32>
        %add3A_154 = arith.addi %while3A_141, %squeeze3A : i32
        %add3A_155 = arith.constant 1 : i32
        %add3A_156 = arith.addi %while3A_142, %add3A_155 : i32
        scf.yield %add3A_154, %add3A_156 : i32, i32
      }
      %while3A_46 = arith.constant 0 : i32
      %while3A_47:2 = scf.while (%while3A_141 = %while3A_45#0, %while3A_142 = %while3A_46) : (i32, i32) -> (i32, i32) {
        %lt3A = arith.constant 1024 : i32
        %lt3A_143 = arith.cmpi slt, %while3A_141, %lt3A : i32
        %lt3A_144 = arith.constant 512 : i32
        %lt3A_145 = arith.cmpi slt, %while3A_142, %lt3A_144 : i32
        %and3A = arith.andi %lt3A_143, %lt3A_145 : i1
        scf.condition(%and3A) %while3A_141, %while3A_142 : i32, i32
      } do {
      ^bb0(%while3A_141: i32, %while3A_142: i32):
        %mul3A_143 = arith.constant 16 : i32
        %mul3A_144 = arith.muli %while3A_142, %mul3A_143 : i32
        %mul3A_145 = arith.constant 16 : i32
        %mul3A_146 = arith.muli %while3A_142, %mul3A_145 : i32
        %iota3A = tpu.iota {dimensions = array<i32: 0>} : vector<16xi32>
        %add3A_147 = vector.broadcast %mul3A_146 : i32 to vector<16xi32>
        %add3A_148 = arith.addi %add3A_147, %iota3A : vector<16xi32>
        %get3A = arith.index_cast %mul3A_144 : i32 to index
        %get3A_149 = tpu.vector_load %arg8[%get3A] {strides = array<i32>} : memref<8192xi32, #tpu.memory_space<vmem>>, vector<16xi32>,
        %eq3A_150 = arith.constant 0 : i32
        %eq3A_151 = vector.broadcast %eq3A_150 : i32 to vector<16xi32>
        %eq3A_152 = arith.cmpi eq, %get3A_149, %eq3A_151 : vector<16xi32>
        %get3A_153 = arith.index_cast %mul3A_144 : i32 to index
        %get3A_154 = tpu.vector_load %arg9[%get3A_153] {strides = array<i32>} : memref<8192xi32, #tpu.memory_space<vmem>>, vector<16xi32>,
        %ge3A = arith.constant 1 : i32
        %ge3A_155 = vector.broadcast %ge3A : i32 to vector<16xi32>
        %ge3A_156 = arith.cmpi sge, %get3A_154, %ge3A_155 : vector<16xi32>
        %le3A = arith.constant 2 : i32
        %le3A_157 = vector.broadcast %le3A : i32 to vector<16xi32>
        %le3A_158 = arith.cmpi sle, %get3A_154, %le3A_157 : vector<16xi32>
        %and3A = arith.andi %ge3A_156, %le3A_158 : vector<16xi1>
        %eq3A_159 = arith.constant 0 : i32
        %eq3A_160 = vector.broadcast %eq3A_159 : i32 to vector<16xi32>
        %eq3A_161 = arith.cmpi eq, %get3A_154, %eq3A_160 : vector<16xi32>
        %and3A_162 = arith.andi %eq3A_152, %eq3A_161 : vector<16xi1>
        %or3A = arith.ori %and3A, %and3A_162 : vector<16xi1>
        %swap3A = arith.index_cast %while3A_141 : i32 to index
        %swap3A_163 = tpu.vector_load %arg10[%swap3A] masked %or3A {strides = array<i32>} : memref<1040xi32, #tpu.memory_space<vmem>>, vector<16xi32>, vector<16xi1>
        tpu.vector_store %arg10[%swap3A], %add3A_148 masked %or3A {strides = array<i32>} : memref<1040xi32, #tpu.memory_space<vmem>>, vector<16xi32>, vector<16xi1>
        %all_reduce_population_count3A = tpu.all_reduce %or3A {dim = 0 : i64, kind = #tpu.reduction_kind<sum>} : vector<16xi1> -> vector<16xi32>
        %slice3A = vector.extract_strided_slice %all_reduce_population_count3A {offsets = [0], sizes = [1], strides = [1]} : vector<16xi32> to vector<1xi32>
        %squeeze3A = vector.extract %slice3A[0] : i32 from vector<1xi32>
        %add3A_164 = arith.addi %while3A_141, %squeeze3A : i32
        %add3A_165 = arith.constant 1 : i32
        %add3A_166 = arith.addi %while3A_142, %add3A_165 : i32
        scf.yield %add3A_164, %add3A_166 : i32, i32
      }
      %broadcast_in_dim3A_48 = arith.constant 3 : i32
      %broadcast_in_dim3A_49 = vector.broadcast %broadcast_in_dim3A_48 : i32 to vector<16xi32>
      %scan3A_50 = arith.constant 0 : i32
      %scan3A_51 = arith.constant 0 : i32
      %scan3A_52 = arith.constant 64 : i32
      %scan3A_53 = arith.addi %scan3A_51, %scan3A_52 : i32
      %scan3A_54 = arith.constant 1 : i32
      scf.for %scan3A_141 = %scan3A_51 to %scan3A_53 step %scan3A_54  : i32 {
        %mul3A_142 = arith.constant 16 : i32
        %mul3A_143 = arith.muli %scan3A_141, %mul3A_142 : i32
        %get3A = arith.index_cast %mul3A_143 : i32 to index
        %get3A_144 = tpu.vector_load %arg10[%get3A] {strides = array<i32>} : memref<1040xi32, #tpu.memory_space<vmem>>, vector<16xi32>,
        tpu.vector_store_idx %arg9[%get3A_144], %broadcast_in_dim3A_49 : memref<8192xi32, #tpu.memory_space<vmem>>[vector<16xi32>], vector<16xi32>,
      }
      %scan3A_55 = arith.constant 64 : i32
      "tpu.region"() ({
        %run_scoped3A = tpu.sem_alloc : memref<!tpu.dma_semaphore, #tpu.memory_space<semaphore_mem>>
        %dma_start3A = arith.constant 0 : i32
        %dma_start3A_141 = tpu.memref_slice %arg10[%dma_start3A] : memref<1040xi32, #tpu.memory_space<vmem>> -> memref<1024xi32, #tpu.memory_space<vmem>>
        %dma_start3A_142 = arith.constant 0 : i32
        %dma_start3A_143 = tpu.memref_slice %arg5[%add3A_42, %dma_start3A_142] : memref<16x1024xi32, #tpu.memory_space<hbm>> -> memref<1x1024xi32, #tpu.memory_space<hbm>>
        %dma_start3A_144 = tpu.memref_squeeze %dma_start3A_143 : memref<1x1024xi32, #tpu.memory_space<hbm>> -> memref<1024xi32, #tpu.memory_space<hbm>>
        %dma_start3A_145 = arith.constant 0 : i32
        %dma_start3A_146 = tpu.memref_slice %arg5[%add3A_42, %dma_start3A_145] : memref<16x1024xi32, #tpu.memory_space<hbm>> -> memref<1x1024xi32, #tpu.memory_space<hbm>>
        %dma_start3A_147 = tpu.memref_squeeze %dma_start3A_146 : memref<1x1024xi32, #tpu.memory_space<hbm>> -> memref<1024xi32, #tpu.memory_space<hbm>>
        %dma_start3A_148 = arith.constant 0 : i32
        %dma_start3A_149 = tpu.memref_slice %arg10[%dma_start3A_148] : memref<1040xi32, #tpu.memory_space<vmem>> -> memref<1024xi32, #tpu.memory_space<vmem>>
        tpu.enqueue_dma source(%dma_start3A_149 : memref<1024xi32, #tpu.memory_space<vmem>>) target(%dma_start3A_147 : memref<1024xi32, #tpu.memory_space<hbm>>) target_semaphore(%run_scoped3A : memref<!tpu.dma_semaphore, #tpu.memory_space<semaphore_mem>>)
        %dma_wait3A = arith.constant 0 : i32
        %dma_wait3A_150 = tpu.memref_slice %arg10[%dma_wait3A] : memref<1040xi32, #tpu.memory_space<vmem>> -> memref<1024xi32, #tpu.memory_space<vmem>>
        %dma_wait3A_151 = arith.constant 0 : i32
        %dma_wait3A_152 = tpu.memref_slice %arg5[%add3A_42, %dma_wait3A_151] : memref<16x1024xi32, #tpu.memory_space<hbm>> -> memref<1x1024xi32, #tpu.memory_space<hbm>>
        %dma_wait3A_153 = tpu.memref_squeeze %dma_wait3A_152 : memref<1x1024xi32, #tpu.memory_space<hbm>> -> memref<1024xi32, #tpu.memory_space<hbm>>
        %dma_wait3A_154 = arith.constant 0 : i32
        %dma_wait3A_155 = tpu.memref_slice %arg5[%add3A_42, %dma_wait3A_154] : memref<16x1024xi32, #tpu.memory_space<hbm>> -> memref<1x1024xi32, #tpu.memory_space<hbm>>
        %dma_wait3A_156 = tpu.memref_squeeze %dma_wait3A_155 : memref<1x1024xi32, #tpu.memory_space<hbm>> -> memref<1024xi32, #tpu.memory_space<hbm>>
        %dma_wait3A_157 = arith.constant 0 : i32
        %dma_wait3A_158 = tpu.memref_slice %arg10[%dma_wait3A_157] : memref<1040xi32, #tpu.memory_space<vmem>> -> memref<1024xi32, #tpu.memory_space<vmem>>
        tpu.wait_dma2 semaphore(%run_scoped3A : memref<!tpu.dma_semaphore, #tpu.memory_space<semaphore_mem>>) src(%dma_wait3A_158 : memref<1024xi32, #tpu.memory_space<vmem>>) dst(%dma_wait3A_156 : memref<1024xi32, #tpu.memory_space<hbm>>)
        tpu.yield
      }) : () -> ()
      %mul3A_56 = arith.constant 8 : i32
      %mul3A_57 = arith.muli %arg0, %mul3A_56 : i32
      %add3A_58 = arith.constant 3 : i32
      %add3A_59 = arith.addi %mul3A_57, %add3A_58 : i32
      "tpu.region"() ({
        %run_scoped3A = tpu.sem_alloc : memref<!tpu.dma_semaphore, #tpu.memory_space<semaphore_mem>>
        %dma_start3A = arith.constant 0 : i32
        %dma_start3A_141 = tpu.memref_slice %arg2[%add3A_59, %dma_start3A] : memref<16x8192xi32, #tpu.memory_space<hbm>> -> memref<1x8192xi32, #tpu.memory_space<hbm>>
        %dma_start3A_142 = tpu.memref_squeeze %dma_start3A_141 : memref<1x8192xi32, #tpu.memory_space<hbm>> -> memref<8192xi32, #tpu.memory_space<hbm>>
        %dma_start3A_143 = arith.constant 0 : i32
        %dma_start3A_144 = tpu.memref_slice %arg2[%add3A_59, %dma_start3A_143] : memref<16x8192xi32, #tpu.memory_space<hbm>> -> memref<1x8192xi32, #tpu.memory_space<hbm>>
        %dma_start3A_145 = tpu.memref_squeeze %dma_start3A_144 : memref<1x8192xi32, #tpu.memory_space<hbm>> -> memref<8192xi32, #tpu.memory_space<hbm>>
        tpu.enqueue_dma source(%dma_start3A_145 : memref<8192xi32, #tpu.memory_space<hbm>>) target(%arg6 : memref<8192xi32, #tpu.memory_space<vmem>>) target_semaphore(%run_scoped3A : memref<!tpu.dma_semaphore, #tpu.memory_space<semaphore_mem>>)
        %dma_wait3A = arith.constant 0 : i32
        %dma_wait3A_146 = tpu.memref_slice %arg2[%add3A_59, %dma_wait3A] : memref<16x8192xi32, #tpu.memory_space<hbm>> -> memref<1x8192xi32, #tpu.memory_space<hbm>>
        %dma_wait3A_147 = tpu.memref_squeeze %dma_wait3A_146 : memref<1x8192xi32, #tpu.memory_space<hbm>> -> memref<8192xi32, #tpu.memory_space<hbm>>
        %dma_wait3A_148 = arith.constant 0 : i32
        %dma_wait3A_149 = tpu.memref_slice %arg2[%add3A_59, %dma_wait3A_148] : memref<16x8192xi32, #tpu.memory_space<hbm>> -> memref<1x8192xi32, #tpu.memory_space<hbm>>
        %dma_wait3A_150 = tpu.memref_squeeze %dma_wait3A_149 : memref<1x8192xi32, #tpu.memory_space<hbm>> -> memref<8192xi32, #tpu.memory_space<hbm>>
        tpu.wait_dma2 semaphore(%run_scoped3A : memref<!tpu.dma_semaphore, #tpu.memory_space<semaphore_mem>>) src(%dma_wait3A_150 : memref<8192xi32, #tpu.memory_space<hbm>>) dst(%arg6 : memref<8192xi32, #tpu.memory_space<vmem>>)
        tpu.yield
      }) : () -> ()
      "tpu.region"() ({
        %run_scoped3A = tpu.sem_alloc : memref<!tpu.dma_semaphore, #tpu.memory_space<semaphore_mem>>
        %dma_start3A = arith.constant 0 : i32
        %dma_start3A_141 = tpu.memref_slice %arg3[%add3A_59, %dma_start3A] : memref<16x8192xi32, #tpu.memory_space<hbm>> -> memref<1x8192xi32, #tpu.memory_space<hbm>>
        %dma_start3A_142 = tpu.memref_squeeze %dma_start3A_141 : memref<1x8192xi32, #tpu.memory_space<hbm>> -> memref<8192xi32, #tpu.memory_space<hbm>>
        %dma_start3A_143 = arith.constant 0 : i32
        %dma_start3A_144 = tpu.memref_slice %arg3[%add3A_59, %dma_start3A_143] : memref<16x8192xi32, #tpu.memory_space<hbm>> -> memref<1x8192xi32, #tpu.memory_space<hbm>>
        %dma_start3A_145 = tpu.memref_squeeze %dma_start3A_144 : memref<1x8192xi32, #tpu.memory_space<hbm>> -> memref<8192xi32, #tpu.memory_space<hbm>>
        tpu.enqueue_dma source(%dma_start3A_145 : memref<8192xi32, #tpu.memory_space<hbm>>) target(%arg7 : memref<8192xi32, #tpu.memory_space<vmem>>) target_semaphore(%run_scoped3A : memref<!tpu.dma_semaphore, #tpu.memory_space<semaphore_mem>>)
        %dma_wait3A = arith.constant 0 : i32
        %dma_wait3A_146 = tpu.memref_slice %arg3[%add3A_59, %dma_wait3A] : memref<16x8192xi32, #tpu.memory_space<hbm>> -> memref<1x8192xi32, #tpu.memory_space<hbm>>
        %dma_wait3A_147 = tpu.memref_squeeze %dma_wait3A_146 : memref<1x8192xi32, #tpu.memory_space<hbm>> -> memref<8192xi32, #tpu.memory_space<hbm>>
        %dma_wait3A_148 = arith.constant 0 : i32
        %dma_wait3A_149 = tpu.memref_slice %arg3[%add3A_59, %dma_wait3A_148] : memref<16x8192xi32, #tpu.memory_space<hbm>> -> memref<1x8192xi32, #tpu.memory_space<hbm>>
        %dma_wait3A_150 = tpu.memref_squeeze %dma_wait3A_149 : memref<1x8192xi32, #tpu.memory_space<hbm>> -> memref<8192xi32, #tpu.memory_space<hbm>>
        tpu.wait_dma2 semaphore(%run_scoped3A : memref<!tpu.dma_semaphore, #tpu.memory_space<semaphore_mem>>) src(%dma_wait3A_150 : memref<8192xi32, #tpu.memory_space<hbm>>) dst(%arg7 : memref<8192xi32, #tpu.memory_space<vmem>>)
        tpu.yield
      }) : () -> ()
      "tpu.region"() ({
        %run_scoped3A = tpu.sem_alloc : memref<!tpu.dma_semaphore, #tpu.memory_space<semaphore_mem>>
        %dma_start3A = arith.constant 0 : i32
        %dma_start3A_141 = tpu.memref_slice %arg4[%add3A_59, %dma_start3A] : memref<16x8192xi32, #tpu.memory_space<hbm>> -> memref<1x8192xi32, #tpu.memory_space<hbm>>
        %dma_start3A_142 = tpu.memref_squeeze %dma_start3A_141 : memref<1x8192xi32, #tpu.memory_space<hbm>> -> memref<8192xi32, #tpu.memory_space<hbm>>
        %dma_start3A_143 = arith.constant 0 : i32
        %dma_start3A_144 = tpu.memref_slice %arg4[%add3A_59, %dma_start3A_143] : memref<16x8192xi32, #tpu.memory_space<hbm>> -> memref<1x8192xi32, #tpu.memory_space<hbm>>
        %dma_start3A_145 = tpu.memref_squeeze %dma_start3A_144 : memref<1x8192xi32, #tpu.memory_space<hbm>> -> memref<8192xi32, #tpu.memory_space<hbm>>
        tpu.enqueue_dma source(%dma_start3A_145 : memref<8192xi32, #tpu.memory_space<hbm>>) target(%arg8 : memref<8192xi32, #tpu.memory_space<vmem>>) target_semaphore(%run_scoped3A : memref<!tpu.dma_semaphore, #tpu.memory_space<semaphore_mem>>)
        %dma_wait3A = arith.constant 0 : i32
        %dma_wait3A_146 = tpu.memref_slice %arg4[%add3A_59, %dma_wait3A] : memref<16x8192xi32, #tpu.memory_space<hbm>> -> memref<1x8192xi32, #tpu.memory_space<hbm>>
        %dma_wait3A_147 = tpu.memref_squeeze %dma_wait3A_146 : memref<1x8192xi32, #tpu.memory_space<hbm>> -> memref<8192xi32, #tpu.memory_space<hbm>>
        %dma_wait3A_148 = arith.constant 0 : i32
        %dma_wait3A_149 = tpu.memref_slice %arg4[%add3A_59, %dma_wait3A_148] : memref<16x8192xi32, #tpu.memory_space<hbm>> -> memref<1x8192xi32, #tpu.memory_space<hbm>>
        %dma_wait3A_150 = tpu.memref_squeeze %dma_wait3A_149 : memref<1x8192xi32, #tpu.memory_space<hbm>> -> memref<8192xi32, #tpu.memory_space<hbm>>
        tpu.wait_dma2 semaphore(%run_scoped3A : memref<!tpu.dma_semaphore, #tpu.memory_space<semaphore_mem>>) src(%dma_wait3A_150 : memref<8192xi32, #tpu.memory_space<hbm>>) dst(%arg8 : memref<8192xi32, #tpu.memory_space<vmem>>)
        tpu.yield
      }) : () -> ()
      %while3A_60 = arith.constant 0 : i32
      %while3A_61 = arith.constant 0 : i32
      %while3A_62:2 = scf.while (%while3A_141 = %while3A_60, %while3A_142 = %while3A_61) : (i32, i32) -> (i32, i32) {
        %lt3A = arith.constant 1024 : i32
        %lt3A_143 = arith.cmpi slt, %while3A_141, %lt3A : i32
        %lt3A_144 = arith.constant 512 : i32
        %lt3A_145 = arith.cmpi slt, %while3A_142, %lt3A_144 : i32
        %and3A = arith.andi %lt3A_143, %lt3A_145 : i1
        scf.condition(%and3A) %while3A_141, %while3A_142 : i32, i32
      } do {
      ^bb0(%while3A_141: i32, %while3A_142: i32):
        %mul3A_143 = arith.constant 16 : i32
        %mul3A_144 = arith.muli %while3A_142, %mul3A_143 : i32
        %get3A = arith.index_cast %mul3A_144 : i32 to index
        %get3A_145 = tpu.vector_load %arg6[%get3A] {strides = array<i32>} : memref<8192xi32, #tpu.memory_space<vmem>>, vector<16xi32>,
        %get3A_146 = arith.index_cast %mul3A_144 : i32 to index
        %get3A_147 = tpu.vector_load %arg7[%get3A_146] {strides = array<i32>} : memref<8192xi32, #tpu.memory_space<vmem>>, vector<16xi32>,
        %gather3A = tpu.vector_load_idx %arg9[%get3A_145] : memref<8192xi32, #tpu.memory_space<vmem>>[vector<16xi32>], vector<16xi32>,
        %eq3A_148 = arith.constant 0 : i32
        %eq3A_149 = vector.broadcast %eq3A_148 : i32 to vector<16xi32>
        %eq3A_150 = arith.cmpi eq, %gather3A, %eq3A_149 : vector<16xi32>
        %lt3A = arith.constant 0 : i32
        %lt3A_151 = vector.broadcast %lt3A : i32 to vector<16xi32>
        %lt3A_152 = arith.cmpi slt, %get3A_147, %lt3A_151 : vector<16xi32>
        %and3A = arith.andi %eq3A_150, %lt3A_152 : vector<16xi1>
        %swap3A = arith.index_cast %while3A_141 : i32 to index
        %swap3A_153 = tpu.vector_load %arg10[%swap3A] masked %and3A {strides = array<i32>} : memref<1040xi32, #tpu.memory_space<vmem>>, vector<16xi32>, vector<16xi1>
        tpu.vector_store %arg10[%swap3A], %get3A_145 masked %and3A {strides = array<i32>} : memref<1040xi32, #tpu.memory_space<vmem>>, vector<16xi32>, vector<16xi1>
        %all_reduce_population_count3A = tpu.all_reduce %and3A {dim = 0 : i64, kind = #tpu.reduction_kind<sum>} : vector<16xi1> -> vector<16xi32>
        %slice3A = vector.extract_strided_slice %all_reduce_population_count3A {offsets = [0], sizes = [1], strides = [1]} : vector<16xi32> to vector<1xi32>
        %squeeze3A = vector.extract %slice3A[0] : i32 from vector<1xi32>
        %add3A_154 = arith.addi %while3A_141, %squeeze3A : i32
        %add3A_155 = arith.constant 1 : i32
        %add3A_156 = arith.addi %while3A_142, %add3A_155 : i32
        scf.yield %add3A_154, %add3A_156 : i32, i32
      }
      %while3A_63 = arith.constant 0 : i32
      %while3A_64:2 = scf.while (%while3A_141 = %while3A_62#0, %while3A_142 = %while3A_63) : (i32, i32) -> (i32, i32) {
        %lt3A = arith.constant 1024 : i32
        %lt3A_143 = arith.cmpi slt, %while3A_141, %lt3A : i32
        %lt3A_144 = arith.constant 512 : i32
        %lt3A_145 = arith.cmpi slt, %while3A_142, %lt3A_144 : i32
        %and3A = arith.andi %lt3A_143, %lt3A_145 : i1
        scf.condition(%and3A) %while3A_141, %while3A_142 : i32, i32
      } do {
      ^bb0(%while3A_141: i32, %while3A_142: i32):
        %mul3A_143 = arith.constant 16 : i32
        %mul3A_144 = arith.muli %while3A_142, %mul3A_143 : i32
        %mul3A_145 = arith.constant 16 : i32
        %mul3A_146 = arith.muli %while3A_142, %mul3A_145 : i32
        %iota3A = tpu.iota {dimensions = array<i32: 0>} : vector<16xi32>
        %add3A_147 = vector.broadcast %mul3A_146 : i32 to vector<16xi32>
        %add3A_148 = arith.addi %add3A_147, %iota3A : vector<16xi32>
        %get3A = arith.index_cast %mul3A_144 : i32 to index
        %get3A_149 = tpu.vector_load %arg8[%get3A] {strides = array<i32>} : memref<8192xi32, #tpu.memory_space<vmem>>, vector<16xi32>,
        %eq3A_150 = arith.constant 0 : i32
        %eq3A_151 = vector.broadcast %eq3A_150 : i32 to vector<16xi32>
        %eq3A_152 = arith.cmpi eq, %get3A_149, %eq3A_151 : vector<16xi32>
        %get3A_153 = arith.index_cast %mul3A_144 : i32 to index
        %get3A_154 = tpu.vector_load %arg9[%get3A_153] {strides = array<i32>} : memref<8192xi32, #tpu.memory_space<vmem>>, vector<16xi32>,
        %ge3A = arith.constant 1 : i32
        %ge3A_155 = vector.broadcast %ge3A : i32 to vector<16xi32>
        %ge3A_156 = arith.cmpi sge, %get3A_154, %ge3A_155 : vector<16xi32>
        %le3A = arith.constant 3 : i32
        %le3A_157 = vector.broadcast %le3A : i32 to vector<16xi32>
        %le3A_158 = arith.cmpi sle, %get3A_154, %le3A_157 : vector<16xi32>
        %and3A = arith.andi %ge3A_156, %le3A_158 : vector<16xi1>
        %eq3A_159 = arith.constant 0 : i32
        %eq3A_160 = vector.broadcast %eq3A_159 : i32 to vector<16xi32>
        %eq3A_161 = arith.cmpi eq, %get3A_154, %eq3A_160 : vector<16xi32>
        %and3A_162 = arith.andi %eq3A_152, %eq3A_161 : vector<16xi1>
        %or3A = arith.ori %and3A, %and3A_162 : vector<16xi1>
        %swap3A = arith.index_cast %while3A_141 : i32 to index
        %swap3A_163 = tpu.vector_load %arg10[%swap3A] masked %or3A {strides = array<i32>} : memref<1040xi32, #tpu.memory_space<vmem>>, vector<16xi32>, vector<16xi1>
        tpu.vector_store %arg10[%swap3A], %add3A_148 masked %or3A {strides = array<i32>} : memref<1040xi32, #tpu.memory_space<vmem>>, vector<16xi32>, vector<16xi1>
        %all_reduce_population_count3A = tpu.all_reduce %or3A {dim = 0 : i64, kind = #tpu.reduction_kind<sum>} : vector<16xi1> -> vector<16xi32>
        %slice3A = vector.extract_strided_slice %all_reduce_population_count3A {offsets = [0], sizes = [1], strides = [1]} : vector<16xi32> to vector<1xi32>
        %squeeze3A = vector.extract %slice3A[0] : i32 from vector<1xi32>
        %add3A_164 = arith.addi %while3A_141, %squeeze3A : i32
        %add3A_165 = arith.constant 1 : i32
        %add3A_166 = arith.addi %while3A_142, %add3A_165 : i32
        scf.yield %add3A_164, %add3A_166 : i32, i32
      }
      %broadcast_in_dim3A_65 = arith.constant 4 : i32
      %broadcast_in_dim3A_66 = vector.broadcast %broadcast_in_dim3A_65 : i32 to vector<16xi32>
      %scan3A_67 = arith.constant 0 : i32
      %scan3A_68 = arith.constant 0 : i32
      %scan3A_69 = arith.constant 64 : i32
      %scan3A_70 = arith.addi %scan3A_68, %scan3A_69 : i32
      %scan3A_71 = arith.constant 1 : i32
      scf.for %scan3A_141 = %scan3A_68 to %scan3A_70 step %scan3A_71  : i32 {
        %mul3A_142 = arith.constant 16 : i32
        %mul3A_143 = arith.muli %scan3A_141, %mul3A_142 : i32
        %get3A = arith.index_cast %mul3A_143 : i32 to index
        %get3A_144 = tpu.vector_load %arg10[%get3A] {strides = array<i32>} : memref<1040xi32, #tpu.memory_space<vmem>>, vector<16xi32>,
        tpu.vector_store_idx %arg9[%get3A_144], %broadcast_in_dim3A_66 : memref<8192xi32, #tpu.memory_space<vmem>>[vector<16xi32>], vector<16xi32>,
      }
      %scan3A_72 = arith.constant 64 : i32
      "tpu.region"() ({
        %run_scoped3A = tpu.sem_alloc : memref<!tpu.dma_semaphore, #tpu.memory_space<semaphore_mem>>
        %dma_start3A = arith.constant 0 : i32
        %dma_start3A_141 = tpu.memref_slice %arg10[%dma_start3A] : memref<1040xi32, #tpu.memory_space<vmem>> -> memref<1024xi32, #tpu.memory_space<vmem>>
        %dma_start3A_142 = arith.constant 0 : i32
        %dma_start3A_143 = tpu.memref_slice %arg5[%add3A_59, %dma_start3A_142] : memref<16x1024xi32, #tpu.memory_space<hbm>> -> memref<1x1024xi32, #tpu.memory_space<hbm>>
        %dma_start3A_144 = tpu.memref_squeeze %dma_start3A_143 : memref<1x1024xi32, #tpu.memory_space<hbm>> -> memref<1024xi32, #tpu.memory_space<hbm>>
        %dma_start3A_145 = arith.constant 0 : i32
        %dma_start3A_146 = tpu.memref_slice %arg5[%add3A_59, %dma_start3A_145] : memref<16x1024xi32, #tpu.memory_space<hbm>> -> memref<1x1024xi32, #tpu.memory_space<hbm>>
        %dma_start3A_147 = tpu.memref_squeeze %dma_start3A_146 : memref<1x1024xi32, #tpu.memory_space<hbm>> -> memref<1024xi32, #tpu.memory_space<hbm>>
        %dma_start3A_148 = arith.constant 0 : i32
        %dma_start3A_149 = tpu.memref_slice %arg10[%dma_start3A_148] : memref<1040xi32, #tpu.memory_space<vmem>> -> memref<1024xi32, #tpu.memory_space<vmem>>
        tpu.enqueue_dma source(%dma_start3A_149 : memref<1024xi32, #tpu.memory_space<vmem>>) target(%dma_start3A_147 : memref<1024xi32, #tpu.memory_space<hbm>>) target_semaphore(%run_scoped3A : memref<!tpu.dma_semaphore, #tpu.memory_space<semaphore_mem>>)
        %dma_wait3A = arith.constant 0 : i32
        %dma_wait3A_150 = tpu.memref_slice %arg10[%dma_wait3A] : memref<1040xi32, #tpu.memory_space<vmem>> -> memref<1024xi32, #tpu.memory_space<vmem>>
        %dma_wait3A_151 = arith.constant 0 : i32
        %dma_wait3A_152 = tpu.memref_slice %arg5[%add3A_59, %dma_wait3A_151] : memref<16x1024xi32, #tpu.memory_space<hbm>> -> memref<1x1024xi32, #tpu.memory_space<hbm>>
        %dma_wait3A_153 = tpu.memref_squeeze %dma_wait3A_152 : memref<1x1024xi32, #tpu.memory_space<hbm>> -> memref<1024xi32, #tpu.memory_space<hbm>>
        %dma_wait3A_154 = arith.constant 0 : i32
        %dma_wait3A_155 = tpu.memref_slice %arg5[%add3A_59, %dma_wait3A_154] : memref<16x1024xi32, #tpu.memory_space<hbm>> -> memref<1x1024xi32, #tpu.memory_space<hbm>>
        %dma_wait3A_156 = tpu.memref_squeeze %dma_wait3A_155 : memref<1x1024xi32, #tpu.memory_space<hbm>> -> memref<1024xi32, #tpu.memory_space<hbm>>
        %dma_wait3A_157 = arith.constant 0 : i32
        %dma_wait3A_158 = tpu.memref_slice %arg10[%dma_wait3A_157] : memref<1040xi32, #tpu.memory_space<vmem>> -> memref<1024xi32, #tpu.memory_space<vmem>>
        tpu.wait_dma2 semaphore(%run_scoped3A : memref<!tpu.dma_semaphore, #tpu.memory_space<semaphore_mem>>) src(%dma_wait3A_158 : memref<1024xi32, #tpu.memory_space<vmem>>) dst(%dma_wait3A_156 : memref<1024xi32, #tpu.memory_space<hbm>>)
        tpu.yield
      }) : () -> ()
      %mul3A_73 = arith.constant 8 : i32
      %mul3A_74 = arith.muli %arg0, %mul3A_73 : i32
      %add3A_75 = arith.constant 4 : i32
      %add3A_76 = arith.addi %mul3A_74, %add3A_75 : i32
      "tpu.region"() ({
        %run_scoped3A = tpu.sem_alloc : memref<!tpu.dma_semaphore, #tpu.memory_space<semaphore_mem>>
        %dma_start3A = arith.constant 0 : i32
        %dma_start3A_141 = tpu.memref_slice %arg2[%add3A_76, %dma_start3A] : memref<16x8192xi32, #tpu.memory_space<hbm>> -> memref<1x8192xi32, #tpu.memory_space<hbm>>
        %dma_start3A_142 = tpu.memref_squeeze %dma_start3A_141 : memref<1x8192xi32, #tpu.memory_space<hbm>> -> memref<8192xi32, #tpu.memory_space<hbm>>
        %dma_start3A_143 = arith.constant 0 : i32
        %dma_start3A_144 = tpu.memref_slice %arg2[%add3A_76, %dma_start3A_143] : memref<16x8192xi32, #tpu.memory_space<hbm>> -> memref<1x8192xi32, #tpu.memory_space<hbm>>
        %dma_start3A_145 = tpu.memref_squeeze %dma_start3A_144 : memref<1x8192xi32, #tpu.memory_space<hbm>> -> memref<8192xi32, #tpu.memory_space<hbm>>
        tpu.enqueue_dma source(%dma_start3A_145 : memref<8192xi32, #tpu.memory_space<hbm>>) target(%arg6 : memref<8192xi32, #tpu.memory_space<vmem>>) target_semaphore(%run_scoped3A : memref<!tpu.dma_semaphore, #tpu.memory_space<semaphore_mem>>)
        %dma_wait3A = arith.constant 0 : i32
        %dma_wait3A_146 = tpu.memref_slice %arg2[%add3A_76, %dma_wait3A] : memref<16x8192xi32, #tpu.memory_space<hbm>> -> memref<1x8192xi32, #tpu.memory_space<hbm>>
        %dma_wait3A_147 = tpu.memref_squeeze %dma_wait3A_146 : memref<1x8192xi32, #tpu.memory_space<hbm>> -> memref<8192xi32, #tpu.memory_space<hbm>>
        %dma_wait3A_148 = arith.constant 0 : i32
        %dma_wait3A_149 = tpu.memref_slice %arg2[%add3A_76, %dma_wait3A_148] : memref<16x8192xi32, #tpu.memory_space<hbm>> -> memref<1x8192xi32, #tpu.memory_space<hbm>>
        %dma_wait3A_150 = tpu.memref_squeeze %dma_wait3A_149 : memref<1x8192xi32, #tpu.memory_space<hbm>> -> memref<8192xi32, #tpu.memory_space<hbm>>
        tpu.wait_dma2 semaphore(%run_scoped3A : memref<!tpu.dma_semaphore, #tpu.memory_space<semaphore_mem>>) src(%dma_wait3A_150 : memref<8192xi32, #tpu.memory_space<hbm>>) dst(%arg6 : memref<8192xi32, #tpu.memory_space<vmem>>)
        tpu.yield
      }) : () -> ()
      "tpu.region"() ({
        %run_scoped3A = tpu.sem_alloc : memref<!tpu.dma_semaphore, #tpu.memory_space<semaphore_mem>>
        %dma_start3A = arith.constant 0 : i32
        %dma_start3A_141 = tpu.memref_slice %arg3[%add3A_76, %dma_start3A] : memref<16x8192xi32, #tpu.memory_space<hbm>> -> memref<1x8192xi32, #tpu.memory_space<hbm>>
        %dma_start3A_142 = tpu.memref_squeeze %dma_start3A_141 : memref<1x8192xi32, #tpu.memory_space<hbm>> -> memref<8192xi32, #tpu.memory_space<hbm>>
        %dma_start3A_143 = arith.constant 0 : i32
        %dma_start3A_144 = tpu.memref_slice %arg3[%add3A_76, %dma_start3A_143] : memref<16x8192xi32, #tpu.memory_space<hbm>> -> memref<1x8192xi32, #tpu.memory_space<hbm>>
        %dma_start3A_145 = tpu.memref_squeeze %dma_start3A_144 : memref<1x8192xi32, #tpu.memory_space<hbm>> -> memref<8192xi32, #tpu.memory_space<hbm>>
        tpu.enqueue_dma source(%dma_start3A_145 : memref<8192xi32, #tpu.memory_space<hbm>>) target(%arg7 : memref<8192xi32, #tpu.memory_space<vmem>>) target_semaphore(%run_scoped3A : memref<!tpu.dma_semaphore, #tpu.memory_space<semaphore_mem>>)
        %dma_wait3A = arith.constant 0 : i32
        %dma_wait3A_146 = tpu.memref_slice %arg3[%add3A_76, %dma_wait3A] : memref<16x8192xi32, #tpu.memory_space<hbm>> -> memref<1x8192xi32, #tpu.memory_space<hbm>>
        %dma_wait3A_147 = tpu.memref_squeeze %dma_wait3A_146 : memref<1x8192xi32, #tpu.memory_space<hbm>> -> memref<8192xi32, #tpu.memory_space<hbm>>
        %dma_wait3A_148 = arith.constant 0 : i32
        %dma_wait3A_149 = tpu.memref_slice %arg3[%add3A_76, %dma_wait3A_148] : memref<16x8192xi32, #tpu.memory_space<hbm>> -> memref<1x8192xi32, #tpu.memory_space<hbm>>
        %dma_wait3A_150 = tpu.memref_squeeze %dma_wait3A_149 : memref<1x8192xi32, #tpu.memory_space<hbm>> -> memref<8192xi32, #tpu.memory_space<hbm>>
        tpu.wait_dma2 semaphore(%run_scoped3A : memref<!tpu.dma_semaphore, #tpu.memory_space<semaphore_mem>>) src(%dma_wait3A_150 : memref<8192xi32, #tpu.memory_space<hbm>>) dst(%arg7 : memref<8192xi32, #tpu.memory_space<vmem>>)
        tpu.yield
      }) : () -> ()
      "tpu.region"() ({
        %run_scoped3A = tpu.sem_alloc : memref<!tpu.dma_semaphore, #tpu.memory_space<semaphore_mem>>
        %dma_start3A = arith.constant 0 : i32
        %dma_start3A_141 = tpu.memref_slice %arg4[%add3A_76, %dma_start3A] : memref<16x8192xi32, #tpu.memory_space<hbm>> -> memref<1x8192xi32, #tpu.memory_space<hbm>>
        %dma_start3A_142 = tpu.memref_squeeze %dma_start3A_141 : memref<1x8192xi32, #tpu.memory_space<hbm>> -> memref<8192xi32, #tpu.memory_space<hbm>>
        %dma_start3A_143 = arith.constant 0 : i32
        %dma_start3A_144 = tpu.memref_slice %arg4[%add3A_76, %dma_start3A_143] : memref<16x8192xi32, #tpu.memory_space<hbm>> -> memref<1x8192xi32, #tpu.memory_space<hbm>>
        %dma_start3A_145 = tpu.memref_squeeze %dma_start3A_144 : memref<1x8192xi32, #tpu.memory_space<hbm>> -> memref<8192xi32, #tpu.memory_space<hbm>>
        tpu.enqueue_dma source(%dma_start3A_145 : memref<8192xi32, #tpu.memory_space<hbm>>) target(%arg8 : memref<8192xi32, #tpu.memory_space<vmem>>) target_semaphore(%run_scoped3A : memref<!tpu.dma_semaphore, #tpu.memory_space<semaphore_mem>>)
        %dma_wait3A = arith.constant 0 : i32
        %dma_wait3A_146 = tpu.memref_slice %arg4[%add3A_76, %dma_wait3A] : memref<16x8192xi32, #tpu.memory_space<hbm>> -> memref<1x8192xi32, #tpu.memory_space<hbm>>
        %dma_wait3A_147 = tpu.memref_squeeze %dma_wait3A_146 : memref<1x8192xi32, #tpu.memory_space<hbm>> -> memref<8192xi32, #tpu.memory_space<hbm>>
        %dma_wait3A_148 = arith.constant 0 : i32
        %dma_wait3A_149 = tpu.memref_slice %arg4[%add3A_76, %dma_wait3A_148] : memref<16x8192xi32, #tpu.memory_space<hbm>> -> memref<1x8192xi32, #tpu.memory_space<hbm>>
        %dma_wait3A_150 = tpu.memref_squeeze %dma_wait3A_149 : memref<1x8192xi32, #tpu.memory_space<hbm>> -> memref<8192xi32, #tpu.memory_space<hbm>>
        tpu.wait_dma2 semaphore(%run_scoped3A : memref<!tpu.dma_semaphore, #tpu.memory_space<semaphore_mem>>) src(%dma_wait3A_150 : memref<8192xi32, #tpu.memory_space<hbm>>) dst(%arg8 : memref<8192xi32, #tpu.memory_space<vmem>>)
        tpu.yield
      }) : () -> ()
      %while3A_77 = arith.constant 0 : i32
      %while3A_78 = arith.constant 0 : i32
      %while3A_79:2 = scf.while (%while3A_141 = %while3A_77, %while3A_142 = %while3A_78) : (i32, i32) -> (i32, i32) {
        %lt3A = arith.constant 1024 : i32
        %lt3A_143 = arith.cmpi slt, %while3A_141, %lt3A : i32
        %lt3A_144 = arith.constant 512 : i32
        %lt3A_145 = arith.cmpi slt, %while3A_142, %lt3A_144 : i32
        %and3A = arith.andi %lt3A_143, %lt3A_145 : i1
        scf.condition(%and3A) %while3A_141, %while3A_142 : i32, i32
      } do {
      ^bb0(%while3A_141: i32, %while3A_142: i32):
        %mul3A_143 = arith.constant 16 : i32
        %mul3A_144 = arith.muli %while3A_142, %mul3A_143 : i32
        %get3A = arith.index_cast %mul3A_144 : i32 to index
        %get3A_145 = tpu.vector_load %arg6[%get3A] {strides = array<i32>} : memref<8192xi32, #tpu.memory_space<vmem>>, vector<16xi32>,
        %get3A_146 = arith.index_cast %mul3A_144 : i32 to index
        %get3A_147 = tpu.vector_load %arg7[%get3A_146] {strides = array<i32>} : memref<8192xi32, #tpu.memory_space<vmem>>, vector<16xi32>,
        %gather3A = tpu.vector_load_idx %arg9[%get3A_145] : memref<8192xi32, #tpu.memory_space<vmem>>[vector<16xi32>], vector<16xi32>,
        %eq3A_148 = arith.constant 0 : i32
        %eq3A_149 = vector.broadcast %eq3A_148 : i32 to vector<16xi32>
        %eq3A_150 = arith.cmpi eq, %gather3A, %eq3A_149 : vector<16xi32>
        %lt3A = arith.constant 0 : i32
        %lt3A_151 = vector.broadcast %lt3A : i32 to vector<16xi32>
        %lt3A_152 = arith.cmpi slt, %get3A_147, %lt3A_151 : vector<16xi32>
        %and3A = arith.andi %eq3A_150, %lt3A_152 : vector<16xi1>
        %swap3A = arith.index_cast %while3A_141 : i32 to index
        %swap3A_153 = tpu.vector_load %arg10[%swap3A] masked %and3A {strides = array<i32>} : memref<1040xi32, #tpu.memory_space<vmem>>, vector<16xi32>, vector<16xi1>
        tpu.vector_store %arg10[%swap3A], %get3A_145 masked %and3A {strides = array<i32>} : memref<1040xi32, #tpu.memory_space<vmem>>, vector<16xi32>, vector<16xi1>
        %all_reduce_population_count3A = tpu.all_reduce %and3A {dim = 0 : i64, kind = #tpu.reduction_kind<sum>} : vector<16xi1> -> vector<16xi32>
        %slice3A = vector.extract_strided_slice %all_reduce_population_count3A {offsets = [0], sizes = [1], strides = [1]} : vector<16xi32> to vector<1xi32>
        %squeeze3A = vector.extract %slice3A[0] : i32 from vector<1xi32>
        %add3A_154 = arith.addi %while3A_141, %squeeze3A : i32
        %add3A_155 = arith.constant 1 : i32
        %add3A_156 = arith.addi %while3A_142, %add3A_155 : i32
        scf.yield %add3A_154, %add3A_156 : i32, i32
      }
      %while3A_80 = arith.constant 0 : i32
      %while3A_81:2 = scf.while (%while3A_141 = %while3A_79#0, %while3A_142 = %while3A_80) : (i32, i32) -> (i32, i32) {
        %lt3A = arith.constant 1024 : i32
        %lt3A_143 = arith.cmpi slt, %while3A_141, %lt3A : i32
        %lt3A_144 = arith.constant 512 : i32
        %lt3A_145 = arith.cmpi slt, %while3A_142, %lt3A_144 : i32
        %and3A = arith.andi %lt3A_143, %lt3A_145 : i1
        scf.condition(%and3A) %while3A_141, %while3A_142 : i32, i32
      } do {
      ^bb0(%while3A_141: i32, %while3A_142: i32):
        %mul3A_143 = arith.constant 16 : i32
        %mul3A_144 = arith.muli %while3A_142, %mul3A_143 : i32
        %mul3A_145 = arith.constant 16 : i32
        %mul3A_146 = arith.muli %while3A_142, %mul3A_145 : i32
        %iota3A = tpu.iota {dimensions = array<i32: 0>} : vector<16xi32>
        %add3A_147 = vector.broadcast %mul3A_146 : i32 to vector<16xi32>
        %add3A_148 = arith.addi %add3A_147, %iota3A : vector<16xi32>
        %get3A = arith.index_cast %mul3A_144 : i32 to index
        %get3A_149 = tpu.vector_load %arg8[%get3A] {strides = array<i32>} : memref<8192xi32, #tpu.memory_space<vmem>>, vector<16xi32>,
        %eq3A_150 = arith.constant 0 : i32
        %eq3A_151 = vector.broadcast %eq3A_150 : i32 to vector<16xi32>
        %eq3A_152 = arith.cmpi eq, %get3A_149, %eq3A_151 : vector<16xi32>
        %get3A_153 = arith.index_cast %mul3A_144 : i32 to index
        %get3A_154 = tpu.vector_load %arg9[%get3A_153] {strides = array<i32>} : memref<8192xi32, #tpu.memory_space<vmem>>, vector<16xi32>,
        %ge3A = arith.constant 1 : i32
        %ge3A_155 = vector.broadcast %ge3A : i32 to vector<16xi32>
        %ge3A_156 = arith.cmpi sge, %get3A_154, %ge3A_155 : vector<16xi32>
        %le3A = arith.constant 4 : i32
        %le3A_157 = vector.broadcast %le3A : i32 to vector<16xi32>
        %le3A_158 = arith.cmpi sle, %get3A_154, %le3A_157 : vector<16xi32>
        %and3A = arith.andi %ge3A_156, %le3A_158 : vector<16xi1>
        %eq3A_159 = arith.constant 0 : i32
        %eq3A_160 = vector.broadcast %eq3A_159 : i32 to vector<16xi32>
        %eq3A_161 = arith.cmpi eq, %get3A_154, %eq3A_160 : vector<16xi32>
        %and3A_162 = arith.andi %eq3A_152, %eq3A_161 : vector<16xi1>
        %or3A = arith.ori %and3A, %and3A_162 : vector<16xi1>
        %swap3A = arith.index_cast %while3A_141 : i32 to index
        %swap3A_163 = tpu.vector_load %arg10[%swap3A] masked %or3A {strides = array<i32>} : memref<1040xi32, #tpu.memory_space<vmem>>, vector<16xi32>, vector<16xi1>
        tpu.vector_store %arg10[%swap3A], %add3A_148 masked %or3A {strides = array<i32>} : memref<1040xi32, #tpu.memory_space<vmem>>, vector<16xi32>, vector<16xi1>
        %all_reduce_population_count3A = tpu.all_reduce %or3A {dim = 0 : i64, kind = #tpu.reduction_kind<sum>} : vector<16xi1> -> vector<16xi32>
        %slice3A = vector.extract_strided_slice %all_reduce_population_count3A {offsets = [0], sizes = [1], strides = [1]} : vector<16xi32> to vector<1xi32>
        %squeeze3A = vector.extract %slice3A[0] : i32 from vector<1xi32>
        %add3A_164 = arith.addi %while3A_141, %squeeze3A : i32
        %add3A_165 = arith.constant 1 : i32
        %add3A_166 = arith.addi %while3A_142, %add3A_165 : i32
        scf.yield %add3A_164, %add3A_166 : i32, i32
      }
      %broadcast_in_dim3A_82 = arith.constant 5 : i32
      %broadcast_in_dim3A_83 = vector.broadcast %broadcast_in_dim3A_82 : i32 to vector<16xi32>
      %scan3A_84 = arith.constant 0 : i32
      %scan3A_85 = arith.constant 0 : i32
      %scan3A_86 = arith.constant 64 : i32
      %scan3A_87 = arith.addi %scan3A_85, %scan3A_86 : i32
      %scan3A_88 = arith.constant 1 : i32
      scf.for %scan3A_141 = %scan3A_85 to %scan3A_87 step %scan3A_88  : i32 {
        %mul3A_142 = arith.constant 16 : i32
        %mul3A_143 = arith.muli %scan3A_141, %mul3A_142 : i32
        %get3A = arith.index_cast %mul3A_143 : i32 to index
        %get3A_144 = tpu.vector_load %arg10[%get3A] {strides = array<i32>} : memref<1040xi32, #tpu.memory_space<vmem>>, vector<16xi32>,
        tpu.vector_store_idx %arg9[%get3A_144], %broadcast_in_dim3A_83 : memref<8192xi32, #tpu.memory_space<vmem>>[vector<16xi32>], vector<16xi32>,
      }
      %scan3A_89 = arith.constant 64 : i32
      "tpu.region"() ({
        %run_scoped3A = tpu.sem_alloc : memref<!tpu.dma_semaphore, #tpu.memory_space<semaphore_mem>>
        %dma_start3A = arith.constant 0 : i32
        %dma_start3A_141 = tpu.memref_slice %arg10[%dma_start3A] : memref<1040xi32, #tpu.memory_space<vmem>> -> memref<1024xi32, #tpu.memory_space<vmem>>
        %dma_start3A_142 = arith.constant 0 : i32
        %dma_start3A_143 = tpu.memref_slice %arg5[%add3A_76, %dma_start3A_142] : memref<16x1024xi32, #tpu.memory_space<hbm>> -> memref<1x1024xi32, #tpu.memory_space<hbm>>
        %dma_start3A_144 = tpu.memref_squeeze %dma_start3A_143 : memref<1x1024xi32, #tpu.memory_space<hbm>> -> memref<1024xi32, #tpu.memory_space<hbm>>
        %dma_start3A_145 = arith.constant 0 : i32
        %dma_start3A_146 = tpu.memref_slice %arg5[%add3A_76, %dma_start3A_145] : memref<16x1024xi32, #tpu.memory_space<hbm>> -> memref<1x1024xi32, #tpu.memory_space<hbm>>
        %dma_start3A_147 = tpu.memref_squeeze %dma_start3A_146 : memref<1x1024xi32, #tpu.memory_space<hbm>> -> memref<1024xi32, #tpu.memory_space<hbm>>
        %dma_start3A_148 = arith.constant 0 : i32
        %dma_start3A_149 = tpu.memref_slice %arg10[%dma_start3A_148] : memref<1040xi32, #tpu.memory_space<vmem>> -> memref<1024xi32, #tpu.memory_space<vmem>>
        tpu.enqueue_dma source(%dma_start3A_149 : memref<1024xi32, #tpu.memory_space<vmem>>) target(%dma_start3A_147 : memref<1024xi32, #tpu.memory_space<hbm>>) target_semaphore(%run_scoped3A : memref<!tpu.dma_semaphore, #tpu.memory_space<semaphore_mem>>)
        %dma_wait3A = arith.constant 0 : i32
        %dma_wait3A_150 = tpu.memref_slice %arg10[%dma_wait3A] : memref<1040xi32, #tpu.memory_space<vmem>> -> memref<1024xi32, #tpu.memory_space<vmem>>
        %dma_wait3A_151 = arith.constant 0 : i32
        %dma_wait3A_152 = tpu.memref_slice %arg5[%add3A_76, %dma_wait3A_151] : memref<16x1024xi32, #tpu.memory_space<hbm>> -> memref<1x1024xi32, #tpu.memory_space<hbm>>
        %dma_wait3A_153 = tpu.memref_squeeze %dma_wait3A_152 : memref<1x1024xi32, #tpu.memory_space<hbm>> -> memref<1024xi32, #tpu.memory_space<hbm>>
        %dma_wait3A_154 = arith.constant 0 : i32
        %dma_wait3A_155 = tpu.memref_slice %arg5[%add3A_76, %dma_wait3A_154] : memref<16x1024xi32, #tpu.memory_space<hbm>> -> memref<1x1024xi32, #tpu.memory_space<hbm>>
        %dma_wait3A_156 = tpu.memref_squeeze %dma_wait3A_155 : memref<1x1024xi32, #tpu.memory_space<hbm>> -> memref<1024xi32, #tpu.memory_space<hbm>>
        %dma_wait3A_157 = arith.constant 0 : i32
        %dma_wait3A_158 = tpu.memref_slice %arg10[%dma_wait3A_157] : memref<1040xi32, #tpu.memory_space<vmem>> -> memref<1024xi32, #tpu.memory_space<vmem>>
        tpu.wait_dma2 semaphore(%run_scoped3A : memref<!tpu.dma_semaphore, #tpu.memory_space<semaphore_mem>>) src(%dma_wait3A_158 : memref<1024xi32, #tpu.memory_space<vmem>>) dst(%dma_wait3A_156 : memref<1024xi32, #tpu.memory_space<hbm>>)
        tpu.yield
      }) : () -> ()
      %mul3A_90 = arith.constant 8 : i32
      %mul3A_91 = arith.muli %arg0, %mul3A_90 : i32
      %add3A_92 = arith.constant 5 : i32
      %add3A_93 = arith.addi %mul3A_91, %add3A_92 : i32
      "tpu.region"() ({
        %run_scoped3A = tpu.sem_alloc : memref<!tpu.dma_semaphore, #tpu.memory_space<semaphore_mem>>
        %dma_start3A = arith.constant 0 : i32
        %dma_start3A_141 = tpu.memref_slice %arg2[%add3A_93, %dma_start3A] : memref<16x8192xi32, #tpu.memory_space<hbm>> -> memref<1x8192xi32, #tpu.memory_space<hbm>>
        %dma_start3A_142 = tpu.memref_squeeze %dma_start3A_141 : memref<1x8192xi32, #tpu.memory_space<hbm>> -> memref<8192xi32, #tpu.memory_space<hbm>>
        %dma_start3A_143 = arith.constant 0 : i32
        %dma_start3A_144 = tpu.memref_slice %arg2[%add3A_93, %dma_start3A_143] : memref<16x8192xi32, #tpu.memory_space<hbm>> -> memref<1x8192xi32, #tpu.memory_space<hbm>>
        %dma_start3A_145 = tpu.memref_squeeze %dma_start3A_144 : memref<1x8192xi32, #tpu.memory_space<hbm>> -> memref<8192xi32, #tpu.memory_space<hbm>>
        tpu.enqueue_dma source(%dma_start3A_145 : memref<8192xi32, #tpu.memory_space<hbm>>) target(%arg6 : memref<8192xi32, #tpu.memory_space<vmem>>) target_semaphore(%run_scoped3A : memref<!tpu.dma_semaphore, #tpu.memory_space<semaphore_mem>>)
        %dma_wait3A = arith.constant 0 : i32
        %dma_wait3A_146 = tpu.memref_slice %arg2[%add3A_93, %dma_wait3A] : memref<16x8192xi32, #tpu.memory_space<hbm>> -> memref<1x8192xi32, #tpu.memory_space<hbm>>
        %dma_wait3A_147 = tpu.memref_squeeze %dma_wait3A_146 : memref<1x8192xi32, #tpu.memory_space<hbm>> -> memref<8192xi32, #tpu.memory_space<hbm>>
        %dma_wait3A_148 = arith.constant 0 : i32
        %dma_wait3A_149 = tpu.memref_slice %arg2[%add3A_93, %dma_wait3A_148] : memref<16x8192xi32, #tpu.memory_space<hbm>> -> memref<1x8192xi32, #tpu.memory_space<hbm>>
        %dma_wait3A_150 = tpu.memref_squeeze %dma_wait3A_149 : memref<1x8192xi32, #tpu.memory_space<hbm>> -> memref<8192xi32, #tpu.memory_space<hbm>>
        tpu.wait_dma2 semaphore(%run_scoped3A : memref<!tpu.dma_semaphore, #tpu.memory_space<semaphore_mem>>) src(%dma_wait3A_150 : memref<8192xi32, #tpu.memory_space<hbm>>) dst(%arg6 : memref<8192xi32, #tpu.memory_space<vmem>>)
        tpu.yield
      }) : () -> ()
      "tpu.region"() ({
        %run_scoped3A = tpu.sem_alloc : memref<!tpu.dma_semaphore, #tpu.memory_space<semaphore_mem>>
        %dma_start3A = arith.constant 0 : i32
        %dma_start3A_141 = tpu.memref_slice %arg3[%add3A_93, %dma_start3A] : memref<16x8192xi32, #tpu.memory_space<hbm>> -> memref<1x8192xi32, #tpu.memory_space<hbm>>
        %dma_start3A_142 = tpu.memref_squeeze %dma_start3A_141 : memref<1x8192xi32, #tpu.memory_space<hbm>> -> memref<8192xi32, #tpu.memory_space<hbm>>
        %dma_start3A_143 = arith.constant 0 : i32
        %dma_start3A_144 = tpu.memref_slice %arg3[%add3A_93, %dma_start3A_143] : memref<16x8192xi32, #tpu.memory_space<hbm>> -> memref<1x8192xi32, #tpu.memory_space<hbm>>
        %dma_start3A_145 = tpu.memref_squeeze %dma_start3A_144 : memref<1x8192xi32, #tpu.memory_space<hbm>> -> memref<8192xi32, #tpu.memory_space<hbm>>
        tpu.enqueue_dma source(%dma_start3A_145 : memref<8192xi32, #tpu.memory_space<hbm>>) target(%arg7 : memref<8192xi32, #tpu.memory_space<vmem>>) target_semaphore(%run_scoped3A : memref<!tpu.dma_semaphore, #tpu.memory_space<semaphore_mem>>)
        %dma_wait3A = arith.constant 0 : i32
        %dma_wait3A_146 = tpu.memref_slice %arg3[%add3A_93, %dma_wait3A] : memref<16x8192xi32, #tpu.memory_space<hbm>> -> memref<1x8192xi32, #tpu.memory_space<hbm>>
        %dma_wait3A_147 = tpu.memref_squeeze %dma_wait3A_146 : memref<1x8192xi32, #tpu.memory_space<hbm>> -> memref<8192xi32, #tpu.memory_space<hbm>>
        %dma_wait3A_148 = arith.constant 0 : i32
        %dma_wait3A_149 = tpu.memref_slice %arg3[%add3A_93, %dma_wait3A_148] : memref<16x8192xi32, #tpu.memory_space<hbm>> -> memref<1x8192xi32, #tpu.memory_space<hbm>>
        %dma_wait3A_150 = tpu.memref_squeeze %dma_wait3A_149 : memref<1x8192xi32, #tpu.memory_space<hbm>> -> memref<8192xi32, #tpu.memory_space<hbm>>
        tpu.wait_dma2 semaphore(%run_scoped3A : memref<!tpu.dma_semaphore, #tpu.memory_space<semaphore_mem>>) src(%dma_wait3A_150 : memref<8192xi32, #tpu.memory_space<hbm>>) dst(%arg7 : memref<8192xi32, #tpu.memory_space<vmem>>)
        tpu.yield
      }) : () -> ()
      "tpu.region"() ({
        %run_scoped3A = tpu.sem_alloc : memref<!tpu.dma_semaphore, #tpu.memory_space<semaphore_mem>>
        %dma_start3A = arith.constant 0 : i32
        %dma_start3A_141 = tpu.memref_slice %arg4[%add3A_93, %dma_start3A] : memref<16x8192xi32, #tpu.memory_space<hbm>> -> memref<1x8192xi32, #tpu.memory_space<hbm>>
        %dma_start3A_142 = tpu.memref_squeeze %dma_start3A_141 : memref<1x8192xi32, #tpu.memory_space<hbm>> -> memref<8192xi32, #tpu.memory_space<hbm>>
        %dma_start3A_143 = arith.constant 0 : i32
        %dma_start3A_144 = tpu.memref_slice %arg4[%add3A_93, %dma_start3A_143] : memref<16x8192xi32, #tpu.memory_space<hbm>> -> memref<1x8192xi32, #tpu.memory_space<hbm>>
        %dma_start3A_145 = tpu.memref_squeeze %dma_start3A_144 : memref<1x8192xi32, #tpu.memory_space<hbm>> -> memref<8192xi32, #tpu.memory_space<hbm>>
        tpu.enqueue_dma source(%dma_start3A_145 : memref<8192xi32, #tpu.memory_space<hbm>>) target(%arg8 : memref<8192xi32, #tpu.memory_space<vmem>>) target_semaphore(%run_scoped3A : memref<!tpu.dma_semaphore, #tpu.memory_space<semaphore_mem>>)
        %dma_wait3A = arith.constant 0 : i32
        %dma_wait3A_146 = tpu.memref_slice %arg4[%add3A_93, %dma_wait3A] : memref<16x8192xi32, #tpu.memory_space<hbm>> -> memref<1x8192xi32, #tpu.memory_space<hbm>>
        %dma_wait3A_147 = tpu.memref_squeeze %dma_wait3A_146 : memref<1x8192xi32, #tpu.memory_space<hbm>> -> memref<8192xi32, #tpu.memory_space<hbm>>
        %dma_wait3A_148 = arith.constant 0 : i32
        %dma_wait3A_149 = tpu.memref_slice %arg4[%add3A_93, %dma_wait3A_148] : memref<16x8192xi32, #tpu.memory_space<hbm>> -> memref<1x8192xi32, #tpu.memory_space<hbm>>
        %dma_wait3A_150 = tpu.memref_squeeze %dma_wait3A_149 : memref<1x8192xi32, #tpu.memory_space<hbm>> -> memref<8192xi32, #tpu.memory_space<hbm>>
        tpu.wait_dma2 semaphore(%run_scoped3A : memref<!tpu.dma_semaphore, #tpu.memory_space<semaphore_mem>>) src(%dma_wait3A_150 : memref<8192xi32, #tpu.memory_space<hbm>>) dst(%arg8 : memref<8192xi32, #tpu.memory_space<vmem>>)
        tpu.yield
      }) : () -> ()
      %while3A_94 = arith.constant 0 : i32
      %while3A_95 = arith.constant 0 : i32
      %while3A_96:2 = scf.while (%while3A_141 = %while3A_94, %while3A_142 = %while3A_95) : (i32, i32) -> (i32, i32) {
        %lt3A = arith.constant 1024 : i32
        %lt3A_143 = arith.cmpi slt, %while3A_141, %lt3A : i32
        %lt3A_144 = arith.constant 512 : i32
        %lt3A_145 = arith.cmpi slt, %while3A_142, %lt3A_144 : i32
        %and3A = arith.andi %lt3A_143, %lt3A_145 : i1
        scf.condition(%and3A) %while3A_141, %while3A_142 : i32, i32
      } do {
      ^bb0(%while3A_141: i32, %while3A_142: i32):
        %mul3A_143 = arith.constant 16 : i32
        %mul3A_144 = arith.muli %while3A_142, %mul3A_143 : i32
        %get3A = arith.index_cast %mul3A_144 : i32 to index
        %get3A_145 = tpu.vector_load %arg6[%get3A] {strides = array<i32>} : memref<8192xi32, #tpu.memory_space<vmem>>, vector<16xi32>,
        %get3A_146 = arith.index_cast %mul3A_144 : i32 to index
        %get3A_147 = tpu.vector_load %arg7[%get3A_146] {strides = array<i32>} : memref<8192xi32, #tpu.memory_space<vmem>>, vector<16xi32>,
        %gather3A = tpu.vector_load_idx %arg9[%get3A_145] : memref<8192xi32, #tpu.memory_space<vmem>>[vector<16xi32>], vector<16xi32>,
        %eq3A_148 = arith.constant 0 : i32
        %eq3A_149 = vector.broadcast %eq3A_148 : i32 to vector<16xi32>
        %eq3A_150 = arith.cmpi eq, %gather3A, %eq3A_149 : vector<16xi32>
        %lt3A = arith.constant 0 : i32
        %lt3A_151 = vector.broadcast %lt3A : i32 to vector<16xi32>
        %lt3A_152 = arith.cmpi slt, %get3A_147, %lt3A_151 : vector<16xi32>
        %and3A = arith.andi %eq3A_150, %lt3A_152 : vector<16xi1>
        %swap3A = arith.index_cast %while3A_141 : i32 to index
        %swap3A_153 = tpu.vector_load %arg10[%swap3A] masked %and3A {strides = array<i32>} : memref<1040xi32, #tpu.memory_space<vmem>>, vector<16xi32>, vector<16xi1>
        tpu.vector_store %arg10[%swap3A], %get3A_145 masked %and3A {strides = array<i32>} : memref<1040xi32, #tpu.memory_space<vmem>>, vector<16xi32>, vector<16xi1>
        %all_reduce_population_count3A = tpu.all_reduce %and3A {dim = 0 : i64, kind = #tpu.reduction_kind<sum>} : vector<16xi1> -> vector<16xi32>
        %slice3A = vector.extract_strided_slice %all_reduce_population_count3A {offsets = [0], sizes = [1], strides = [1]} : vector<16xi32> to vector<1xi32>
        %squeeze3A = vector.extract %slice3A[0] : i32 from vector<1xi32>
        %add3A_154 = arith.addi %while3A_141, %squeeze3A : i32
        %add3A_155 = arith.constant 1 : i32
        %add3A_156 = arith.addi %while3A_142, %add3A_155 : i32
        scf.yield %add3A_154, %add3A_156 : i32, i32
      }
      %while3A_97 = arith.constant 0 : i32
      %while3A_98:2 = scf.while (%while3A_141 = %while3A_96#0, %while3A_142 = %while3A_97) : (i32, i32) -> (i32, i32) {
        %lt3A = arith.constant 1024 : i32
        %lt3A_143 = arith.cmpi slt, %while3A_141, %lt3A : i32
        %lt3A_144 = arith.constant 512 : i32
        %lt3A_145 = arith.cmpi slt, %while3A_142, %lt3A_144 : i32
        %and3A = arith.andi %lt3A_143, %lt3A_145 : i1
        scf.condition(%and3A) %while3A_141, %while3A_142 : i32, i32
      } do {
      ^bb0(%while3A_141: i32, %while3A_142: i32):
        %mul3A_143 = arith.constant 16 : i32
        %mul3A_144 = arith.muli %while3A_142, %mul3A_143 : i32
        %mul3A_145 = arith.constant 16 : i32
        %mul3A_146 = arith.muli %while3A_142, %mul3A_145 : i32
        %iota3A = tpu.iota {dimensions = array<i32: 0>} : vector<16xi32>
        %add3A_147 = vector.broadcast %mul3A_146 : i32 to vector<16xi32>
        %add3A_148 = arith.addi %add3A_147, %iota3A : vector<16xi32>
        %get3A = arith.index_cast %mul3A_144 : i32 to index
        %get3A_149 = tpu.vector_load %arg8[%get3A] {strides = array<i32>} : memref<8192xi32, #tpu.memory_space<vmem>>, vector<16xi32>,
        %eq3A_150 = arith.constant 0 : i32
        %eq3A_151 = vector.broadcast %eq3A_150 : i32 to vector<16xi32>
        %eq3A_152 = arith.cmpi eq, %get3A_149, %eq3A_151 : vector<16xi32>
        %get3A_153 = arith.index_cast %mul3A_144 : i32 to index
        %get3A_154 = tpu.vector_load %arg9[%get3A_153] {strides = array<i32>} : memref<8192xi32, #tpu.memory_space<vmem>>, vector<16xi32>,
        %ge3A = arith.constant 1 : i32
        %ge3A_155 = vector.broadcast %ge3A : i32 to vector<16xi32>
        %ge3A_156 = arith.cmpi sge, %get3A_154, %ge3A_155 : vector<16xi32>
        %le3A = arith.constant 5 : i32
        %le3A_157 = vector.broadcast %le3A : i32 to vector<16xi32>
        %le3A_158 = arith.cmpi sle, %get3A_154, %le3A_157 : vector<16xi32>
        %and3A = arith.andi %ge3A_156, %le3A_158 : vector<16xi1>
        %eq3A_159 = arith.constant 0 : i32
        %eq3A_160 = vector.broadcast %eq3A_159 : i32 to vector<16xi32>
        %eq3A_161 = arith.cmpi eq, %get3A_154, %eq3A_160 : vector<16xi32>
        %and3A_162 = arith.andi %eq3A_152, %eq3A_161 : vector<16xi1>
        %or3A = arith.ori %and3A, %and3A_162 : vector<16xi1>
        %swap3A = arith.index_cast %while3A_141 : i32 to index
        %swap3A_163 = tpu.vector_load %arg10[%swap3A] masked %or3A {strides = array<i32>} : memref<1040xi32, #tpu.memory_space<vmem>>, vector<16xi32>, vector<16xi1>
        tpu.vector_store %arg10[%swap3A], %add3A_148 masked %or3A {strides = array<i32>} : memref<1040xi32, #tpu.memory_space<vmem>>, vector<16xi32>, vector<16xi1>
        %all_reduce_population_count3A = tpu.all_reduce %or3A {dim = 0 : i64, kind = #tpu.reduction_kind<sum>} : vector<16xi1> -> vector<16xi32>
        %slice3A = vector.extract_strided_slice %all_reduce_population_count3A {offsets = [0], sizes = [1], strides = [1]} : vector<16xi32> to vector<1xi32>
        %squeeze3A = vector.extract %slice3A[0] : i32 from vector<1xi32>
        %add3A_164 = arith.addi %while3A_141, %squeeze3A : i32
        %add3A_165 = arith.constant 1 : i32
        %add3A_166 = arith.addi %while3A_142, %add3A_165 : i32
        scf.yield %add3A_164, %add3A_166 : i32, i32
      }
      %broadcast_in_dim3A_99 = arith.constant 6 : i32
      %broadcast_in_dim3A_100 = vector.broadcast %broadcast_in_dim3A_99 : i32 to vector<16xi32>
      %scan3A_101 = arith.constant 0 : i32
      %scan3A_102 = arith.constant 0 : i32
      %scan3A_103 = arith.constant 64 : i32
      %scan3A_104 = arith.addi %scan3A_102, %scan3A_103 : i32
      %scan3A_105 = arith.constant 1 : i32
      scf.for %scan3A_141 = %scan3A_102 to %scan3A_104 step %scan3A_105  : i32 {
        %mul3A_142 = arith.constant 16 : i32
        %mul3A_143 = arith.muli %scan3A_141, %mul3A_142 : i32
        %get3A = arith.index_cast %mul3A_143 : i32 to index
        %get3A_144 = tpu.vector_load %arg10[%get3A] {strides = array<i32>} : memref<1040xi32, #tpu.memory_space<vmem>>, vector<16xi32>,
        tpu.vector_store_idx %arg9[%get3A_144], %broadcast_in_dim3A_100 : memref<8192xi32, #tpu.memory_space<vmem>>[vector<16xi32>], vector<16xi32>,
      }
      %scan3A_106 = arith.constant 64 : i32
      "tpu.region"() ({
        %run_scoped3A = tpu.sem_alloc : memref<!tpu.dma_semaphore, #tpu.memory_space<semaphore_mem>>
        %dma_start3A = arith.constant 0 : i32
        %dma_start3A_141 = tpu.memref_slice %arg10[%dma_start3A] : memref<1040xi32, #tpu.memory_space<vmem>> -> memref<1024xi32, #tpu.memory_space<vmem>>
        %dma_start3A_142 = arith.constant 0 : i32
        %dma_start3A_143 = tpu.memref_slice %arg5[%add3A_93, %dma_start3A_142] : memref<16x1024xi32, #tpu.memory_space<hbm>> -> memref<1x1024xi32, #tpu.memory_space<hbm>>
        %dma_start3A_144 = tpu.memref_squeeze %dma_start3A_143 : memref<1x1024xi32, #tpu.memory_space<hbm>> -> memref<1024xi32, #tpu.memory_space<hbm>>
        %dma_start3A_145 = arith.constant 0 : i32
        %dma_start3A_146 = tpu.memref_slice %arg5[%add3A_93, %dma_start3A_145] : memref<16x1024xi32, #tpu.memory_space<hbm>> -> memref<1x1024xi32, #tpu.memory_space<hbm>>
        %dma_start3A_147 = tpu.memref_squeeze %dma_start3A_146 : memref<1x1024xi32, #tpu.memory_space<hbm>> -> memref<1024xi32, #tpu.memory_space<hbm>>
        %dma_start3A_148 = arith.constant 0 : i32
        %dma_start3A_149 = tpu.memref_slice %arg10[%dma_start3A_148] : memref<1040xi32, #tpu.memory_space<vmem>> -> memref<1024xi32, #tpu.memory_space<vmem>>
        tpu.enqueue_dma source(%dma_start3A_149 : memref<1024xi32, #tpu.memory_space<vmem>>) target(%dma_start3A_147 : memref<1024xi32, #tpu.memory_space<hbm>>) target_semaphore(%run_scoped3A : memref<!tpu.dma_semaphore, #tpu.memory_space<semaphore_mem>>)
        %dma_wait3A = arith.constant 0 : i32
        %dma_wait3A_150 = tpu.memref_slice %arg10[%dma_wait3A] : memref<1040xi32, #tpu.memory_space<vmem>> -> memref<1024xi32, #tpu.memory_space<vmem>>
        %dma_wait3A_151 = arith.constant 0 : i32
        %dma_wait3A_152 = tpu.memref_slice %arg5[%add3A_93, %dma_wait3A_151] : memref<16x1024xi32, #tpu.memory_space<hbm>> -> memref<1x1024xi32, #tpu.memory_space<hbm>>
        %dma_wait3A_153 = tpu.memref_squeeze %dma_wait3A_152 : memref<1x1024xi32, #tpu.memory_space<hbm>> -> memref<1024xi32, #tpu.memory_space<hbm>>
        %dma_wait3A_154 = arith.constant 0 : i32
        %dma_wait3A_155 = tpu.memref_slice %arg5[%add3A_93, %dma_wait3A_154] : memref<16x1024xi32, #tpu.memory_space<hbm>> -> memref<1x1024xi32, #tpu.memory_space<hbm>>
        %dma_wait3A_156 = tpu.memref_squeeze %dma_wait3A_155 : memref<1x1024xi32, #tpu.memory_space<hbm>> -> memref<1024xi32, #tpu.memory_space<hbm>>
        %dma_wait3A_157 = arith.constant 0 : i32
        %dma_wait3A_158 = tpu.memref_slice %arg10[%dma_wait3A_157] : memref<1040xi32, #tpu.memory_space<vmem>> -> memref<1024xi32, #tpu.memory_space<vmem>>
        tpu.wait_dma2 semaphore(%run_scoped3A : memref<!tpu.dma_semaphore, #tpu.memory_space<semaphore_mem>>) src(%dma_wait3A_158 : memref<1024xi32, #tpu.memory_space<vmem>>) dst(%dma_wait3A_156 : memref<1024xi32, #tpu.memory_space<hbm>>)
        tpu.yield
      }) : () -> ()
      %mul3A_107 = arith.constant 8 : i32
      %mul3A_108 = arith.muli %arg0, %mul3A_107 : i32
      %add3A_109 = arith.constant 6 : i32
      %add3A_110 = arith.addi %mul3A_108, %add3A_109 : i32
      "tpu.region"() ({
        %run_scoped3A = tpu.sem_alloc : memref<!tpu.dma_semaphore, #tpu.memory_space<semaphore_mem>>
        %dma_start3A = arith.constant 0 : i32
        %dma_start3A_141 = tpu.memref_slice %arg2[%add3A_110, %dma_start3A] : memref<16x8192xi32, #tpu.memory_space<hbm>> -> memref<1x8192xi32, #tpu.memory_space<hbm>>
        %dma_start3A_142 = tpu.memref_squeeze %dma_start3A_141 : memref<1x8192xi32, #tpu.memory_space<hbm>> -> memref<8192xi32, #tpu.memory_space<hbm>>
        %dma_start3A_143 = arith.constant 0 : i32
        %dma_start3A_144 = tpu.memref_slice %arg2[%add3A_110, %dma_start3A_143] : memref<16x8192xi32, #tpu.memory_space<hbm>> -> memref<1x8192xi32, #tpu.memory_space<hbm>>
        %dma_start3A_145 = tpu.memref_squeeze %dma_start3A_144 : memref<1x8192xi32, #tpu.memory_space<hbm>> -> memref<8192xi32, #tpu.memory_space<hbm>>
        tpu.enqueue_dma source(%dma_start3A_145 : memref<8192xi32, #tpu.memory_space<hbm>>) target(%arg6 : memref<8192xi32, #tpu.memory_space<vmem>>) target_semaphore(%run_scoped3A : memref<!tpu.dma_semaphore, #tpu.memory_space<semaphore_mem>>)
        %dma_wait3A = arith.constant 0 : i32
        %dma_wait3A_146 = tpu.memref_slice %arg2[%add3A_110, %dma_wait3A] : memref<16x8192xi32, #tpu.memory_space<hbm>> -> memref<1x8192xi32, #tpu.memory_space<hbm>>
        %dma_wait3A_147 = tpu.memref_squeeze %dma_wait3A_146 : memref<1x8192xi32, #tpu.memory_space<hbm>> -> memref<8192xi32, #tpu.memory_space<hbm>>
        %dma_wait3A_148 = arith.constant 0 : i32
        %dma_wait3A_149 = tpu.memref_slice %arg2[%add3A_110, %dma_wait3A_148] : memref<16x8192xi32, #tpu.memory_space<hbm>> -> memref<1x8192xi32, #tpu.memory_space<hbm>>
        %dma_wait3A_150 = tpu.memref_squeeze %dma_wait3A_149 : memref<1x8192xi32, #tpu.memory_space<hbm>> -> memref<8192xi32, #tpu.memory_space<hbm>>
        tpu.wait_dma2 semaphore(%run_scoped3A : memref<!tpu.dma_semaphore, #tpu.memory_space<semaphore_mem>>) src(%dma_wait3A_150 : memref<8192xi32, #tpu.memory_space<hbm>>) dst(%arg6 : memref<8192xi32, #tpu.memory_space<vmem>>)
        tpu.yield
      }) : () -> ()
      "tpu.region"() ({
        %run_scoped3A = tpu.sem_alloc : memref<!tpu.dma_semaphore, #tpu.memory_space<semaphore_mem>>
        %dma_start3A = arith.constant 0 : i32
        %dma_start3A_141 = tpu.memref_slice %arg3[%add3A_110, %dma_start3A] : memref<16x8192xi32, #tpu.memory_space<hbm>> -> memref<1x8192xi32, #tpu.memory_space<hbm>>
        %dma_start3A_142 = tpu.memref_squeeze %dma_start3A_141 : memref<1x8192xi32, #tpu.memory_space<hbm>> -> memref<8192xi32, #tpu.memory_space<hbm>>
        %dma_start3A_143 = arith.constant 0 : i32
        %dma_start3A_144 = tpu.memref_slice %arg3[%add3A_110, %dma_start3A_143] : memref<16x8192xi32, #tpu.memory_space<hbm>> -> memref<1x8192xi32, #tpu.memory_space<hbm>>
        %dma_start3A_145 = tpu.memref_squeeze %dma_start3A_144 : memref<1x8192xi32, #tpu.memory_space<hbm>> -> memref<8192xi32, #tpu.memory_space<hbm>>
        tpu.enqueue_dma source(%dma_start3A_145 : memref<8192xi32, #tpu.memory_space<hbm>>) target(%arg7 : memref<8192xi32, #tpu.memory_space<vmem>>) target_semaphore(%run_scoped3A : memref<!tpu.dma_semaphore, #tpu.memory_space<semaphore_mem>>)
        %dma_wait3A = arith.constant 0 : i32
        %dma_wait3A_146 = tpu.memref_slice %arg3[%add3A_110, %dma_wait3A] : memref<16x8192xi32, #tpu.memory_space<hbm>> -> memref<1x8192xi32, #tpu.memory_space<hbm>>
        %dma_wait3A_147 = tpu.memref_squeeze %dma_wait3A_146 : memref<1x8192xi32, #tpu.memory_space<hbm>> -> memref<8192xi32, #tpu.memory_space<hbm>>
        %dma_wait3A_148 = arith.constant 0 : i32
        %dma_wait3A_149 = tpu.memref_slice %arg3[%add3A_110, %dma_wait3A_148] : memref<16x8192xi32, #tpu.memory_space<hbm>> -> memref<1x8192xi32, #tpu.memory_space<hbm>>
        %dma_wait3A_150 = tpu.memref_squeeze %dma_wait3A_149 : memref<1x8192xi32, #tpu.memory_space<hbm>> -> memref<8192xi32, #tpu.memory_space<hbm>>
        tpu.wait_dma2 semaphore(%run_scoped3A : memref<!tpu.dma_semaphore, #tpu.memory_space<semaphore_mem>>) src(%dma_wait3A_150 : memref<8192xi32, #tpu.memory_space<hbm>>) dst(%arg7 : memref<8192xi32, #tpu.memory_space<vmem>>)
        tpu.yield
      }) : () -> ()
      "tpu.region"() ({
        %run_scoped3A = tpu.sem_alloc : memref<!tpu.dma_semaphore, #tpu.memory_space<semaphore_mem>>
        %dma_start3A = arith.constant 0 : i32
        %dma_start3A_141 = tpu.memref_slice %arg4[%add3A_110, %dma_start3A] : memref<16x8192xi32, #tpu.memory_space<hbm>> -> memref<1x8192xi32, #tpu.memory_space<hbm>>
        %dma_start3A_142 = tpu.memref_squeeze %dma_start3A_141 : memref<1x8192xi32, #tpu.memory_space<hbm>> -> memref<8192xi32, #tpu.memory_space<hbm>>
        %dma_start3A_143 = arith.constant 0 : i32
        %dma_start3A_144 = tpu.memref_slice %arg4[%add3A_110, %dma_start3A_143] : memref<16x8192xi32, #tpu.memory_space<hbm>> -> memref<1x8192xi32, #tpu.memory_space<hbm>>
        %dma_start3A_145 = tpu.memref_squeeze %dma_start3A_144 : memref<1x8192xi32, #tpu.memory_space<hbm>> -> memref<8192xi32, #tpu.memory_space<hbm>>
        tpu.enqueue_dma source(%dma_start3A_145 : memref<8192xi32, #tpu.memory_space<hbm>>) target(%arg8 : memref<8192xi32, #tpu.memory_space<vmem>>) target_semaphore(%run_scoped3A : memref<!tpu.dma_semaphore, #tpu.memory_space<semaphore_mem>>)
        %dma_wait3A = arith.constant 0 : i32
        %dma_wait3A_146 = tpu.memref_slice %arg4[%add3A_110, %dma_wait3A] : memref<16x8192xi32, #tpu.memory_space<hbm>> -> memref<1x8192xi32, #tpu.memory_space<hbm>>
        %dma_wait3A_147 = tpu.memref_squeeze %dma_wait3A_146 : memref<1x8192xi32, #tpu.memory_space<hbm>> -> memref<8192xi32, #tpu.memory_space<hbm>>
        %dma_wait3A_148 = arith.constant 0 : i32
        %dma_wait3A_149 = tpu.memref_slice %arg4[%add3A_110, %dma_wait3A_148] : memref<16x8192xi32, #tpu.memory_space<hbm>> -> memref<1x8192xi32, #tpu.memory_space<hbm>>
        %dma_wait3A_150 = tpu.memref_squeeze %dma_wait3A_149 : memref<1x8192xi32, #tpu.memory_space<hbm>> -> memref<8192xi32, #tpu.memory_space<hbm>>
        tpu.wait_dma2 semaphore(%run_scoped3A : memref<!tpu.dma_semaphore, #tpu.memory_space<semaphore_mem>>) src(%dma_wait3A_150 : memref<8192xi32, #tpu.memory_space<hbm>>) dst(%arg8 : memref<8192xi32, #tpu.memory_space<vmem>>)
        tpu.yield
      }) : () -> ()
      %while3A_111 = arith.constant 0 : i32
      %while3A_112 = arith.constant 0 : i32
      %while3A_113:2 = scf.while (%while3A_141 = %while3A_111, %while3A_142 = %while3A_112) : (i32, i32) -> (i32, i32) {
        %lt3A = arith.constant 1024 : i32
        %lt3A_143 = arith.cmpi slt, %while3A_141, %lt3A : i32
        %lt3A_144 = arith.constant 512 : i32
        %lt3A_145 = arith.cmpi slt, %while3A_142, %lt3A_144 : i32
        %and3A = arith.andi %lt3A_143, %lt3A_145 : i1
        scf.condition(%and3A) %while3A_141, %while3A_142 : i32, i32
      } do {
      ^bb0(%while3A_141: i32, %while3A_142: i32):
        %mul3A_143 = arith.constant 16 : i32
        %mul3A_144 = arith.muli %while3A_142, %mul3A_143 : i32
        %get3A = arith.index_cast %mul3A_144 : i32 to index
        %get3A_145 = tpu.vector_load %arg6[%get3A] {strides = array<i32>} : memref<8192xi32, #tpu.memory_space<vmem>>, vector<16xi32>,
        %get3A_146 = arith.index_cast %mul3A_144 : i32 to index
        %get3A_147 = tpu.vector_load %arg7[%get3A_146] {strides = array<i32>} : memref<8192xi32, #tpu.memory_space<vmem>>, vector<16xi32>,
        %gather3A = tpu.vector_load_idx %arg9[%get3A_145] : memref<8192xi32, #tpu.memory_space<vmem>>[vector<16xi32>], vector<16xi32>,
        %eq3A_148 = arith.constant 0 : i32
        %eq3A_149 = vector.broadcast %eq3A_148 : i32 to vector<16xi32>
        %eq3A_150 = arith.cmpi eq, %gather3A, %eq3A_149 : vector<16xi32>
        %lt3A = arith.constant 0 : i32
        %lt3A_151 = vector.broadcast %lt3A : i32 to vector<16xi32>
        %lt3A_152 = arith.cmpi slt, %get3A_147, %lt3A_151 : vector<16xi32>
        %and3A = arith.andi %eq3A_150, %lt3A_152 : vector<16xi1>
        %swap3A = arith.index_cast %while3A_141 : i32 to index
        %swap3A_153 = tpu.vector_load %arg10[%swap3A] masked %and3A {strides = array<i32>} : memref<1040xi32, #tpu.memory_space<vmem>>, vector<16xi32>, vector<16xi1>
        tpu.vector_store %arg10[%swap3A], %get3A_145 masked %and3A {strides = array<i32>} : memref<1040xi32, #tpu.memory_space<vmem>>, vector<16xi32>, vector<16xi1>
        %all_reduce_population_count3A = tpu.all_reduce %and3A {dim = 0 : i64, kind = #tpu.reduction_kind<sum>} : vector<16xi1> -> vector<16xi32>
        %slice3A = vector.extract_strided_slice %all_reduce_population_count3A {offsets = [0], sizes = [1], strides = [1]} : vector<16xi32> to vector<1xi32>
        %squeeze3A = vector.extract %slice3A[0] : i32 from vector<1xi32>
        %add3A_154 = arith.addi %while3A_141, %squeeze3A : i32
        %add3A_155 = arith.constant 1 : i32
        %add3A_156 = arith.addi %while3A_142, %add3A_155 : i32
        scf.yield %add3A_154, %add3A_156 : i32, i32
      }
      %while3A_114 = arith.constant 0 : i32
      %while3A_115:2 = scf.while (%while3A_141 = %while3A_113#0, %while3A_142 = %while3A_114) : (i32, i32) -> (i32, i32) {
        %lt3A = arith.constant 1024 : i32
        %lt3A_143 = arith.cmpi slt, %while3A_141, %lt3A : i32
        %lt3A_144 = arith.constant 512 : i32
        %lt3A_145 = arith.cmpi slt, %while3A_142, %lt3A_144 : i32
        %and3A = arith.andi %lt3A_143, %lt3A_145 : i1
        scf.condition(%and3A) %while3A_141, %while3A_142 : i32, i32
      } do {
      ^bb0(%while3A_141: i32, %while3A_142: i32):
        %mul3A_143 = arith.constant 16 : i32
        %mul3A_144 = arith.muli %while3A_142, %mul3A_143 : i32
        %mul3A_145 = arith.constant 16 : i32
        %mul3A_146 = arith.muli %while3A_142, %mul3A_145 : i32
        %iota3A = tpu.iota {dimensions = array<i32: 0>} : vector<16xi32>
        %add3A_147 = vector.broadcast %mul3A_146 : i32 to vector<16xi32>
        %add3A_148 = arith.addi %add3A_147, %iota3A : vector<16xi32>
        %get3A = arith.index_cast %mul3A_144 : i32 to index
        %get3A_149 = tpu.vector_load %arg8[%get3A] {strides = array<i32>} : memref<8192xi32, #tpu.memory_space<vmem>>, vector<16xi32>,
        %eq3A_150 = arith.constant 0 : i32
        %eq3A_151 = vector.broadcast %eq3A_150 : i32 to vector<16xi32>
        %eq3A_152 = arith.cmpi eq, %get3A_149, %eq3A_151 : vector<16xi32>
        %get3A_153 = arith.index_cast %mul3A_144 : i32 to index
        %get3A_154 = tpu.vector_load %arg9[%get3A_153] {strides = array<i32>} : memref<8192xi32, #tpu.memory_space<vmem>>, vector<16xi32>,
        %ge3A = arith.constant 1 : i32
        %ge3A_155 = vector.broadcast %ge3A : i32 to vector<16xi32>
        %ge3A_156 = arith.cmpi sge, %get3A_154, %ge3A_155 : vector<16xi32>
        %le3A = arith.constant 6 : i32
        %le3A_157 = vector.broadcast %le3A : i32 to vector<16xi32>
        %le3A_158 = arith.cmpi sle, %get3A_154, %le3A_157 : vector<16xi32>
        %and3A = arith.andi %ge3A_156, %le3A_158 : vector<16xi1>
        %eq3A_159 = arith.constant 0 : i32
        %eq3A_160 = vector.broadcast %eq3A_159 : i32 to vector<16xi32>
        %eq3A_161 = arith.cmpi eq, %get3A_154, %eq3A_160 : vector<16xi32>
        %and3A_162 = arith.andi %eq3A_152, %eq3A_161 : vector<16xi1>
        %or3A = arith.ori %and3A, %and3A_162 : vector<16xi1>
        %swap3A = arith.index_cast %while3A_141 : i32 to index
        %swap3A_163 = tpu.vector_load %arg10[%swap3A] masked %or3A {strides = array<i32>} : memref<1040xi32, #tpu.memory_space<vmem>>, vector<16xi32>, vector<16xi1>
        tpu.vector_store %arg10[%swap3A], %add3A_148 masked %or3A {strides = array<i32>} : memref<1040xi32, #tpu.memory_space<vmem>>, vector<16xi32>, vector<16xi1>
        %all_reduce_population_count3A = tpu.all_reduce %or3A {dim = 0 : i64, kind = #tpu.reduction_kind<sum>} : vector<16xi1> -> vector<16xi32>
        %slice3A = vector.extract_strided_slice %all_reduce_population_count3A {offsets = [0], sizes = [1], strides = [1]} : vector<16xi32> to vector<1xi32>
        %squeeze3A = vector.extract %slice3A[0] : i32 from vector<1xi32>
        %add3A_164 = arith.addi %while3A_141, %squeeze3A : i32
        %add3A_165 = arith.constant 1 : i32
        %add3A_166 = arith.addi %while3A_142, %add3A_165 : i32
        scf.yield %add3A_164, %add3A_166 : i32, i32
      }
      %broadcast_in_dim3A_116 = arith.constant 7 : i32
      %broadcast_in_dim3A_117 = vector.broadcast %broadcast_in_dim3A_116 : i32 to vector<16xi32>
      %scan3A_118 = arith.constant 0 : i32
      %scan3A_119 = arith.constant 0 : i32
      %scan3A_120 = arith.constant 64 : i32
      %scan3A_121 = arith.addi %scan3A_119, %scan3A_120 : i32
      %scan3A_122 = arith.constant 1 : i32
      scf.for %scan3A_141 = %scan3A_119 to %scan3A_121 step %scan3A_122  : i32 {
        %mul3A_142 = arith.constant 16 : i32
        %mul3A_143 = arith.muli %scan3A_141, %mul3A_142 : i32
        %get3A = arith.index_cast %mul3A_143 : i32 to index
        %get3A_144 = tpu.vector_load %arg10[%get3A] {strides = array<i32>} : memref<1040xi32, #tpu.memory_space<vmem>>, vector<16xi32>,
        tpu.vector_store_idx %arg9[%get3A_144], %broadcast_in_dim3A_117 : memref<8192xi32, #tpu.memory_space<vmem>>[vector<16xi32>], vector<16xi32>,
      }
      %scan3A_123 = arith.constant 64 : i32
      "tpu.region"() ({
        %run_scoped3A = tpu.sem_alloc : memref<!tpu.dma_semaphore, #tpu.memory_space<semaphore_mem>>
        %dma_start3A = arith.constant 0 : i32
        %dma_start3A_141 = tpu.memref_slice %arg10[%dma_start3A] : memref<1040xi32, #tpu.memory_space<vmem>> -> memref<1024xi32, #tpu.memory_space<vmem>>
        %dma_start3A_142 = arith.constant 0 : i32
        %dma_start3A_143 = tpu.memref_slice %arg5[%add3A_110, %dma_start3A_142] : memref<16x1024xi32, #tpu.memory_space<hbm>> -> memref<1x1024xi32, #tpu.memory_space<hbm>>
        %dma_start3A_144 = tpu.memref_squeeze %dma_start3A_143 : memref<1x1024xi32, #tpu.memory_space<hbm>> -> memref<1024xi32, #tpu.memory_space<hbm>>
        %dma_start3A_145 = arith.constant 0 : i32
        %dma_start3A_146 = tpu.memref_slice %arg5[%add3A_110, %dma_start3A_145] : memref<16x1024xi32, #tpu.memory_space<hbm>> -> memref<1x1024xi32, #tpu.memory_space<hbm>>
        %dma_start3A_147 = tpu.memref_squeeze %dma_start3A_146 : memref<1x1024xi32, #tpu.memory_space<hbm>> -> memref<1024xi32, #tpu.memory_space<hbm>>
        %dma_start3A_148 = arith.constant 0 : i32
        %dma_start3A_149 = tpu.memref_slice %arg10[%dma_start3A_148] : memref<1040xi32, #tpu.memory_space<vmem>> -> memref<1024xi32, #tpu.memory_space<vmem>>
        tpu.enqueue_dma source(%dma_start3A_149 : memref<1024xi32, #tpu.memory_space<vmem>>) target(%dma_start3A_147 : memref<1024xi32, #tpu.memory_space<hbm>>) target_semaphore(%run_scoped3A : memref<!tpu.dma_semaphore, #tpu.memory_space<semaphore_mem>>)
        %dma_wait3A = arith.constant 0 : i32
        %dma_wait3A_150 = tpu.memref_slice %arg10[%dma_wait3A] : memref<1040xi32, #tpu.memory_space<vmem>> -> memref<1024xi32, #tpu.memory_space<vmem>>
        %dma_wait3A_151 = arith.constant 0 : i32
        %dma_wait3A_152 = tpu.memref_slice %arg5[%add3A_110, %dma_wait3A_151] : memref<16x1024xi32, #tpu.memory_space<hbm>> -> memref<1x1024xi32, #tpu.memory_space<hbm>>
        %dma_wait3A_153 = tpu.memref_squeeze %dma_wait3A_152 : memref<1x1024xi32, #tpu.memory_space<hbm>> -> memref<1024xi32, #tpu.memory_space<hbm>>
        %dma_wait3A_154 = arith.constant 0 : i32
        %dma_wait3A_155 = tpu.memref_slice %arg5[%add3A_110, %dma_wait3A_154] : memref<16x1024xi32, #tpu.memory_space<hbm>> -> memref<1x1024xi32, #tpu.memory_space<hbm>>
        %dma_wait3A_156 = tpu.memref_squeeze %dma_wait3A_155 : memref<1x1024xi32, #tpu.memory_space<hbm>> -> memref<1024xi32, #tpu.memory_space<hbm>>
        %dma_wait3A_157 = arith.constant 0 : i32
        %dma_wait3A_158 = tpu.memref_slice %arg10[%dma_wait3A_157] : memref<1040xi32, #tpu.memory_space<vmem>> -> memref<1024xi32, #tpu.memory_space<vmem>>
        tpu.wait_dma2 semaphore(%run_scoped3A : memref<!tpu.dma_semaphore, #tpu.memory_space<semaphore_mem>>) src(%dma_wait3A_158 : memref<1024xi32, #tpu.memory_space<vmem>>) dst(%dma_wait3A_156 : memref<1024xi32, #tpu.memory_space<hbm>>)
        tpu.yield
      }) : () -> ()
      %mul3A_124 = arith.constant 8 : i32
      %mul3A_125 = arith.muli %arg0, %mul3A_124 : i32
      %add3A_126 = arith.constant 7 : i32
      %add3A_127 = arith.addi %mul3A_125, %add3A_126 : i32
      "tpu.region"() ({
        %run_scoped3A = tpu.sem_alloc : memref<!tpu.dma_semaphore, #tpu.memory_space<semaphore_mem>>
        %dma_start3A = arith.constant 0 : i32
        %dma_start3A_141 = tpu.memref_slice %arg2[%add3A_127, %dma_start3A] : memref<16x8192xi32, #tpu.memory_space<hbm>> -> memref<1x8192xi32, #tpu.memory_space<hbm>>
        %dma_start3A_142 = tpu.memref_squeeze %dma_start3A_141 : memref<1x8192xi32, #tpu.memory_space<hbm>> -> memref<8192xi32, #tpu.memory_space<hbm>>
        %dma_start3A_143 = arith.constant 0 : i32
        %dma_start3A_144 = tpu.memref_slice %arg2[%add3A_127, %dma_start3A_143] : memref<16x8192xi32, #tpu.memory_space<hbm>> -> memref<1x8192xi32, #tpu.memory_space<hbm>>
        %dma_start3A_145 = tpu.memref_squeeze %dma_start3A_144 : memref<1x8192xi32, #tpu.memory_space<hbm>> -> memref<8192xi32, #tpu.memory_space<hbm>>
        tpu.enqueue_dma source(%dma_start3A_145 : memref<8192xi32, #tpu.memory_space<hbm>>) target(%arg6 : memref<8192xi32, #tpu.memory_space<vmem>>) target_semaphore(%run_scoped3A : memref<!tpu.dma_semaphore, #tpu.memory_space<semaphore_mem>>)
        %dma_wait3A = arith.constant 0 : i32
        %dma_wait3A_146 = tpu.memref_slice %arg2[%add3A_127, %dma_wait3A] : memref<16x8192xi32, #tpu.memory_space<hbm>> -> memref<1x8192xi32, #tpu.memory_space<hbm>>
        %dma_wait3A_147 = tpu.memref_squeeze %dma_wait3A_146 : memref<1x8192xi32, #tpu.memory_space<hbm>> -> memref<8192xi32, #tpu.memory_space<hbm>>
        %dma_wait3A_148 = arith.constant 0 : i32
        %dma_wait3A_149 = tpu.memref_slice %arg2[%add3A_127, %dma_wait3A_148] : memref<16x8192xi32, #tpu.memory_space<hbm>> -> memref<1x8192xi32, #tpu.memory_space<hbm>>
        %dma_wait3A_150 = tpu.memref_squeeze %dma_wait3A_149 : memref<1x8192xi32, #tpu.memory_space<hbm>> -> memref<8192xi32, #tpu.memory_space<hbm>>
        tpu.wait_dma2 semaphore(%run_scoped3A : memref<!tpu.dma_semaphore, #tpu.memory_space<semaphore_mem>>) src(%dma_wait3A_150 : memref<8192xi32, #tpu.memory_space<hbm>>) dst(%arg6 : memref<8192xi32, #tpu.memory_space<vmem>>)
        tpu.yield
      }) : () -> ()
      "tpu.region"() ({
        %run_scoped3A = tpu.sem_alloc : memref<!tpu.dma_semaphore, #tpu.memory_space<semaphore_mem>>
        %dma_start3A = arith.constant 0 : i32
        %dma_start3A_141 = tpu.memref_slice %arg3[%add3A_127, %dma_start3A] : memref<16x8192xi32, #tpu.memory_space<hbm>> -> memref<1x8192xi32, #tpu.memory_space<hbm>>
        %dma_start3A_142 = tpu.memref_squeeze %dma_start3A_141 : memref<1x8192xi32, #tpu.memory_space<hbm>> -> memref<8192xi32, #tpu.memory_space<hbm>>
        %dma_start3A_143 = arith.constant 0 : i32
        %dma_start3A_144 = tpu.memref_slice %arg3[%add3A_127, %dma_start3A_143] : memref<16x8192xi32, #tpu.memory_space<hbm>> -> memref<1x8192xi32, #tpu.memory_space<hbm>>
        %dma_start3A_145 = tpu.memref_squeeze %dma_start3A_144 : memref<1x8192xi32, #tpu.memory_space<hbm>> -> memref<8192xi32, #tpu.memory_space<hbm>>
        tpu.enqueue_dma source(%dma_start3A_145 : memref<8192xi32, #tpu.memory_space<hbm>>) target(%arg7 : memref<8192xi32, #tpu.memory_space<vmem>>) target_semaphore(%run_scoped3A : memref<!tpu.dma_semaphore, #tpu.memory_space<semaphore_mem>>)
        %dma_wait3A = arith.constant 0 : i32
        %dma_wait3A_146 = tpu.memref_slice %arg3[%add3A_127, %dma_wait3A] : memref<16x8192xi32, #tpu.memory_space<hbm>> -> memref<1x8192xi32, #tpu.memory_space<hbm>>
        %dma_wait3A_147 = tpu.memref_squeeze %dma_wait3A_146 : memref<1x8192xi32, #tpu.memory_space<hbm>> -> memref<8192xi32, #tpu.memory_space<hbm>>
        %dma_wait3A_148 = arith.constant 0 : i32
        %dma_wait3A_149 = tpu.memref_slice %arg3[%add3A_127, %dma_wait3A_148] : memref<16x8192xi32, #tpu.memory_space<hbm>> -> memref<1x8192xi32, #tpu.memory_space<hbm>>
        %dma_wait3A_150 = tpu.memref_squeeze %dma_wait3A_149 : memref<1x8192xi32, #tpu.memory_space<hbm>> -> memref<8192xi32, #tpu.memory_space<hbm>>
        tpu.wait_dma2 semaphore(%run_scoped3A : memref<!tpu.dma_semaphore, #tpu.memory_space<semaphore_mem>>) src(%dma_wait3A_150 : memref<8192xi32, #tpu.memory_space<hbm>>) dst(%arg7 : memref<8192xi32, #tpu.memory_space<vmem>>)
        tpu.yield
      }) : () -> ()
      "tpu.region"() ({
        %run_scoped3A = tpu.sem_alloc : memref<!tpu.dma_semaphore, #tpu.memory_space<semaphore_mem>>
        %dma_start3A = arith.constant 0 : i32
        %dma_start3A_141 = tpu.memref_slice %arg4[%add3A_127, %dma_start3A] : memref<16x8192xi32, #tpu.memory_space<hbm>> -> memref<1x8192xi32, #tpu.memory_space<hbm>>
        %dma_start3A_142 = tpu.memref_squeeze %dma_start3A_141 : memref<1x8192xi32, #tpu.memory_space<hbm>> -> memref<8192xi32, #tpu.memory_space<hbm>>
        %dma_start3A_143 = arith.constant 0 : i32
        %dma_start3A_144 = tpu.memref_slice %arg4[%add3A_127, %dma_start3A_143] : memref<16x8192xi32, #tpu.memory_space<hbm>> -> memref<1x8192xi32, #tpu.memory_space<hbm>>
        %dma_start3A_145 = tpu.memref_squeeze %dma_start3A_144 : memref<1x8192xi32, #tpu.memory_space<hbm>> -> memref<8192xi32, #tpu.memory_space<hbm>>
        tpu.enqueue_dma source(%dma_start3A_145 : memref<8192xi32, #tpu.memory_space<hbm>>) target(%arg8 : memref<8192xi32, #tpu.memory_space<vmem>>) target_semaphore(%run_scoped3A : memref<!tpu.dma_semaphore, #tpu.memory_space<semaphore_mem>>)
        %dma_wait3A = arith.constant 0 : i32
        %dma_wait3A_146 = tpu.memref_slice %arg4[%add3A_127, %dma_wait3A] : memref<16x8192xi32, #tpu.memory_space<hbm>> -> memref<1x8192xi32, #tpu.memory_space<hbm>>
        %dma_wait3A_147 = tpu.memref_squeeze %dma_wait3A_146 : memref<1x8192xi32, #tpu.memory_space<hbm>> -> memref<8192xi32, #tpu.memory_space<hbm>>
        %dma_wait3A_148 = arith.constant 0 : i32
        %dma_wait3A_149 = tpu.memref_slice %arg4[%add3A_127, %dma_wait3A_148] : memref<16x8192xi32, #tpu.memory_space<hbm>> -> memref<1x8192xi32, #tpu.memory_space<hbm>>
        %dma_wait3A_150 = tpu.memref_squeeze %dma_wait3A_149 : memref<1x8192xi32, #tpu.memory_space<hbm>> -> memref<8192xi32, #tpu.memory_space<hbm>>
        tpu.wait_dma2 semaphore(%run_scoped3A : memref<!tpu.dma_semaphore, #tpu.memory_space<semaphore_mem>>) src(%dma_wait3A_150 : memref<8192xi32, #tpu.memory_space<hbm>>) dst(%arg8 : memref<8192xi32, #tpu.memory_space<vmem>>)
        tpu.yield
      }) : () -> ()
      %while3A_128 = arith.constant 0 : i32
      %while3A_129 = arith.constant 0 : i32
      %while3A_130:2 = scf.while (%while3A_141 = %while3A_128, %while3A_142 = %while3A_129) : (i32, i32) -> (i32, i32) {
        %lt3A = arith.constant 1024 : i32
        %lt3A_143 = arith.cmpi slt, %while3A_141, %lt3A : i32
        %lt3A_144 = arith.constant 512 : i32
        %lt3A_145 = arith.cmpi slt, %while3A_142, %lt3A_144 : i32
        %and3A = arith.andi %lt3A_143, %lt3A_145 : i1
        scf.condition(%and3A) %while3A_141, %while3A_142 : i32, i32
      } do {
      ^bb0(%while3A_141: i32, %while3A_142: i32):
        %mul3A_143 = arith.constant 16 : i32
        %mul3A_144 = arith.muli %while3A_142, %mul3A_143 : i32
        %get3A = arith.index_cast %mul3A_144 : i32 to index
        %get3A_145 = tpu.vector_load %arg6[%get3A] {strides = array<i32>} : memref<8192xi32, #tpu.memory_space<vmem>>, vector<16xi32>,
        %get3A_146 = arith.index_cast %mul3A_144 : i32 to index
        %get3A_147 = tpu.vector_load %arg7[%get3A_146] {strides = array<i32>} : memref<8192xi32, #tpu.memory_space<vmem>>, vector<16xi32>,
        %gather3A = tpu.vector_load_idx %arg9[%get3A_145] : memref<8192xi32, #tpu.memory_space<vmem>>[vector<16xi32>], vector<16xi32>,
        %eq3A_148 = arith.constant 0 : i32
        %eq3A_149 = vector.broadcast %eq3A_148 : i32 to vector<16xi32>
        %eq3A_150 = arith.cmpi eq, %gather3A, %eq3A_149 : vector<16xi32>
        %lt3A = arith.constant 0 : i32
        %lt3A_151 = vector.broadcast %lt3A : i32 to vector<16xi32>
        %lt3A_152 = arith.cmpi slt, %get3A_147, %lt3A_151 : vector<16xi32>
        %and3A = arith.andi %eq3A_150, %lt3A_152 : vector<16xi1>
        %swap3A = arith.index_cast %while3A_141 : i32 to index
        %swap3A_153 = tpu.vector_load %arg10[%swap3A] masked %and3A {strides = array<i32>} : memref<1040xi32, #tpu.memory_space<vmem>>, vector<16xi32>, vector<16xi1>
        tpu.vector_store %arg10[%swap3A], %get3A_145 masked %and3A {strides = array<i32>} : memref<1040xi32, #tpu.memory_space<vmem>>, vector<16xi32>, vector<16xi1>
        %all_reduce_population_count3A = tpu.all_reduce %and3A {dim = 0 : i64, kind = #tpu.reduction_kind<sum>} : vector<16xi1> -> vector<16xi32>
        %slice3A = vector.extract_strided_slice %all_reduce_population_count3A {offsets = [0], sizes = [1], strides = [1]} : vector<16xi32> to vector<1xi32>
        %squeeze3A = vector.extract %slice3A[0] : i32 from vector<1xi32>
        %add3A_154 = arith.addi %while3A_141, %squeeze3A : i32
        %add3A_155 = arith.constant 1 : i32
        %add3A_156 = arith.addi %while3A_142, %add3A_155 : i32
        scf.yield %add3A_154, %add3A_156 : i32, i32
      }
      %while3A_131 = arith.constant 0 : i32
      %while3A_132:2 = scf.while (%while3A_141 = %while3A_130#0, %while3A_142 = %while3A_131) : (i32, i32) -> (i32, i32) {
        %lt3A = arith.constant 1024 : i32
        %lt3A_143 = arith.cmpi slt, %while3A_141, %lt3A : i32
        %lt3A_144 = arith.constant 512 : i32
        %lt3A_145 = arith.cmpi slt, %while3A_142, %lt3A_144 : i32
        %and3A = arith.andi %lt3A_143, %lt3A_145 : i1
        scf.condition(%and3A) %while3A_141, %while3A_142 : i32, i32
      } do {
      ^bb0(%while3A_141: i32, %while3A_142: i32):
        %mul3A_143 = arith.constant 16 : i32
        %mul3A_144 = arith.muli %while3A_142, %mul3A_143 : i32
        %mul3A_145 = arith.constant 16 : i32
        %mul3A_146 = arith.muli %while3A_142, %mul3A_145 : i32
        %iota3A = tpu.iota {dimensions = array<i32: 0>} : vector<16xi32>
        %add3A_147 = vector.broadcast %mul3A_146 : i32 to vector<16xi32>
        %add3A_148 = arith.addi %add3A_147, %iota3A : vector<16xi32>
        %get3A = arith.index_cast %mul3A_144 : i32 to index
        %get3A_149 = tpu.vector_load %arg8[%get3A] {strides = array<i32>} : memref<8192xi32, #tpu.memory_space<vmem>>, vector<16xi32>,
        %eq3A_150 = arith.constant 0 : i32
        %eq3A_151 = vector.broadcast %eq3A_150 : i32 to vector<16xi32>
        %eq3A_152 = arith.cmpi eq, %get3A_149, %eq3A_151 : vector<16xi32>
        %get3A_153 = arith.index_cast %mul3A_144 : i32 to index
        %get3A_154 = tpu.vector_load %arg9[%get3A_153] {strides = array<i32>} : memref<8192xi32, #tpu.memory_space<vmem>>, vector<16xi32>,
        %ge3A = arith.constant 1 : i32
        %ge3A_155 = vector.broadcast %ge3A : i32 to vector<16xi32>
        %ge3A_156 = arith.cmpi sge, %get3A_154, %ge3A_155 : vector<16xi32>
        %le3A = arith.constant 7 : i32
        %le3A_157 = vector.broadcast %le3A : i32 to vector<16xi32>
        %le3A_158 = arith.cmpi sle, %get3A_154, %le3A_157 : vector<16xi32>
        %and3A = arith.andi %ge3A_156, %le3A_158 : vector<16xi1>
        %eq3A_159 = arith.constant 0 : i32
        %eq3A_160 = vector.broadcast %eq3A_159 : i32 to vector<16xi32>
        %eq3A_161 = arith.cmpi eq, %get3A_154, %eq3A_160 : vector<16xi32>
        %and3A_162 = arith.andi %eq3A_152, %eq3A_161 : vector<16xi1>
        %or3A = arith.ori %and3A, %and3A_162 : vector<16xi1>
        %swap3A = arith.index_cast %while3A_141 : i32 to index
        %swap3A_163 = tpu.vector_load %arg10[%swap3A] masked %or3A {strides = array<i32>} : memref<1040xi32, #tpu.memory_space<vmem>>, vector<16xi32>, vector<16xi1>
        tpu.vector_store %arg10[%swap3A], %add3A_148 masked %or3A {strides = array<i32>} : memref<1040xi32, #tpu.memory_space<vmem>>, vector<16xi32>, vector<16xi1>
        %all_reduce_population_count3A = tpu.all_reduce %or3A {dim = 0 : i64, kind = #tpu.reduction_kind<sum>} : vector<16xi1> -> vector<16xi32>
        %slice3A = vector.extract_strided_slice %all_reduce_population_count3A {offsets = [0], sizes = [1], strides = [1]} : vector<16xi32> to vector<1xi32>
        %squeeze3A = vector.extract %slice3A[0] : i32 from vector<1xi32>
        %add3A_164 = arith.addi %while3A_141, %squeeze3A : i32
        %add3A_165 = arith.constant 1 : i32
        %add3A_166 = arith.addi %while3A_142, %add3A_165 : i32
        scf.yield %add3A_164, %add3A_166 : i32, i32
      }
      %broadcast_in_dim3A_133 = arith.constant 8 : i32
      %broadcast_in_dim3A_134 = vector.broadcast %broadcast_in_dim3A_133 : i32 to vector<16xi32>
      %scan3A_135 = arith.constant 0 : i32
      %scan3A_136 = arith.constant 0 : i32
      %scan3A_137 = arith.constant 64 : i32
      %scan3A_138 = arith.addi %scan3A_136, %scan3A_137 : i32
      %scan3A_139 = arith.constant 1 : i32
      scf.for %scan3A_141 = %scan3A_136 to %scan3A_138 step %scan3A_139  : i32 {
        %mul3A_142 = arith.constant 16 : i32
        %mul3A_143 = arith.muli %scan3A_141, %mul3A_142 : i32
        %get3A = arith.index_cast %mul3A_143 : i32 to index
        %get3A_144 = tpu.vector_load %arg10[%get3A] {strides = array<i32>} : memref<1040xi32, #tpu.memory_space<vmem>>, vector<16xi32>,
        tpu.vector_store_idx %arg9[%get3A_144], %broadcast_in_dim3A_134 : memref<8192xi32, #tpu.memory_space<vmem>>[vector<16xi32>], vector<16xi32>,
      }
      %scan3A_140 = arith.constant 64 : i32
      "tpu.region"() ({
        %run_scoped3A = tpu.sem_alloc : memref<!tpu.dma_semaphore, #tpu.memory_space<semaphore_mem>>
        %dma_start3A = arith.constant 0 : i32
        %dma_start3A_141 = tpu.memref_slice %arg10[%dma_start3A] : memref<1040xi32, #tpu.memory_space<vmem>> -> memref<1024xi32, #tpu.memory_space<vmem>>
        %dma_start3A_142 = arith.constant 0 : i32
        %dma_start3A_143 = tpu.memref_slice %arg5[%add3A_127, %dma_start3A_142] : memref<16x1024xi32, #tpu.memory_space<hbm>> -> memref<1x1024xi32, #tpu.memory_space<hbm>>
        %dma_start3A_144 = tpu.memref_squeeze %dma_start3A_143 : memref<1x1024xi32, #tpu.memory_space<hbm>> -> memref<1024xi32, #tpu.memory_space<hbm>>
        %dma_start3A_145 = arith.constant 0 : i32
        %dma_start3A_146 = tpu.memref_slice %arg5[%add3A_127, %dma_start3A_145] : memref<16x1024xi32, #tpu.memory_space<hbm>> -> memref<1x1024xi32, #tpu.memory_space<hbm>>
        %dma_start3A_147 = tpu.memref_squeeze %dma_start3A_146 : memref<1x1024xi32, #tpu.memory_space<hbm>> -> memref<1024xi32, #tpu.memory_space<hbm>>
        %dma_start3A_148 = arith.constant 0 : i32
        %dma_start3A_149 = tpu.memref_slice %arg10[%dma_start3A_148] : memref<1040xi32, #tpu.memory_space<vmem>> -> memref<1024xi32, #tpu.memory_space<vmem>>
        tpu.enqueue_dma source(%dma_start3A_149 : memref<1024xi32, #tpu.memory_space<vmem>>) target(%dma_start3A_147 : memref<1024xi32, #tpu.memory_space<hbm>>) target_semaphore(%run_scoped3A : memref<!tpu.dma_semaphore, #tpu.memory_space<semaphore_mem>>)
        %dma_wait3A = arith.constant 0 : i32
        %dma_wait3A_150 = tpu.memref_slice %arg10[%dma_wait3A] : memref<1040xi32, #tpu.memory_space<vmem>> -> memref<1024xi32, #tpu.memory_space<vmem>>
        %dma_wait3A_151 = arith.constant 0 : i32
        %dma_wait3A_152 = tpu.memref_slice %arg5[%add3A_127, %dma_wait3A_151] : memref<16x1024xi32, #tpu.memory_space<hbm>> -> memref<1x1024xi32, #tpu.memory_space<hbm>>
        %dma_wait3A_153 = tpu.memref_squeeze %dma_wait3A_152 : memref<1x1024xi32, #tpu.memory_space<hbm>> -> memref<1024xi32, #tpu.memory_space<hbm>>
        %dma_wait3A_154 = arith.constant 0 : i32
        %dma_wait3A_155 = tpu.memref_slice %arg5[%add3A_127, %dma_wait3A_154] : memref<16x1024xi32, #tpu.memory_space<hbm>> -> memref<1x1024xi32, #tpu.memory_space<hbm>>
        %dma_wait3A_156 = tpu.memref_squeeze %dma_wait3A_155 : memref<1x1024xi32, #tpu.memory_space<hbm>> -> memref<1024xi32, #tpu.memory_space<hbm>>
        %dma_wait3A_157 = arith.constant 0 : i32
        %dma_wait3A_158 = tpu.memref_slice %arg10[%dma_wait3A_157] : memref<1040xi32, #tpu.memory_space<vmem>> -> memref<1024xi32, #tpu.memory_space<vmem>>
        tpu.wait_dma2 semaphore(%run_scoped3A : memref<!tpu.dma_semaphore, #tpu.memory_space<semaphore_mem>>) src(%dma_wait3A_158 : memref<1024xi32, #tpu.memory_space<vmem>>) dst(%dma_wait3A_156 : memref<1024xi32, #tpu.memory_space<hbm>>)
        tpu.yield
      }) : () -> ()
    } else {
    }
    return
  }
}

module attributes {stable_mosaic.version = 14 : i64} {
  func.func @_mlp_body(%arg0: i32, %arg1: memref<1x1xf32, #tpu.memory_space<smem>>, %arg2: memref<1024x768xf32, #tpu.memory_space<vmem>>, %arg3: memref<1024x8xf32, #tpu.memory_space<vmem>>, %arg4: memref<3072x768xbf16, #tpu.memory_space<vmem>>, %arg5: memref<1x3072xf32, #tpu.memory_space<vmem>>, %arg6: memref<768x3072xbf16, #tpu.memory_space<vmem>>, %arg7: memref<1x768xf32, #tpu.memory_space<vmem>>, %arg8: memref<1x768xf32, #tpu.memory_space<vmem>>, %arg9: memref<1x768xf32, #tpu.memory_space<vmem>>, %arg10: memref<1024x768xf32, #tpu.memory_space<vmem>>) attributes {dimension_semantics = [#tpu.dimension_semantics<arbitrary>], iteration_bounds = array<i64: 2>, scalar_prefetch = 0 : i64, scratch_operands = 0 : i64, tpu.core_type = #tpu.core_type<tc>, window_params = [{transform_indices = @transform_0, window_bounds = array<i64: 1, 1>}, {transform_indices = @transform_1, window_bounds = array<i64: 1024, 768>}, {transform_indices = @transform_2, window_bounds = array<i64: 1024, 8>}, {pipeline_mode = #tpu.pipeline_mode<synchronous>, transform_indices = @transform_3, window_bounds = array<i64: 3072, 768>}, {pipeline_mode = #tpu.pipeline_mode<synchronous>, transform_indices = @transform_4, window_bounds = array<i64: 1, 3072>}, {pipeline_mode = #tpu.pipeline_mode<synchronous>, transform_indices = @transform_5, window_bounds = array<i64: 768, 3072>}, {pipeline_mode = #tpu.pipeline_mode<synchronous>, transform_indices = @transform_6, window_bounds = array<i64: 1, 768>}, {pipeline_mode = #tpu.pipeline_mode<synchronous>, transform_indices = @transform_7, window_bounds = array<i64: 1, 768>}, {pipeline_mode = #tpu.pipeline_mode<synchronous>, transform_indices = @transform_8, window_bounds = array<i64: 1, 768>}, {transform_indices = @transform_9, window_bounds = array<i64: 1024, 768>}]} {
    %get3A = arith.constant 0 : index
    %get3A_0 = arith.constant 0 : index
    %get3A_1 = vector.load %arg2[%get3A, %get3A_0] : memref<1024x768xf32, #tpu.memory_space<vmem>>, vector<1024x768xf32>
    %reduce_sum3A = arith.constant dense<0.000000e+00> : vector<1024xf32>
    %reduce_sum3A_2 = vector.multi_reduction <add>, %get3A_1, %reduce_sum3A [1] : vector<1024x768xf32> to vector<1024xf32>
    %broadcast_in_dim3A = vector.shape_cast %reduce_sum3A_2 : vector<1024xf32> to vector<1024x1xf32>
    %div3A = arith.constant 7.680000e+02 : f32
    %div3A_3 = vector.broadcast %div3A : f32 to vector<1024x1xf32>
    %div3A_4 = arith.divf %broadcast_in_dim3A, %div3A_3 : vector<1024x1xf32>
    %sub3A = vector.broadcast %div3A_4 : vector<1024x1xf32> to vector<1024x768xf32>
    %sub3A_5 = arith.subf %get3A_1, %sub3A : vector<1024x768xf32>
    %integer_pow3A = arith.mulf %sub3A_5, %sub3A_5 : vector<1024x768xf32>
    %reduce_sum3A_6 = arith.constant dense<0.000000e+00> : vector<1024xf32>
    %reduce_sum3A_7 = vector.multi_reduction <add>, %integer_pow3A, %reduce_sum3A_6 [1] : vector<1024x768xf32> to vector<1024xf32>
    %broadcast_in_dim3A_8 = vector.shape_cast %reduce_sum3A_7 : vector<1024xf32> to vector<1024x1xf32>
    %div3A_9 = arith.constant 7.680000e+02 : f32
    %div3A_10 = vector.broadcast %div3A_9 : f32 to vector<1024x1xf32>
    %div3A_11 = arith.divf %broadcast_in_dim3A_8, %div3A_10 : vector<1024x1xf32>
    %sub3A_12 = vector.broadcast %div3A_4 : vector<1024x1xf32> to vector<1024x768xf32>
    %sub3A_13 = arith.subf %get3A_1, %sub3A_12 : vector<1024x768xf32>
    %add3A = arith.constant 9.99999974E-6 : f32
    %add3A_14 = vector.broadcast %add3A : f32 to vector<1024x1xf32>
    %add3A_15 = arith.addf %div3A_11, %add3A_14 : vector<1024x1xf32>
    %sqrt3A = math.sqrt %add3A_15 : vector<1024x1xf32>
    %div3A_16 = vector.broadcast %sqrt3A : vector<1024x1xf32> to vector<1024x768xf32>
    %div3A_17 = arith.divf %sub3A_13, %div3A_16 : vector<1024x768xf32>
    %get3A_18 = arith.constant 0 : index
    %get3A_19 = arith.constant 0 : index
    %get3A_20 = vector.load %arg8[%get3A_18, %get3A_19] : memref<1x768xf32, #tpu.memory_space<vmem>>, vector<1x768xf32>
    %mul3A = vector.broadcast %get3A_20 : vector<1x768xf32> to vector<1024x768xf32>
    %mul3A_21 = arith.mulf %div3A_17, %mul3A : vector<1024x768xf32>
    %get3A_22 = arith.constant 0 : index
    %get3A_23 = arith.constant 0 : index
    %get3A_24 = vector.load %arg9[%get3A_22, %get3A_23] : memref<1x768xf32, #tpu.memory_space<vmem>>, vector<1x768xf32>
    %add3A_25 = vector.broadcast %get3A_24 : vector<1x768xf32> to vector<1024x768xf32>
    %add3A_26 = arith.addf %mul3A_21, %add3A_25 : vector<1024x768xf32>
    %convert_element_type3A = arith.truncf %add3A_26 : vector<1024x768xf32> to vector<1024x768xbf16>
    %get3A_27 = arith.constant 0 : index
    %get3A_28 = arith.constant 0 : index
    %get3A_29 = vector.load %arg4[%get3A_27, %get3A_28] : memref<3072x768xbf16, #tpu.memory_space<vmem>>, vector<3072x768xbf16>
    %dot_general3A = arith.constant dense<0.000000e+00> : vector<1024x3072xf32>
    %dot_general3A_30 = tpu.matmul %convert_element_type3A, %get3A_29, %dot_general3A {dimension_numbers = #tpu.dot_dimension_numbers<[1], [1], [0], [0], [0, 0, 1, 0], [], []>, transpose_lhs_hint = false} : vector<1024x768xbf16>, vector<3072x768xbf16>, vector<1024x3072xf32> -> vector<1024x3072xf32>
    %get3A_31 = arith.constant 0 : index
    %get3A_32 = arith.constant 0 : index
    %get3A_33 = vector.load %arg5[%get3A_31, %get3A_32] : memref<1x3072xf32, #tpu.memory_space<vmem>>, vector<1x3072xf32>
    %add3A_34 = vector.broadcast %get3A_33 : vector<1x3072xf32> to vector<1024x3072xf32>
    %add3A_35 = arith.addf %dot_general3A_30, %add3A_34 : vector<1024x3072xf32>
    %mul3A_36 = arith.constant 5.000000e-01 : f32
    %mul3A_37 = vector.broadcast %mul3A_36 : f32 to vector<1024x3072xf32>
    %mul3A_38 = arith.mulf %mul3A_37, %add3A_35 : vector<1024x3072xf32>
    %mul3A_39 = arith.constant 0.707106769 : f32
    %mul3A_40 = vector.broadcast %mul3A_39 : f32 to vector<1024x3072xf32>
    %mul3A_41 = arith.mulf %add3A_35, %mul3A_40 : vector<1024x3072xf32>
    %erf3A = math.erf %mul3A_41 : vector<1024x3072xf32>
    %add3A_42 = arith.constant 1.000000e+00 : f32
    %add3A_43 = vector.broadcast %add3A_42 : f32 to vector<1024x3072xf32>
    %add3A_44 = arith.addf %add3A_43, %erf3A : vector<1024x3072xf32>
    %mul3A_45 = arith.mulf %mul3A_38, %add3A_44 : vector<1024x3072xf32>
    %convert_element_type3A_46 = arith.truncf %mul3A_45 : vector<1024x3072xf32> to vector<1024x3072xbf16>
    %get3A_47 = arith.constant 0 : index
    %get3A_48 = arith.constant 0 : index
    %get3A_49 = vector.load %arg6[%get3A_47, %get3A_48] : memref<768x3072xbf16, #tpu.memory_space<vmem>>, vector<768x3072xbf16>
    %dot_general3A_50 = arith.constant dense<0.000000e+00> : vector<1024x768xf32>
    %dot_general3A_51 = tpu.matmul %convert_element_type3A_46, %get3A_49, %dot_general3A_50 {dimension_numbers = #tpu.dot_dimension_numbers<[1], [1], [0], [0], [0, 0, 1, 0], [], []>, transpose_lhs_hint = false} : vector<1024x3072xbf16>, vector<768x3072xbf16>, vector<1024x768xf32> -> vector<1024x768xf32>
    %get3A_52 = arith.constant 0 : index
    %get3A_53 = arith.constant 0 : index
    %get3A_54 = vector.load %arg7[%get3A_52, %get3A_53] : memref<1x768xf32, #tpu.memory_space<vmem>>, vector<1x768xf32>
    %add3A_55 = vector.broadcast %get3A_54 : vector<1x768xf32> to vector<1024x768xf32>
    %add3A_56 = arith.addf %dot_general3A_51, %add3A_55 : vector<1024x768xf32>
    %get3A_57 = arith.constant 0 : index
    %get3A_58 = arith.constant 0 : index
    %get3A_59 = memref.load %arg1[%get3A_57, %get3A_58] : memref<1x1xf32, #tpu.memory_space<smem>>
    %get3A_60 = arith.constant 0 : index
    %get3A_61 = arith.constant 0 : index
    %get3A_62 = vector.load %arg3[%get3A_60, %get3A_61] : memref<1024x8xf32, #tpu.memory_space<vmem>>, vector<1024x1xf32>
    %mul3A_63 = vector.broadcast %get3A_59 : f32 to vector<1024x1xf32>
    %mul3A_64 = arith.mulf %mul3A_63, %get3A_62 : vector<1024x1xf32>
    %add3A_65 = arith.constant 1.000000e+00 : f32
    %add3A_66 = vector.broadcast %add3A_65 : f32 to vector<1024x1xf32>
    %add3A_67 = arith.addf %mul3A_64, %add3A_66 : vector<1024x1xf32>
    %mul3A_68 = vector.broadcast %add3A_67 : vector<1024x1xf32> to vector<1024x768xf32>
    %mul3A_69 = arith.mulf %mul3A_68, %add3A_56 : vector<1024x768xf32>
    %add3A_70 = arith.addf %get3A_1, %mul3A_69 : vector<1024x768xf32>
    %swap3A = arith.constant 0 : index
    %swap3A_71 = arith.constant 0 : index
    %swap3A_72 = vector.load %arg10[%swap3A, %swap3A_71] : memref<1024x768xf32, #tpu.memory_space<vmem>>, vector<1024x768xf32>
    tpu.vector_store %arg10[%swap3A, %swap3A_71], %add3A_70 {strides = array<i32>} : memref<1024x768xf32, #tpu.memory_space<vmem>>, vector<1024x768xf32>,
    return
  }
  func.func @transform_0(%arg0: i32) -> (i32, i32) {
    %c0_i32 = arith.constant 0 : i32
    %c0_i32_0 = arith.constant 0 : i32
    %c0_i32_1 = arith.constant 0 : i32
    return %c0_i32, %c0_i32_0 : i32, i32
  }
  func.func @transform_1(%arg0: i32) -> (i32, i32) {
    %lt3A = arith.constant 1 : i32
    %lt3A_0 = arith.cmpi slt, %arg0, %lt3A : i32
    %add3A = arith.constant 0 : i32
    %add3A_1 = arith.addi %add3A, %arg0 : i32
    %add3A_2 = arith.constant 7 : i32
    %add3A_3 = arith.addi %add3A_2, %arg0 : i32
    %select_n3A = arith.select %lt3A_0, %add3A_1, %add3A_3 : i32
    %c0_i32 = arith.constant 0 : i32
    %c0_i32_4 = arith.constant 0 : i32
    return %select_n3A, %c0_i32 : i32, i32
  }
  func.func @transform_2(%arg0: i32) -> (i32, i32) {
    %lt3A = arith.constant 1 : i32
    %lt3A_0 = arith.cmpi slt, %arg0, %lt3A : i32
    %add3A = arith.constant 0 : i32
    %add3A_1 = arith.addi %add3A, %arg0 : i32
    %add3A_2 = arith.constant 7 : i32
    %add3A_3 = arith.addi %add3A_2, %arg0 : i32
    %select_n3A = arith.select %lt3A_0, %add3A_1, %add3A_3 : i32
    %c0_i32 = arith.constant 0 : i32
    %c0_i32_4 = arith.constant 0 : i32
    return %select_n3A, %c0_i32 : i32, i32
  }
  func.func @transform_3(%arg0: i32) -> (i32, i32) {
    %c0_i32 = arith.constant 0 : i32
    %c0_i32_0 = arith.constant 0 : i32
    %c0_i32_1 = arith.constant 0 : i32
    return %c0_i32, %c0_i32_0 : i32, i32
  }
  func.func @transform_4(%arg0: i32) -> (i32, i32) {
    %c0_i32 = arith.constant 0 : i32
    %c0_i32_0 = arith.constant 0 : i32
    %c0_i32_1 = arith.constant 0 : i32
    return %c0_i32, %c0_i32_0 : i32, i32
  }
  func.func @transform_5(%arg0: i32) -> (i32, i32) {
    %c0_i32 = arith.constant 0 : i32
    %c0_i32_0 = arith.constant 0 : i32
    %c0_i32_1 = arith.constant 0 : i32
    return %c0_i32, %c0_i32_0 : i32, i32
  }
  func.func @transform_6(%arg0: i32) -> (i32, i32) {
    %c0_i32 = arith.constant 0 : i32
    %c0_i32_0 = arith.constant 0 : i32
    %c0_i32_1 = arith.constant 0 : i32
    return %c0_i32, %c0_i32_0 : i32, i32
  }
  func.func @transform_7(%arg0: i32) -> (i32, i32) {
    %c0_i32 = arith.constant 0 : i32
    %c0_i32_0 = arith.constant 0 : i32
    %c0_i32_1 = arith.constant 0 : i32
    return %c0_i32, %c0_i32_0 : i32, i32
  }
  func.func @transform_8(%arg0: i32) -> (i32, i32) {
    %c0_i32 = arith.constant 0 : i32
    %c0_i32_0 = arith.constant 0 : i32
    %c0_i32_1 = arith.constant 0 : i32
    return %c0_i32, %c0_i32_0 : i32, i32
  }
  func.func @transform_9(%arg0: i32) -> (i32, i32) {
    %lt3A = arith.constant 1 : i32
    %lt3A_0 = arith.cmpi slt, %arg0, %lt3A : i32
    %add3A = arith.constant 0 : i32
    %add3A_1 = arith.addi %add3A, %arg0 : i32
    %add3A_2 = arith.constant 7 : i32
    %add3A_3 = arith.addi %add3A_2, %arg0 : i32
    %select_n3A = arith.select %lt3A_0, %add3A_1, %add3A_3 : i32
    %c0_i32 = arith.constant 0 : i32
    %c0_i32_4 = arith.constant 0 : i32
    return %select_n3A, %c0_i32 : i32, i32
  }
}

module attributes {stable_mosaic.version = 14 : i64} {
  func.func @_mlp_body(%arg0: i32, %arg1: memref<1x1xf32, #tpu.memory_space<smem>>, %arg2: memref<1024x768xf32, #tpu.memory_space<vmem>>, %arg3: memref<1024x8xf32, #tpu.memory_space<vmem>>, %arg4: memref<3072x384xbf16, #tpu.memory_space<vmem>>, %arg5: memref<1x3072xf32, #tpu.memory_space<vmem>>, %arg6: memref<384x3072xbf16, #tpu.memory_space<vmem>>, %arg7: memref<1x384xf32, #tpu.memory_space<vmem>>, %arg8: memref<1x768xf32, #tpu.memory_space<vmem>>, %arg9: memref<1x768xf32, #tpu.memory_space<vmem>>, %arg10: memref<1024x768xf32, #tpu.memory_space<vmem>>) attributes {dimension_semantics = [#tpu.dimension_semantics<arbitrary>], iteration_bounds = array<i64: 2>, scalar_prefetch = 0 : i64, scratch_operands = 0 : i64, tpu.core_type = #tpu.core_type<tc>, window_params = [{transform_indices = @transform_0, window_bounds = array<i64: 1, 1>}, {transform_indices = @transform_1, window_bounds = array<i64: 1024, 768>}, {transform_indices = @transform_2, window_bounds = array<i64: 1024, 8>}, {transform_indices = @transform_3, window_bounds = array<i64: 3072, 384>}, {pipeline_mode = #tpu.pipeline_mode<synchronous>, transform_indices = @transform_4, window_bounds = array<i64: 1, 3072>}, {transform_indices = @transform_5, window_bounds = array<i64: 384, 3072>}, {transform_indices = @transform_6, window_bounds = array<i64: 1, 384>}, {pipeline_mode = #tpu.pipeline_mode<synchronous>, transform_indices = @transform_7, window_bounds = array<i64: 1, 768>}, {pipeline_mode = #tpu.pipeline_mode<synchronous>, transform_indices = @transform_8, window_bounds = array<i64: 1, 768>}, {transform_indices = @transform_9, window_bounds = array<i64: 1024, 768>}]} {
    %get3A = arith.constant 0 : index
    %get3A_0 = arith.constant 0 : index
    %get3A_1 = vector.load %arg2[%get3A, %get3A_0] : memref<1024x768xf32, #tpu.memory_space<vmem>>, vector<1024x768xf32>
    %reduce_sum3A = arith.constant dense<0.000000e+00> : vector<1024xf32>
    %reduce_sum3A_2 = vector.multi_reduction <add>, %get3A_1, %reduce_sum3A [1] : vector<1024x768xf32> to vector<1024xf32>
    %broadcast_in_dim3A = vector.shape_cast %reduce_sum3A_2 : vector<1024xf32> to vector<1024x1xf32>
    %div3A = arith.constant 7.680000e+02 : f32
    %div3A_3 = vector.broadcast %div3A : f32 to vector<1024x1xf32>
    %div3A_4 = arith.divf %broadcast_in_dim3A, %div3A_3 : vector<1024x1xf32>
    %sub3A = vector.broadcast %div3A_4 : vector<1024x1xf32> to vector<1024x768xf32>
    %sub3A_5 = arith.subf %get3A_1, %sub3A : vector<1024x768xf32>
    %integer_pow3A = arith.mulf %sub3A_5, %sub3A_5 : vector<1024x768xf32>
    %reduce_sum3A_6 = arith.constant dense<0.000000e+00> : vector<1024xf32>
    %reduce_sum3A_7 = vector.multi_reduction <add>, %integer_pow3A, %reduce_sum3A_6 [1] : vector<1024x768xf32> to vector<1024xf32>
    %broadcast_in_dim3A_8 = vector.shape_cast %reduce_sum3A_7 : vector<1024xf32> to vector<1024x1xf32>
    %div3A_9 = arith.constant 7.680000e+02 : f32
    %div3A_10 = vector.broadcast %div3A_9 : f32 to vector<1024x1xf32>
    %div3A_11 = arith.divf %broadcast_in_dim3A_8, %div3A_10 : vector<1024x1xf32>
    %sub3A_12 = vector.broadcast %div3A_4 : vector<1024x1xf32> to vector<1024x768xf32>
    %sub3A_13 = arith.subf %get3A_1, %sub3A_12 : vector<1024x768xf32>
    %add3A = arith.constant 9.99999974E-6 : f32
    %add3A_14 = vector.broadcast %add3A : f32 to vector<1024x1xf32>
    %add3A_15 = arith.addf %div3A_11, %add3A_14 : vector<1024x1xf32>
    %sqrt3A = math.sqrt %add3A_15 : vector<1024x1xf32>
    %div3A_16 = vector.broadcast %sqrt3A : vector<1024x1xf32> to vector<1024x768xf32>
    %div3A_17 = arith.divf %sub3A_13, %div3A_16 : vector<1024x768xf32>
    %get3A_18 = arith.constant 0 : index
    %get3A_19 = arith.constant 0 : index
    %get3A_20 = vector.load %arg8[%get3A_18, %get3A_19] : memref<1x768xf32, #tpu.memory_space<vmem>>, vector<1x768xf32>
    %mul3A = vector.broadcast %get3A_20 : vector<1x768xf32> to vector<1024x768xf32>
    %mul3A_21 = arith.mulf %div3A_17, %mul3A : vector<1024x768xf32>
    %get3A_22 = arith.constant 0 : index
    %get3A_23 = arith.constant 0 : index
    %get3A_24 = vector.load %arg9[%get3A_22, %get3A_23] : memref<1x768xf32, #tpu.memory_space<vmem>>, vector<1x768xf32>
    %add3A_25 = vector.broadcast %get3A_24 : vector<1x768xf32> to vector<1024x768xf32>
    %add3A_26 = arith.addf %mul3A_21, %add3A_25 : vector<1024x768xf32>
    %slice3A = vector.extract_strided_slice %add3A_26 {offsets = [0, 0], sizes = [1024, 384], strides = [1, 1]} : vector<1024x768xf32> to vector<1024x384xf32>
    %convert_element_type3A = arith.truncf %slice3A : vector<1024x384xf32> to vector<1024x384xbf16>
    %get3A_27 = arith.constant 0 : index
    %get3A_28 = arith.constant 0 : index
    %get3A_29 = vector.load %arg4[%get3A_27, %get3A_28] : memref<3072x384xbf16, #tpu.memory_space<vmem>>, vector<3072x384xbf16>
    %dot_general3A = arith.constant dense<0.000000e+00> : vector<1024x3072xf32>
    %dot_general3A_30 = tpu.matmul %convert_element_type3A, %get3A_29, %dot_general3A {dimension_numbers = #tpu.dot_dimension_numbers<[1], [1], [0], [0], [0, 0, 1, 0], [], []>, transpose_lhs_hint = false} : vector<1024x384xbf16>, vector<3072x384xbf16>, vector<1024x3072xf32> -> vector<1024x3072xf32>
    %get3A_31 = arith.constant 0 : index
    %get3A_32 = arith.constant 0 : index
    %get3A_33 = vector.load %arg5[%get3A_31, %get3A_32] : memref<1x3072xf32, #tpu.memory_space<vmem>>, vector<1x3072xf32>
    %add3A_34 = vector.broadcast %get3A_33 : vector<1x3072xf32> to vector<1024x3072xf32>
    %add3A_35 = arith.addf %dot_general3A_30, %add3A_34 : vector<1024x3072xf32>
    %mul3A_36 = arith.constant 5.000000e-01 : f32
    %mul3A_37 = vector.broadcast %mul3A_36 : f32 to vector<1024x3072xf32>
    %mul3A_38 = arith.mulf %mul3A_37, %add3A_35 : vector<1024x3072xf32>
    %mul3A_39 = arith.constant 0.707106769 : f32
    %mul3A_40 = vector.broadcast %mul3A_39 : f32 to vector<1024x3072xf32>
    %mul3A_41 = arith.mulf %add3A_35, %mul3A_40 : vector<1024x3072xf32>
    %erf3A = math.erf %mul3A_41 : vector<1024x3072xf32>
    %add3A_42 = arith.constant 1.000000e+00 : f32
    %add3A_43 = vector.broadcast %add3A_42 : f32 to vector<1024x3072xf32>
    %add3A_44 = arith.addf %add3A_43, %erf3A : vector<1024x3072xf32>
    %mul3A_45 = arith.mulf %mul3A_38, %add3A_44 : vector<1024x3072xf32>
    %convert_element_type3A_46 = arith.truncf %mul3A_45 : vector<1024x3072xf32> to vector<1024x3072xbf16>
    %get3A_47 = arith.constant 0 : index
    %get3A_48 = arith.constant 0 : index
    %get3A_49 = vector.load %arg6[%get3A_47, %get3A_48] : memref<384x3072xbf16, #tpu.memory_space<vmem>>, vector<384x3072xbf16>
    %dot_general3A_50 = arith.constant dense<0.000000e+00> : vector<1024x384xf32>
    %dot_general3A_51 = tpu.matmul %convert_element_type3A_46, %get3A_49, %dot_general3A_50 {dimension_numbers = #tpu.dot_dimension_numbers<[1], [1], [0], [0], [0, 0, 1, 0], [], []>, transpose_lhs_hint = false} : vector<1024x3072xbf16>, vector<384x3072xbf16>, vector<1024x384xf32> -> vector<1024x384xf32>
    %get3A_52 = arith.constant 0 : index
    %get3A_53 = arith.constant 0 : index
    %get3A_54 = vector.load %arg7[%get3A_52, %get3A_53] : memref<1x384xf32, #tpu.memory_space<vmem>>, vector<1x384xf32>
    %add3A_55 = vector.broadcast %get3A_54 : vector<1x384xf32> to vector<1024x384xf32>
    %add3A_56 = arith.addf %dot_general3A_51, %add3A_55 : vector<1024x384xf32>
    %get3A_57 = arith.constant 0 : index
    %get3A_58 = arith.constant 0 : index
    %get3A_59 = memref.load %arg1[%get3A_57, %get3A_58] : memref<1x1xf32, #tpu.memory_space<smem>>
    %get3A_60 = arith.constant 0 : index
    %get3A_61 = arith.constant 1 : index
    %get3A_62 = vector.load %arg3[%get3A_60, %get3A_61] : memref<1024x8xf32, #tpu.memory_space<vmem>>, vector<1024x1xf32>
    %mul3A_63 = vector.broadcast %get3A_59 : f32 to vector<1024x1xf32>
    %mul3A_64 = arith.mulf %mul3A_63, %get3A_62 : vector<1024x1xf32>
    %add3A_65 = arith.constant 1.000000e+00 : f32
    %add3A_66 = vector.broadcast %add3A_65 : f32 to vector<1024x1xf32>
    %add3A_67 = arith.addf %mul3A_64, %add3A_66 : vector<1024x1xf32>
    %slice3A_68 = vector.extract_strided_slice %get3A_1 {offsets = [0, 0], sizes = [1024, 384], strides = [1, 1]} : vector<1024x768xf32> to vector<1024x384xf32>
    %mul3A_69 = vector.broadcast %add3A_67 : vector<1024x1xf32> to vector<1024x384xf32>
    %mul3A_70 = arith.mulf %mul3A_69, %add3A_56 : vector<1024x384xf32>
    %add3A_71 = arith.addf %slice3A_68, %mul3A_70 : vector<1024x384xf32>
    %slice3A_72 = vector.extract_strided_slice %get3A_1 {offsets = [0, 384], sizes = [1024, 384], strides = [1, 1]} : vector<1024x768xf32> to vector<1024x384xf32>
    %concatenate3A = tpu.concatenate %add3A_71, %slice3A_72 in 1 : vector<1024x384xf32>, vector<1024x384xf32> -> vector<1024x768xf32>
    %swap3A = arith.constant 0 : index
    %swap3A_73 = arith.constant 0 : index
    %swap3A_74 = vector.load %arg10[%swap3A, %swap3A_73] : memref<1024x768xf32, #tpu.memory_space<vmem>>, vector<1024x768xf32>
    tpu.vector_store %arg10[%swap3A, %swap3A_73], %concatenate3A {strides = array<i32>} : memref<1024x768xf32, #tpu.memory_space<vmem>>, vector<1024x768xf32>,
    return
  }
  func.func @transform_0(%arg0: i32) -> (i32, i32) {
    %c0_i32 = arith.constant 0 : i32
    %c0_i32_0 = arith.constant 0 : i32
    %c0_i32_1 = arith.constant 0 : i32
    return %c0_i32, %c0_i32_0 : i32, i32
  }
  func.func @transform_1(%arg0: i32) -> (i32, i32) {
    %lt3A = arith.constant 1 : i32
    %lt3A_0 = arith.cmpi slt, %arg0, %lt3A : i32
    %add3A = arith.constant 1 : i32
    %add3A_1 = arith.addi %add3A, %arg0 : i32
    %add3A_2 = arith.constant 8 : i32
    %add3A_3 = arith.addi %add3A_2, %arg0 : i32
    %select_n3A = arith.select %lt3A_0, %add3A_1, %add3A_3 : i32
    %c0_i32 = arith.constant 0 : i32
    %c0_i32_4 = arith.constant 0 : i32
    return %select_n3A, %c0_i32 : i32, i32
  }
  func.func @transform_2(%arg0: i32) -> (i32, i32) {
    %lt3A = arith.constant 1 : i32
    %lt3A_0 = arith.cmpi slt, %arg0, %lt3A : i32
    %add3A = arith.constant 1 : i32
    %add3A_1 = arith.addi %add3A, %arg0 : i32
    %add3A_2 = arith.constant 8 : i32
    %add3A_3 = arith.addi %add3A_2, %arg0 : i32
    %select_n3A = arith.select %lt3A_0, %add3A_1, %add3A_3 : i32
    %c0_i32 = arith.constant 0 : i32
    %c0_i32_4 = arith.constant 0 : i32
    return %select_n3A, %c0_i32 : i32, i32
  }
  func.func @transform_3(%arg0: i32) -> (i32, i32) {
    %c0_i32 = arith.constant 0 : i32
    %c0_i32_0 = arith.constant 0 : i32
    %c0_i32_1 = arith.constant 0 : i32
    return %c0_i32, %c0_i32_0 : i32, i32
  }
  func.func @transform_4(%arg0: i32) -> (i32, i32) {
    %c0_i32 = arith.constant 0 : i32
    %c0_i32_0 = arith.constant 0 : i32
    %c0_i32_1 = arith.constant 0 : i32
    return %c0_i32, %c0_i32_0 : i32, i32
  }
  func.func @transform_5(%arg0: i32) -> (i32, i32) {
    %c0_i32 = arith.constant 0 : i32
    %c0_i32_0 = arith.constant 0 : i32
    %c0_i32_1 = arith.constant 0 : i32
    return %c0_i32, %c0_i32_0 : i32, i32
  }
  func.func @transform_6(%arg0: i32) -> (i32, i32) {
    %c0_i32 = arith.constant 0 : i32
    %c0_i32_0 = arith.constant 0 : i32
    %c0_i32_1 = arith.constant 0 : i32
    return %c0_i32, %c0_i32_0 : i32, i32
  }
  func.func @transform_7(%arg0: i32) -> (i32, i32) {
    %c0_i32 = arith.constant 0 : i32
    %c0_i32_0 = arith.constant 0 : i32
    %c0_i32_1 = arith.constant 0 : i32
    return %c0_i32, %c0_i32_0 : i32, i32
  }
  func.func @transform_8(%arg0: i32) -> (i32, i32) {
    %c0_i32 = arith.constant 0 : i32
    %c0_i32_0 = arith.constant 0 : i32
    %c0_i32_1 = arith.constant 0 : i32
    return %c0_i32, %c0_i32_0 : i32, i32
  }
  func.func @transform_9(%arg0: i32) -> (i32, i32) {
    %lt3A = arith.constant 1 : i32
    %lt3A_0 = arith.cmpi slt, %arg0, %lt3A : i32
    %add3A = arith.constant 1 : i32
    %add3A_1 = arith.addi %add3A, %arg0 : i32
    %add3A_2 = arith.constant 8 : i32
    %add3A_3 = arith.addi %add3A_2, %arg0 : i32
    %select_n3A = arith.select %lt3A_0, %add3A_1, %add3A_3 : i32
    %c0_i32 = arith.constant 0 : i32
    %c0_i32_4 = arith.constant 0 : i32
    return %select_n3A, %c0_i32 : i32, i32
  }
}

module attributes {stable_mosaic.version = 14 : i64} {
  func.func @_mlp_body(%arg0: i32, %arg1: memref<1x1xf32, #tpu.memory_space<smem>>, %arg2: memref<1024x768xf32, #tpu.memory_space<vmem>>, %arg3: memref<1024x8xf32, #tpu.memory_space<vmem>>, %arg4: memref<3072x256xbf16, #tpu.memory_space<vmem>>, %arg5: memref<1x3072xf32, #tpu.memory_space<vmem>>, %arg6: memref<256x3072xbf16, #tpu.memory_space<vmem>>, %arg7: memref<1x256xf32, #tpu.memory_space<vmem>>, %arg8: memref<1x768xf32, #tpu.memory_space<vmem>>, %arg9: memref<1x768xf32, #tpu.memory_space<vmem>>, %arg10: memref<1024x768xf32, #tpu.memory_space<vmem>>) attributes {dimension_semantics = [#tpu.dimension_semantics<arbitrary>], iteration_bounds = array<i64: 2>, scalar_prefetch = 0 : i64, scratch_operands = 0 : i64, tpu.core_type = #tpu.core_type<tc>, window_params = [{transform_indices = @transform_0, window_bounds = array<i64: 1, 1>}, {transform_indices = @transform_1, window_bounds = array<i64: 1024, 768>}, {transform_indices = @transform_2, window_bounds = array<i64: 1024, 8>}, {transform_indices = @transform_3, window_bounds = array<i64: 3072, 256>}, {pipeline_mode = #tpu.pipeline_mode<synchronous>, transform_indices = @transform_4, window_bounds = array<i64: 1, 3072>}, {transform_indices = @transform_5, window_bounds = array<i64: 256, 3072>}, {transform_indices = @transform_6, window_bounds = array<i64: 1, 256>}, {pipeline_mode = #tpu.pipeline_mode<synchronous>, transform_indices = @transform_7, window_bounds = array<i64: 1, 768>}, {pipeline_mode = #tpu.pipeline_mode<synchronous>, transform_indices = @transform_8, window_bounds = array<i64: 1, 768>}, {transform_indices = @transform_9, window_bounds = array<i64: 1024, 768>}]} {
    %get3A = arith.constant 0 : index
    %get3A_0 = arith.constant 0 : index
    %get3A_1 = vector.load %arg2[%get3A, %get3A_0] : memref<1024x768xf32, #tpu.memory_space<vmem>>, vector<1024x768xf32>
    %reduce_sum3A = arith.constant dense<0.000000e+00> : vector<1024xf32>
    %reduce_sum3A_2 = vector.multi_reduction <add>, %get3A_1, %reduce_sum3A [1] : vector<1024x768xf32> to vector<1024xf32>
    %broadcast_in_dim3A = vector.shape_cast %reduce_sum3A_2 : vector<1024xf32> to vector<1024x1xf32>
    %div3A = arith.constant 7.680000e+02 : f32
    %div3A_3 = vector.broadcast %div3A : f32 to vector<1024x1xf32>
    %div3A_4 = arith.divf %broadcast_in_dim3A, %div3A_3 : vector<1024x1xf32>
    %sub3A = vector.broadcast %div3A_4 : vector<1024x1xf32> to vector<1024x768xf32>
    %sub3A_5 = arith.subf %get3A_1, %sub3A : vector<1024x768xf32>
    %integer_pow3A = arith.mulf %sub3A_5, %sub3A_5 : vector<1024x768xf32>
    %reduce_sum3A_6 = arith.constant dense<0.000000e+00> : vector<1024xf32>
    %reduce_sum3A_7 = vector.multi_reduction <add>, %integer_pow3A, %reduce_sum3A_6 [1] : vector<1024x768xf32> to vector<1024xf32>
    %broadcast_in_dim3A_8 = vector.shape_cast %reduce_sum3A_7 : vector<1024xf32> to vector<1024x1xf32>
    %div3A_9 = arith.constant 7.680000e+02 : f32
    %div3A_10 = vector.broadcast %div3A_9 : f32 to vector<1024x1xf32>
    %div3A_11 = arith.divf %broadcast_in_dim3A_8, %div3A_10 : vector<1024x1xf32>
    %sub3A_12 = vector.broadcast %div3A_4 : vector<1024x1xf32> to vector<1024x768xf32>
    %sub3A_13 = arith.subf %get3A_1, %sub3A_12 : vector<1024x768xf32>
    %add3A = arith.constant 9.99999974E-6 : f32
    %add3A_14 = vector.broadcast %add3A : f32 to vector<1024x1xf32>
    %add3A_15 = arith.addf %div3A_11, %add3A_14 : vector<1024x1xf32>
    %sqrt3A = math.sqrt %add3A_15 : vector<1024x1xf32>
    %div3A_16 = vector.broadcast %sqrt3A : vector<1024x1xf32> to vector<1024x768xf32>
    %div3A_17 = arith.divf %sub3A_13, %div3A_16 : vector<1024x768xf32>
    %get3A_18 = arith.constant 0 : index
    %get3A_19 = arith.constant 0 : index
    %get3A_20 = vector.load %arg8[%get3A_18, %get3A_19] : memref<1x768xf32, #tpu.memory_space<vmem>>, vector<1x768xf32>
    %mul3A = vector.broadcast %get3A_20 : vector<1x768xf32> to vector<1024x768xf32>
    %mul3A_21 = arith.mulf %div3A_17, %mul3A : vector<1024x768xf32>
    %get3A_22 = arith.constant 0 : index
    %get3A_23 = arith.constant 0 : index
    %get3A_24 = vector.load %arg9[%get3A_22, %get3A_23] : memref<1x768xf32, #tpu.memory_space<vmem>>, vector<1x768xf32>
    %add3A_25 = vector.broadcast %get3A_24 : vector<1x768xf32> to vector<1024x768xf32>
    %add3A_26 = arith.addf %mul3A_21, %add3A_25 : vector<1024x768xf32>
    %slice3A = vector.extract_strided_slice %add3A_26 {offsets = [0, 0], sizes = [1024, 256], strides = [1, 1]} : vector<1024x768xf32> to vector<1024x256xf32>
    %iota3A = tpu.iota {dimensions = array<i32: 1>} : vector<1x256xi32>
    %lt3A = arith.constant 192 : i32
    %lt3A_27 = vector.broadcast %lt3A : i32 to vector<1x256xi32>
    %lt3A_28 = arith.cmpi slt, %iota3A, %lt3A_27 : vector<1x256xi32>
    %jit3A = arith.constant 0.000000e+00 : f32
    %broadcast_in_dim3A_29 = vector.shape_cast %lt3A_28 : vector<1x256xi1> to vector<1x256xi1>
    %broadcast_in_dim3A_30 = vector.broadcast %broadcast_in_dim3A_29 : vector<1x256xi1> to vector<1024x256xi1>
    %broadcast_in_dim3A_31 = vector.broadcast %jit3A : f32 to vector<1024x256xf32>
    %select_n3A = arith.select %broadcast_in_dim3A_30, %slice3A, %broadcast_in_dim3A_31 : vector<1024x256xi1>, vector<1024x256xf32>
    %convert_element_type3A = arith.truncf %select_n3A : vector<1024x256xf32> to vector<1024x256xbf16>
    %get3A_32 = arith.constant 0 : index
    %get3A_33 = arith.constant 0 : index
    %get3A_34 = vector.load %arg4[%get3A_32, %get3A_33] : memref<3072x256xbf16, #tpu.memory_space<vmem>>, vector<3072x256xbf16>
    %dot_general3A = arith.constant dense<0.000000e+00> : vector<1024x3072xf32>
    %dot_general3A_35 = tpu.matmul %convert_element_type3A, %get3A_34, %dot_general3A {dimension_numbers = #tpu.dot_dimension_numbers<[1], [1], [0], [0], [0, 0, 1, 0], [], []>, transpose_lhs_hint = false} : vector<1024x256xbf16>, vector<3072x256xbf16>, vector<1024x3072xf32> -> vector<1024x3072xf32>
    %get3A_36 = arith.constant 0 : index
    %get3A_37 = arith.constant 0 : index
    %get3A_38 = vector.load %arg5[%get3A_36, %get3A_37] : memref<1x3072xf32, #tpu.memory_space<vmem>>, vector<1x3072xf32>
    %add3A_39 = vector.broadcast %get3A_38 : vector<1x3072xf32> to vector<1024x3072xf32>
    %add3A_40 = arith.addf %dot_general3A_35, %add3A_39 : vector<1024x3072xf32>
    %mul3A_41 = arith.constant 5.000000e-01 : f32
    %mul3A_42 = vector.broadcast %mul3A_41 : f32 to vector<1024x3072xf32>
    %mul3A_43 = arith.mulf %mul3A_42, %add3A_40 : vector<1024x3072xf32>
    %mul3A_44 = arith.constant 0.707106769 : f32
    %mul3A_45 = vector.broadcast %mul3A_44 : f32 to vector<1024x3072xf32>
    %mul3A_46 = arith.mulf %add3A_40, %mul3A_45 : vector<1024x3072xf32>
    %erf3A = math.erf %mul3A_46 : vector<1024x3072xf32>
    %add3A_47 = arith.constant 1.000000e+00 : f32
    %add3A_48 = vector.broadcast %add3A_47 : f32 to vector<1024x3072xf32>
    %add3A_49 = arith.addf %add3A_48, %erf3A : vector<1024x3072xf32>
    %mul3A_50 = arith.mulf %mul3A_43, %add3A_49 : vector<1024x3072xf32>
    %convert_element_type3A_51 = arith.truncf %mul3A_50 : vector<1024x3072xf32> to vector<1024x3072xbf16>
    %get3A_52 = arith.constant 0 : index
    %get3A_53 = arith.constant 0 : index
    %get3A_54 = vector.load %arg6[%get3A_52, %get3A_53] : memref<256x3072xbf16, #tpu.memory_space<vmem>>, vector<256x3072xbf16>
    %dot_general3A_55 = arith.constant dense<0.000000e+00> : vector<1024x256xf32>
    %dot_general3A_56 = tpu.matmul %convert_element_type3A_51, %get3A_54, %dot_general3A_55 {dimension_numbers = #tpu.dot_dimension_numbers<[1], [1], [0], [0], [0, 0, 1, 0], [], []>, transpose_lhs_hint = false} : vector<1024x3072xbf16>, vector<256x3072xbf16>, vector<1024x256xf32> -> vector<1024x256xf32>
    %get3A_57 = arith.constant 0 : index
    %get3A_58 = arith.constant 0 : index
    %get3A_59 = vector.load %arg7[%get3A_57, %get3A_58] : memref<1x256xf32, #tpu.memory_space<vmem>>, vector<1x256xf32>
    %add3A_60 = vector.broadcast %get3A_59 : vector<1x256xf32> to vector<1024x256xf32>
    %add3A_61 = arith.addf %dot_general3A_56, %add3A_60 : vector<1024x256xf32>
    %lt3A_62 = arith.constant 192 : i32
    %lt3A_63 = vector.broadcast %lt3A_62 : i32 to vector<1x256xi32>
    %lt3A_64 = arith.cmpi slt, %iota3A, %lt3A_63 : vector<1x256xi32>
    %jit3A_65 = arith.constant 0.000000e+00 : f32
    %broadcast_in_dim3A_66 = vector.shape_cast %lt3A_64 : vector<1x256xi1> to vector<1x256xi1>
    %broadcast_in_dim3A_67 = vector.broadcast %broadcast_in_dim3A_66 : vector<1x256xi1> to vector<1024x256xi1>
    %broadcast_in_dim3A_68 = vector.broadcast %jit3A_65 : f32 to vector<1024x256xf32>
    %select_n3A_69 = arith.select %broadcast_in_dim3A_67, %add3A_61, %broadcast_in_dim3A_68 : vector<1024x256xi1>, vector<1024x256xf32>
    %get3A_70 = arith.constant 0 : index
    %get3A_71 = arith.constant 0 : index
    %get3A_72 = memref.load %arg1[%get3A_70, %get3A_71] : memref<1x1xf32, #tpu.memory_space<smem>>
    %get3A_73 = arith.constant 0 : index
    %get3A_74 = arith.constant 2 : index
    %get3A_75 = vector.load %arg3[%get3A_73, %get3A_74] : memref<1024x8xf32, #tpu.memory_space<vmem>>, vector<1024x1xf32>
    %mul3A_76 = vector.broadcast %get3A_72 : f32 to vector<1024x1xf32>
    %mul3A_77 = arith.mulf %mul3A_76, %get3A_75 : vector<1024x1xf32>
    %add3A_78 = arith.constant 1.000000e+00 : f32
    %add3A_79 = vector.broadcast %add3A_78 : f32 to vector<1024x1xf32>
    %add3A_80 = arith.addf %mul3A_77, %add3A_79 : vector<1024x1xf32>
    %slice3A_81 = vector.extract_strided_slice %get3A_1 {offsets = [0, 0], sizes = [1024, 256], strides = [1, 1]} : vector<1024x768xf32> to vector<1024x256xf32>
    %mul3A_82 = vector.broadcast %add3A_80 : vector<1024x1xf32> to vector<1024x256xf32>
    %mul3A_83 = arith.mulf %mul3A_82, %select_n3A_69 : vector<1024x256xf32>
    %add3A_84 = arith.addf %slice3A_81, %mul3A_83 : vector<1024x256xf32>
    %slice3A_85 = vector.extract_strided_slice %get3A_1 {offsets = [0, 256], sizes = [1024, 512], strides = [1, 1]} : vector<1024x768xf32> to vector<1024x512xf32>
    %concatenate3A = tpu.concatenate %add3A_84, %slice3A_85 in 1 : vector<1024x256xf32>, vector<1024x512xf32> -> vector<1024x768xf32>
    %swap3A = arith.constant 0 : index
    %swap3A_86 = arith.constant 0 : index
    %swap3A_87 = vector.load %arg10[%swap3A, %swap3A_86] : memref<1024x768xf32, #tpu.memory_space<vmem>>, vector<1024x768xf32>
    tpu.vector_store %arg10[%swap3A, %swap3A_86], %concatenate3A {strides = array<i32>} : memref<1024x768xf32, #tpu.memory_space<vmem>>, vector<1024x768xf32>,
    return
  }
  func.func @transform_0(%arg0: i32) -> (i32, i32) {
    %c0_i32 = arith.constant 0 : i32
    %c0_i32_0 = arith.constant 0 : i32
    %c0_i32_1 = arith.constant 0 : i32
    return %c0_i32, %c0_i32_0 : i32, i32
  }
  func.func @transform_1(%arg0: i32) -> (i32, i32) {
    %lt3A = arith.constant 1 : i32
    %lt3A_0 = arith.cmpi slt, %arg0, %lt3A : i32
    %add3A = arith.constant 2 : i32
    %add3A_1 = arith.addi %add3A, %arg0 : i32
    %add3A_2 = arith.constant 9 : i32
    %add3A_3 = arith.addi %add3A_2, %arg0 : i32
    %select_n3A = arith.select %lt3A_0, %add3A_1, %add3A_3 : i32
    %c0_i32 = arith.constant 0 : i32
    %c0_i32_4 = arith.constant 0 : i32
    return %select_n3A, %c0_i32 : i32, i32
  }
  func.func @transform_2(%arg0: i32) -> (i32, i32) {
    %lt3A = arith.constant 1 : i32
    %lt3A_0 = arith.cmpi slt, %arg0, %lt3A : i32
    %add3A = arith.constant 2 : i32
    %add3A_1 = arith.addi %add3A, %arg0 : i32
    %add3A_2 = arith.constant 9 : i32
    %add3A_3 = arith.addi %add3A_2, %arg0 : i32
    %select_n3A = arith.select %lt3A_0, %add3A_1, %add3A_3 : i32
    %c0_i32 = arith.constant 0 : i32
    %c0_i32_4 = arith.constant 0 : i32
    return %select_n3A, %c0_i32 : i32, i32
  }
  func.func @transform_3(%arg0: i32) -> (i32, i32) {
    %c0_i32 = arith.constant 0 : i32
    %c0_i32_0 = arith.constant 0 : i32
    %c0_i32_1 = arith.constant 0 : i32
    return %c0_i32, %c0_i32_0 : i32, i32
  }
  func.func @transform_4(%arg0: i32) -> (i32, i32) {
    %c0_i32 = arith.constant 0 : i32
    %c0_i32_0 = arith.constant 0 : i32
    %c0_i32_1 = arith.constant 0 : i32
    return %c0_i32, %c0_i32_0 : i32, i32
  }
  func.func @transform_5(%arg0: i32) -> (i32, i32) {
    %c0_i32 = arith.constant 0 : i32
    %c0_i32_0 = arith.constant 0 : i32
    %c0_i32_1 = arith.constant 0 : i32
    return %c0_i32, %c0_i32_0 : i32, i32
  }
  func.func @transform_6(%arg0: i32) -> (i32, i32) {
    %c0_i32 = arith.constant 0 : i32
    %c0_i32_0 = arith.constant 0 : i32
    %c0_i32_1 = arith.constant 0 : i32
    return %c0_i32, %c0_i32_0 : i32, i32
  }
  func.func @transform_7(%arg0: i32) -> (i32, i32) {
    %c0_i32 = arith.constant 0 : i32
    %c0_i32_0 = arith.constant 0 : i32
    %c0_i32_1 = arith.constant 0 : i32
    return %c0_i32, %c0_i32_0 : i32, i32
  }
  func.func @transform_8(%arg0: i32) -> (i32, i32) {
    %c0_i32 = arith.constant 0 : i32
    %c0_i32_0 = arith.constant 0 : i32
    %c0_i32_1 = arith.constant 0 : i32
    return %c0_i32, %c0_i32_0 : i32, i32
  }
  func.func @transform_9(%arg0: i32) -> (i32, i32) {
    %lt3A = arith.constant 1 : i32
    %lt3A_0 = arith.cmpi slt, %arg0, %lt3A : i32
    %add3A = arith.constant 2 : i32
    %add3A_1 = arith.addi %add3A, %arg0 : i32
    %add3A_2 = arith.constant 9 : i32
    %add3A_3 = arith.addi %add3A_2, %arg0 : i32
    %select_n3A = arith.select %lt3A_0, %add3A_1, %add3A_3 : i32
    %c0_i32 = arith.constant 0 : i32
    %c0_i32_4 = arith.constant 0 : i32
    return %select_n3A, %c0_i32 : i32, i32
  }
}

module attributes {stable_mosaic.version = 14 : i64} {
  func.func @_mlp_small_body(%arg0: i32, %arg1: memref<1x1xf32, #tpu.memory_space<smem>>, %arg2: memref<1024x768xf32, #tpu.memory_space<vmem>>, %arg3: memref<1024x8xf32, #tpu.memory_space<vmem>>, %arg4: memref<3072x128xbf16, #tpu.memory_space<vmem>>, %arg5: memref<1x3072xf32, #tpu.memory_space<vmem>>, %arg6: memref<128x3072xbf16, #tpu.memory_space<vmem>>, %arg7: memref<1x128xf32, #tpu.memory_space<vmem>>, %arg8: memref<1x768xf32, #tpu.memory_space<vmem>>, %arg9: memref<1x768xf32, #tpu.memory_space<vmem>>, %arg10: memref<1024x768xf32, #tpu.memory_space<vmem>>) attributes {dimension_semantics = [#tpu.dimension_semantics<arbitrary>], iteration_bounds = array<i64: 10>, scalar_prefetch = 0 : i64, scratch_operands = 0 : i64, tpu.core_type = #tpu.core_type<tc>, window_params = [{transform_indices = @transform_0, window_bounds = array<i64: 1, 1>}, {transform_indices = @transform_1, window_bounds = array<i64: 1024, 768>}, {transform_indices = @transform_2, window_bounds = array<i64: 1024, 8>}, {transform_indices = @transform_3, window_bounds = array<i64: 3072, 128>}, {pipeline_mode = #tpu.pipeline_mode<synchronous>, transform_indices = @transform_4, window_bounds = array<i64: 1, 3072>}, {transform_indices = @transform_5, window_bounds = array<i64: 128, 3072>}, {transform_indices = @transform_6, window_bounds = array<i64: 1, 128>}, {pipeline_mode = #tpu.pipeline_mode<synchronous>, transform_indices = @transform_7, window_bounds = array<i64: 1, 768>}, {pipeline_mode = #tpu.pipeline_mode<synchronous>, transform_indices = @transform_8, window_bounds = array<i64: 1, 768>}, {transform_indices = @transform_9, window_bounds = array<i64: 1024, 768>}]} {
    %jit3A = arith.constant 2 : i32
    %div3A = arith.divsi %arg0, %jit3A : i32
    %sign3A = arith.constant 0 : i32
    %sign3A_0 = arith.cmpi sgt, %arg0, %sign3A : i32
    %sign3A_1 = arith.extui %sign3A_0 : i1 to i32
    %sign3A_2 = arith.constant 0 : i32
    %sign3A_3 = arith.cmpi slt, %arg0, %sign3A_2 : i32
    %sign3A_4 = arith.extui %sign3A_3 : i1 to i32
    %sign3A_5 = arith.subi %sign3A_1, %sign3A_4 : i32
    %sign3A_6 = arith.constant 0 : i32
    %sign3A_7 = arith.cmpi sgt, %jit3A, %sign3A_6 : i32
    %sign3A_8 = arith.extui %sign3A_7 : i1 to i32
    %sign3A_9 = arith.constant 0 : i32
    %sign3A_10 = arith.cmpi slt, %jit3A, %sign3A_9 : i32
    %sign3A_11 = arith.extui %sign3A_10 : i1 to i32
    %sign3A_12 = arith.subi %sign3A_8, %sign3A_11 : i32
    %ne3A = arith.cmpi ne, %sign3A_5, %sign3A_12 : i32
    %rem3A = arith.remsi %arg0, %jit3A : i32
    %ne3A_13 = arith.constant 0 : i32
    %ne3A_14 = arith.cmpi ne, %rem3A, %ne3A_13 : i32
    %and3A = arith.andi %ne3A, %ne3A_14 : i1
    %sub3A = arith.constant 1 : i32
    %sub3A_15 = arith.subi %div3A, %sub3A : i32
    %select_n3A = arith.select %and3A, %sub3A_15, %div3A : i32
    %add3A = arith.constant 3 : i32
    %add3A_16 = arith.addi %add3A, %select_n3A : i32
    %shift_right_arithmetic3A = arith.constant 768 : i32
    %shift_right_arithmetic3A_17 = arith.shrsi %shift_right_arithmetic3A, %add3A_16 : i32
    %get3A = arith.constant 0 : index
    %get3A_18 = arith.constant 0 : index
    %get3A_19 = vector.load %arg2[%get3A, %get3A_18] : memref<1024x768xf32, #tpu.memory_space<vmem>>, vector<1024x768xf32>
    %reduce_sum3A = arith.constant dense<0.000000e+00> : vector<1024xf32>
    %reduce_sum3A_20 = vector.multi_reduction <add>, %get3A_19, %reduce_sum3A [1] : vector<1024x768xf32> to vector<1024xf32>
    %broadcast_in_dim3A = vector.shape_cast %reduce_sum3A_20 : vector<1024xf32> to vector<1024x1xf32>
    %div3A_21 = arith.constant 7.680000e+02 : f32
    %div3A_22 = vector.broadcast %div3A_21 : f32 to vector<1024x1xf32>
    %div3A_23 = arith.divf %broadcast_in_dim3A, %div3A_22 : vector<1024x1xf32>
    %sub3A_24 = vector.broadcast %div3A_23 : vector<1024x1xf32> to vector<1024x768xf32>
    %sub3A_25 = arith.subf %get3A_19, %sub3A_24 : vector<1024x768xf32>
    %integer_pow3A = arith.mulf %sub3A_25, %sub3A_25 : vector<1024x768xf32>
    %reduce_sum3A_26 = arith.constant dense<0.000000e+00> : vector<1024xf32>
    %reduce_sum3A_27 = vector.multi_reduction <add>, %integer_pow3A, %reduce_sum3A_26 [1] : vector<1024x768xf32> to vector<1024xf32>
    %broadcast_in_dim3A_28 = vector.shape_cast %reduce_sum3A_27 : vector<1024xf32> to vector<1024x1xf32>
    %div3A_29 = arith.constant 7.680000e+02 : f32
    %div3A_30 = vector.broadcast %div3A_29 : f32 to vector<1024x1xf32>
    %div3A_31 = arith.divf %broadcast_in_dim3A_28, %div3A_30 : vector<1024x1xf32>
    %sub3A_32 = vector.broadcast %div3A_23 : vector<1024x1xf32> to vector<1024x768xf32>
    %sub3A_33 = arith.subf %get3A_19, %sub3A_32 : vector<1024x768xf32>
    %add3A_34 = arith.constant 9.99999974E-6 : f32
    %add3A_35 = vector.broadcast %add3A_34 : f32 to vector<1024x1xf32>
    %add3A_36 = arith.addf %div3A_31, %add3A_35 : vector<1024x1xf32>
    %sqrt3A = math.sqrt %add3A_36 : vector<1024x1xf32>
    %div3A_37 = vector.broadcast %sqrt3A : vector<1024x1xf32> to vector<1024x768xf32>
    %div3A_38 = arith.divf %sub3A_33, %div3A_37 : vector<1024x768xf32>
    %get3A_39 = arith.constant 0 : index
    %get3A_40 = arith.constant 0 : index
    %get3A_41 = vector.load %arg8[%get3A_39, %get3A_40] : memref<1x768xf32, #tpu.memory_space<vmem>>, vector<1x768xf32>
    %mul3A = vector.broadcast %get3A_41 : vector<1x768xf32> to vector<1024x768xf32>
    %mul3A_42 = arith.mulf %div3A_38, %mul3A : vector<1024x768xf32>
    %get3A_43 = arith.constant 0 : index
    %get3A_44 = arith.constant 0 : index
    %get3A_45 = vector.load %arg9[%get3A_43, %get3A_44] : memref<1x768xf32, #tpu.memory_space<vmem>>, vector<1x768xf32>
    %add3A_46 = vector.broadcast %get3A_45 : vector<1x768xf32> to vector<1024x768xf32>
    %add3A_47 = arith.addf %mul3A_42, %add3A_46 : vector<1024x768xf32>
    %iota3A = tpu.iota {dimensions = array<i32: 1>} : vector<1x128xi32>
    %lt3A = vector.broadcast %shift_right_arithmetic3A_17 : i32 to vector<1x128xi32>
    %lt3A_48 = arith.cmpi slt, %iota3A, %lt3A : vector<1x128xi32>
    %slice3A = vector.extract_strided_slice %add3A_47 {offsets = [0, 0], sizes = [1024, 128], strides = [1, 1]} : vector<1024x768xf32> to vector<1024x128xf32>
    %jit3A_49 = arith.constant 0.000000e+00 : f32
    %broadcast_in_dim3A_50 = vector.shape_cast %lt3A_48 : vector<1x128xi1> to vector<1x128xi1>
    %broadcast_in_dim3A_51 = vector.broadcast %broadcast_in_dim3A_50 : vector<1x128xi1> to vector<1024x128xi1>
    %broadcast_in_dim3A_52 = vector.broadcast %jit3A_49 : f32 to vector<1024x128xf32>
    %select_n3A_53 = arith.select %broadcast_in_dim3A_51, %slice3A, %broadcast_in_dim3A_52 : vector<1024x128xi1>, vector<1024x128xf32>
    %convert_element_type3A = arith.truncf %select_n3A_53 : vector<1024x128xf32> to vector<1024x128xbf16>
    %get3A_54 = arith.constant 0 : index
    %get3A_55 = arith.constant 0 : index
    %get3A_56 = vector.load %arg4[%get3A_54, %get3A_55] : memref<3072x128xbf16, #tpu.memory_space<vmem>>, vector<3072x128xbf16>
    %dot_general3A = arith.constant dense<0.000000e+00> : vector<1024x3072xf32>
    %dot_general3A_57 = tpu.matmul %convert_element_type3A, %get3A_56, %dot_general3A {dimension_numbers = #tpu.dot_dimension_numbers<[1], [1], [0], [0], [0, 0, 1, 0], [], []>, transpose_lhs_hint = false} : vector<1024x128xbf16>, vector<3072x128xbf16>, vector<1024x3072xf32> -> vector<1024x3072xf32>
    %get3A_58 = arith.constant 0 : index
    %get3A_59 = arith.constant 0 : index
    %get3A_60 = vector.load %arg5[%get3A_58, %get3A_59] : memref<1x3072xf32, #tpu.memory_space<vmem>>, vector<1x3072xf32>
    %add3A_61 = vector.broadcast %get3A_60 : vector<1x3072xf32> to vector<1024x3072xf32>
    %add3A_62 = arith.addf %dot_general3A_57, %add3A_61 : vector<1024x3072xf32>
    %mul3A_63 = arith.constant 5.000000e-01 : f32
    %mul3A_64 = vector.broadcast %mul3A_63 : f32 to vector<1024x3072xf32>
    %mul3A_65 = arith.mulf %mul3A_64, %add3A_62 : vector<1024x3072xf32>
    %mul3A_66 = arith.constant 0.707106769 : f32
    %mul3A_67 = vector.broadcast %mul3A_66 : f32 to vector<1024x3072xf32>
    %mul3A_68 = arith.mulf %add3A_62, %mul3A_67 : vector<1024x3072xf32>
    %erf3A = math.erf %mul3A_68 : vector<1024x3072xf32>
    %add3A_69 = arith.constant 1.000000e+00 : f32
    %add3A_70 = vector.broadcast %add3A_69 : f32 to vector<1024x3072xf32>
    %add3A_71 = arith.addf %add3A_70, %erf3A : vector<1024x3072xf32>
    %mul3A_72 = arith.mulf %mul3A_65, %add3A_71 : vector<1024x3072xf32>
    %convert_element_type3A_73 = arith.truncf %mul3A_72 : vector<1024x3072xf32> to vector<1024x3072xbf16>
    %get3A_74 = arith.constant 0 : index
    %get3A_75 = arith.constant 0 : index
    %get3A_76 = vector.load %arg6[%get3A_74, %get3A_75] : memref<128x3072xbf16, #tpu.memory_space<vmem>>, vector<128x3072xbf16>
    %dot_general3A_77 = arith.constant dense<0.000000e+00> : vector<1024x128xf32>
    %dot_general3A_78 = tpu.matmul %convert_element_type3A_73, %get3A_76, %dot_general3A_77 {dimension_numbers = #tpu.dot_dimension_numbers<[1], [1], [0], [0], [0, 0, 1, 0], [], []>, transpose_lhs_hint = false} : vector<1024x3072xbf16>, vector<128x3072xbf16>, vector<1024x128xf32> -> vector<1024x128xf32>
    %get3A_79 = arith.constant 0 : index
    %get3A_80 = arith.constant 0 : index
    %get3A_81 = vector.load %arg7[%get3A_79, %get3A_80] : memref<1x128xf32, #tpu.memory_space<vmem>>, vector<1x128xf32>
    %add3A_82 = vector.broadcast %get3A_81 : vector<1x128xf32> to vector<1024x128xf32>
    %add3A_83 = arith.addf %dot_general3A_78, %add3A_82 : vector<1024x128xf32>
    %lt3A_84 = vector.broadcast %shift_right_arithmetic3A_17 : i32 to vector<1x128xi32>
    %lt3A_85 = arith.cmpi slt, %iota3A, %lt3A_84 : vector<1x128xi32>
    %jit3A_86 = arith.constant 0.000000e+00 : f32
    %broadcast_in_dim3A_87 = vector.shape_cast %lt3A_85 : vector<1x128xi1> to vector<1x128xi1>
    %broadcast_in_dim3A_88 = vector.broadcast %broadcast_in_dim3A_87 : vector<1x128xi1> to vector<1024x128xi1>
    %broadcast_in_dim3A_89 = vector.broadcast %jit3A_86 : f32 to vector<1024x128xf32>
    %select_n3A_90 = arith.select %broadcast_in_dim3A_88, %add3A_83, %broadcast_in_dim3A_89 : vector<1024x128xi1>, vector<1024x128xf32>
    %iota3A_91 = tpu.iota {dimensions = array<i32: 1>} : vector<1x8xi32>
    %eq3A = vector.broadcast %add3A_16 : i32 to vector<1x8xi32>
    %eq3A_92 = arith.cmpi eq, %iota3A_91, %eq3A : vector<1x8xi32>
    %get3A_93 = arith.constant 0 : index
    %get3A_94 = arith.constant 0 : index
    %get3A_95 = vector.load %arg3[%get3A_93, %get3A_94] : memref<1024x8xf32, #tpu.memory_space<vmem>>, vector<1024x8xf32>
    %jit3A_96 = arith.constant 0.000000e+00 : f32
    %broadcast_in_dim3A_97 = vector.shape_cast %eq3A_92 : vector<1x8xi1> to vector<1x8xi1>
    %broadcast_in_dim3A_98 = vector.broadcast %broadcast_in_dim3A_97 : vector<1x8xi1> to vector<1024x8xi1>
    %broadcast_in_dim3A_99 = vector.broadcast %jit3A_96 : f32 to vector<1024x8xf32>
    %select_n3A_100 = arith.select %broadcast_in_dim3A_98, %get3A_95, %broadcast_in_dim3A_99 : vector<1024x8xi1>, vector<1024x8xf32>
    %reduce_sum3A_101 = arith.constant dense<0.000000e+00> : vector<1024xf32>
    %reduce_sum3A_102 = vector.multi_reduction <add>, %select_n3A_100, %reduce_sum3A_101 [1] : vector<1024x8xf32> to vector<1024xf32>
    %broadcast_in_dim3A_103 = vector.shape_cast %reduce_sum3A_102 : vector<1024xf32> to vector<1024x1xf32>
    %get3A_104 = arith.constant 0 : index
    %get3A_105 = arith.constant 0 : index
    %get3A_106 = memref.load %arg1[%get3A_104, %get3A_105] : memref<1x1xf32, #tpu.memory_space<smem>>
    %mul3A_107 = vector.broadcast %get3A_106 : f32 to vector<1024x1xf32>
    %mul3A_108 = arith.mulf %mul3A_107, %broadcast_in_dim3A_103 : vector<1024x1xf32>
    %add3A_109 = arith.constant 1.000000e+00 : f32
    %add3A_110 = vector.broadcast %add3A_109 : f32 to vector<1024x1xf32>
    %add3A_111 = arith.addf %mul3A_108, %add3A_110 : vector<1024x1xf32>
    %slice3A_112 = vector.extract_strided_slice %get3A_19 {offsets = [0, 0], sizes = [1024, 128], strides = [1, 1]} : vector<1024x768xf32> to vector<1024x128xf32>
    %mul3A_113 = vector.broadcast %add3A_111 : vector<1024x1xf32> to vector<1024x128xf32>
    %mul3A_114 = arith.mulf %mul3A_113, %select_n3A_90 : vector<1024x128xf32>
    %add3A_115 = arith.addf %slice3A_112, %mul3A_114 : vector<1024x128xf32>
    %slice3A_116 = vector.extract_strided_slice %get3A_19 {offsets = [0, 128], sizes = [1024, 640], strides = [1, 1]} : vector<1024x768xf32> to vector<1024x640xf32>
    %concatenate3A = tpu.concatenate %add3A_115, %slice3A_116 in 1 : vector<1024x128xf32>, vector<1024x640xf32> -> vector<1024x768xf32>
    %swap3A = arith.constant 0 : index
    %swap3A_117 = arith.constant 0 : index
    %swap3A_118 = vector.load %arg10[%swap3A, %swap3A_117] : memref<1024x768xf32, #tpu.memory_space<vmem>>, vector<1024x768xf32>
    tpu.vector_store %arg10[%swap3A, %swap3A_117], %concatenate3A {strides = array<i32>} : memref<1024x768xf32, #tpu.memory_space<vmem>>, vector<1024x768xf32>,
    return
  }
  func.func @transform_0(%arg0: i32) -> (i32, i32) {
    %c0_i32 = arith.constant 0 : i32
    %c0_i32_0 = arith.constant 0 : i32
    %c0_i32_1 = arith.constant 0 : i32
    return %c0_i32, %c0_i32_0 : i32, i32
  }
  func.func @transform_1(%arg0: i32) -> (i32, i32) {
    %jit3A = arith.constant 2 : i32
    %div3A = arith.divsi %arg0, %jit3A : i32
    %sign3A = arith.constant 0 : i32
    %sign3A_0 = arith.cmpi sgt, %arg0, %sign3A : i32
    %sign3A_1 = arith.extui %sign3A_0 : i1 to i32
    %sign3A_2 = arith.constant 0 : i32
    %sign3A_3 = arith.cmpi slt, %arg0, %sign3A_2 : i32
    %sign3A_4 = arith.extui %sign3A_3 : i1 to i32
    %sign3A_5 = arith.subi %sign3A_1, %sign3A_4 : i32
    %sign3A_6 = arith.constant 0 : i32
    %sign3A_7 = arith.cmpi sgt, %jit3A, %sign3A_6 : i32
    %sign3A_8 = arith.extui %sign3A_7 : i1 to i32
    %sign3A_9 = arith.constant 0 : i32
    %sign3A_10 = arith.cmpi slt, %jit3A, %sign3A_9 : i32
    %sign3A_11 = arith.extui %sign3A_10 : i1 to i32
    %sign3A_12 = arith.subi %sign3A_8, %sign3A_11 : i32
    %ne3A = arith.cmpi ne, %sign3A_5, %sign3A_12 : i32
    %rem3A = arith.remsi %arg0, %jit3A : i32
    %ne3A_13 = arith.constant 0 : i32
    %ne3A_14 = arith.cmpi ne, %rem3A, %ne3A_13 : i32
    %and3A = arith.andi %ne3A, %ne3A_14 : i1
    %sub3A = arith.constant 1 : i32
    %sub3A_15 = arith.subi %div3A, %sub3A : i32
    %select_n3A = arith.select %and3A, %sub3A_15, %div3A : i32
    %add3A = arith.constant 3 : i32
    %add3A_16 = arith.addi %add3A, %select_n3A : i32
    %jit3A_17 = arith.constant 2 : i32
    %eq3A = arith.constant 0 : i32
    %eq3A_18 = arith.cmpi eq, %jit3A_17, %eq3A : i32
    %jit3A_19 = arith.constant 1 : i32
    %select_n3A_20 = arith.select %eq3A_18, %jit3A_19, %jit3A_17 : i32
    %rem3A_21 = arith.remsi %arg0, %select_n3A_20 : i32
    %ne3A_22 = arith.constant 0 : i32
    %ne3A_23 = arith.cmpi ne, %rem3A_21, %ne3A_22 : i32
    %lt3A = arith.constant 0 : i32
    %lt3A_24 = arith.cmpi slt, %rem3A_21, %lt3A : i32
    %lt3A_25 = arith.constant 0 : i32
    %lt3A_26 = arith.cmpi slt, %select_n3A_20, %lt3A_25 : i32
    %ne3A_27 = arith.xori %lt3A_24, %lt3A_26 : i1
    %and3A_28 = arith.andi %ne3A_27, %ne3A_23 : i1
    %add3A_29 = arith.addi %rem3A_21, %select_n3A_20 : i32
    %select_n3A_30 = arith.select %and3A_28, %add3A_29, %rem3A_21 : i32
    %lt3A_31 = arith.constant 1 : i32
    %lt3A_32 = arith.cmpi slt, %select_n3A_30, %lt3A_31 : i32
    %mul3A = arith.constant 1 : i32
    %mul3A_33 = arith.muli %add3A_16, %mul3A : i32
    %add3A_34 = arith.addi %mul3A_33, %select_n3A_30 : i32
    %mul3A_35 = arith.constant 1 : i32
    %mul3A_36 = arith.muli %add3A_16, %mul3A_35 : i32
    %add3A_37 = arith.constant 7 : i32
    %add3A_38 = arith.addi %add3A_37, %mul3A_36 : i32
    %add3A_39 = arith.addi %add3A_38, %select_n3A_30 : i32
    %select_n3A_40 = arith.select %lt3A_32, %add3A_34, %add3A_39 : i32
    %c0_i32 = arith.constant 0 : i32
    %c0_i32_41 = arith.constant 0 : i32
    return %select_n3A_40, %c0_i32 : i32, i32
  }
  func.func @transform_2(%arg0: i32) -> (i32, i32) {
    %jit3A = arith.constant 2 : i32
    %div3A = arith.divsi %arg0, %jit3A : i32
    %sign3A = arith.constant 0 : i32
    %sign3A_0 = arith.cmpi sgt, %arg0, %sign3A : i32
    %sign3A_1 = arith.extui %sign3A_0 : i1 to i32
    %sign3A_2 = arith.constant 0 : i32
    %sign3A_3 = arith.cmpi slt, %arg0, %sign3A_2 : i32
    %sign3A_4 = arith.extui %sign3A_3 : i1 to i32
    %sign3A_5 = arith.subi %sign3A_1, %sign3A_4 : i32
    %sign3A_6 = arith.constant 0 : i32
    %sign3A_7 = arith.cmpi sgt, %jit3A, %sign3A_6 : i32
    %sign3A_8 = arith.extui %sign3A_7 : i1 to i32
    %sign3A_9 = arith.constant 0 : i32
    %sign3A_10 = arith.cmpi slt, %jit3A, %sign3A_9 : i32
    %sign3A_11 = arith.extui %sign3A_10 : i1 to i32
    %sign3A_12 = arith.subi %sign3A_8, %sign3A_11 : i32
    %ne3A = arith.cmpi ne, %sign3A_5, %sign3A_12 : i32
    %rem3A = arith.remsi %arg0, %jit3A : i32
    %ne3A_13 = arith.constant 0 : i32
    %ne3A_14 = arith.cmpi ne, %rem3A, %ne3A_13 : i32
    %and3A = arith.andi %ne3A, %ne3A_14 : i1
    %sub3A = arith.constant 1 : i32
    %sub3A_15 = arith.subi %div3A, %sub3A : i32
    %select_n3A = arith.select %and3A, %sub3A_15, %div3A : i32
    %add3A = arith.constant 3 : i32
    %add3A_16 = arith.addi %add3A, %select_n3A : i32
    %jit3A_17 = arith.constant 2 : i32
    %eq3A = arith.constant 0 : i32
    %eq3A_18 = arith.cmpi eq, %jit3A_17, %eq3A : i32
    %jit3A_19 = arith.constant 1 : i32
    %select_n3A_20 = arith.select %eq3A_18, %jit3A_19, %jit3A_17 : i32
    %rem3A_21 = arith.remsi %arg0, %select_n3A_20 : i32
    %ne3A_22 = arith.constant 0 : i32
    %ne3A_23 = arith.cmpi ne, %rem3A_21, %ne3A_22 : i32
    %lt3A = arith.constant 0 : i32
    %lt3A_24 = arith.cmpi slt, %rem3A_21, %lt3A : i32
    %lt3A_25 = arith.constant 0 : i32
    %lt3A_26 = arith.cmpi slt, %select_n3A_20, %lt3A_25 : i32
    %ne3A_27 = arith.xori %lt3A_24, %lt3A_26 : i1
    %and3A_28 = arith.andi %ne3A_27, %ne3A_23 : i1
    %add3A_29 = arith.addi %rem3A_21, %select_n3A_20 : i32
    %select_n3A_30 = arith.select %and3A_28, %add3A_29, %rem3A_21 : i32
    %lt3A_31 = arith.constant 1 : i32
    %lt3A_32 = arith.cmpi slt, %select_n3A_30, %lt3A_31 : i32
    %mul3A = arith.constant 1 : i32
    %mul3A_33 = arith.muli %add3A_16, %mul3A : i32
    %add3A_34 = arith.addi %mul3A_33, %select_n3A_30 : i32
    %mul3A_35 = arith.constant 1 : i32
    %mul3A_36 = arith.muli %add3A_16, %mul3A_35 : i32
    %add3A_37 = arith.constant 7 : i32
    %add3A_38 = arith.addi %add3A_37, %mul3A_36 : i32
    %add3A_39 = arith.addi %add3A_38, %select_n3A_30 : i32
    %select_n3A_40 = arith.select %lt3A_32, %add3A_34, %add3A_39 : i32
    %c0_i32 = arith.constant 0 : i32
    %c0_i32_41 = arith.constant 0 : i32
    return %select_n3A_40, %c0_i32 : i32, i32
  }
  func.func @transform_3(%arg0: i32) -> (i32, i32) {
    %c0_i32 = arith.constant 0 : i32
    %c0_i32_0 = arith.constant 0 : i32
    %c0_i32_1 = arith.constant 0 : i32
    return %c0_i32, %c0_i32_0 : i32, i32
  }
  func.func @transform_4(%arg0: i32) -> (i32, i32) {
    %c0_i32 = arith.constant 0 : i32
    %c0_i32_0 = arith.constant 0 : i32
    %c0_i32_1 = arith.constant 0 : i32
    return %c0_i32, %c0_i32_0 : i32, i32
  }
  func.func @transform_5(%arg0: i32) -> (i32, i32) {
    %c0_i32 = arith.constant 0 : i32
    %c0_i32_0 = arith.constant 0 : i32
    %c0_i32_1 = arith.constant 0 : i32
    return %c0_i32, %c0_i32_0 : i32, i32
  }
  func.func @transform_6(%arg0: i32) -> (i32, i32) {
    %c0_i32 = arith.constant 0 : i32
    %c0_i32_0 = arith.constant 0 : i32
    %c0_i32_1 = arith.constant 0 : i32
    return %c0_i32, %c0_i32_0 : i32, i32
  }
  func.func @transform_7(%arg0: i32) -> (i32, i32) {
    %c0_i32 = arith.constant 0 : i32
    %c0_i32_0 = arith.constant 0 : i32
    %c0_i32_1 = arith.constant 0 : i32
    return %c0_i32, %c0_i32_0 : i32, i32
  }
  func.func @transform_8(%arg0: i32) -> (i32, i32) {
    %c0_i32 = arith.constant 0 : i32
    %c0_i32_0 = arith.constant 0 : i32
    %c0_i32_1 = arith.constant 0 : i32
    return %c0_i32, %c0_i32_0 : i32, i32
  }
  func.func @transform_9(%arg0: i32) -> (i32, i32) {
    %jit3A = arith.constant 2 : i32
    %div3A = arith.divsi %arg0, %jit3A : i32
    %sign3A = arith.constant 0 : i32
    %sign3A_0 = arith.cmpi sgt, %arg0, %sign3A : i32
    %sign3A_1 = arith.extui %sign3A_0 : i1 to i32
    %sign3A_2 = arith.constant 0 : i32
    %sign3A_3 = arith.cmpi slt, %arg0, %sign3A_2 : i32
    %sign3A_4 = arith.extui %sign3A_3 : i1 to i32
    %sign3A_5 = arith.subi %sign3A_1, %sign3A_4 : i32
    %sign3A_6 = arith.constant 0 : i32
    %sign3A_7 = arith.cmpi sgt, %jit3A, %sign3A_6 : i32
    %sign3A_8 = arith.extui %sign3A_7 : i1 to i32
    %sign3A_9 = arith.constant 0 : i32
    %sign3A_10 = arith.cmpi slt, %jit3A, %sign3A_9 : i32
    %sign3A_11 = arith.extui %sign3A_10 : i1 to i32
    %sign3A_12 = arith.subi %sign3A_8, %sign3A_11 : i32
    %ne3A = arith.cmpi ne, %sign3A_5, %sign3A_12 : i32
    %rem3A = arith.remsi %arg0, %jit3A : i32
    %ne3A_13 = arith.constant 0 : i32
    %ne3A_14 = arith.cmpi ne, %rem3A, %ne3A_13 : i32
    %and3A = arith.andi %ne3A, %ne3A_14 : i1
    %sub3A = arith.constant 1 : i32
    %sub3A_15 = arith.subi %div3A, %sub3A : i32
    %select_n3A = arith.select %and3A, %sub3A_15, %div3A : i32
    %add3A = arith.constant 3 : i32
    %add3A_16 = arith.addi %add3A, %select_n3A : i32
    %jit3A_17 = arith.constant 2 : i32
    %eq3A = arith.constant 0 : i32
    %eq3A_18 = arith.cmpi eq, %jit3A_17, %eq3A : i32
    %jit3A_19 = arith.constant 1 : i32
    %select_n3A_20 = arith.select %eq3A_18, %jit3A_19, %jit3A_17 : i32
    %rem3A_21 = arith.remsi %arg0, %select_n3A_20 : i32
    %ne3A_22 = arith.constant 0 : i32
    %ne3A_23 = arith.cmpi ne, %rem3A_21, %ne3A_22 : i32
    %lt3A = arith.constant 0 : i32
    %lt3A_24 = arith.cmpi slt, %rem3A_21, %lt3A : i32
    %lt3A_25 = arith.constant 0 : i32
    %lt3A_26 = arith.cmpi slt, %select_n3A_20, %lt3A_25 : i32
    %ne3A_27 = arith.xori %lt3A_24, %lt3A_26 : i1
    %and3A_28 = arith.andi %ne3A_27, %ne3A_23 : i1
    %add3A_29 = arith.addi %rem3A_21, %select_n3A_20 : i32
    %select_n3A_30 = arith.select %and3A_28, %add3A_29, %rem3A_21 : i32
    %lt3A_31 = arith.constant 1 : i32
    %lt3A_32 = arith.cmpi slt, %select_n3A_30, %lt3A_31 : i32
    %mul3A = arith.constant 1 : i32
    %mul3A_33 = arith.muli %add3A_16, %mul3A : i32
    %add3A_34 = arith.addi %mul3A_33, %select_n3A_30 : i32
    %mul3A_35 = arith.constant 1 : i32
    %mul3A_36 = arith.muli %add3A_16, %mul3A_35 : i32
    %add3A_37 = arith.constant 7 : i32
    %add3A_38 = arith.addi %add3A_37, %mul3A_36 : i32
    %add3A_39 = arith.addi %add3A_38, %select_n3A_30 : i32
    %select_n3A_40 = arith.select %lt3A_32, %add3A_34, %add3A_39 : i32
    %c0_i32 = arith.constant 0 : i32
    %c0_i32_41 = arith.constant 0 : i32
    return %select_n3A_40, %c0_i32 : i32, i32
  }
}

</mosaic_0001>

<sc_bundles>
// kernel: gather_offload_async_start.1
scs
__scs_entry_jumppad:
0x0: {  	(pc) =	sbr.rel $0x88, $3  }
0x1: {  	(tag) =	ssettag $0x0;
	lr =	simm.s32 $0x1  }
0x2: {  	[smem:$0x3F98] =	sst lr;
	_ =	strace $0xD0000000  }
0x3: {  	_ = 	snop  }
0x4: {  	_ = 	snop  }
0x5: {  	_ = 	snop  }
0x6: {  	_ = 	snop  }
0x7: {  	_ = 	snop  }
__scs_overlays_trampoline_lowered:
0x8: {  	[smem:$0x3FA7] =	sst s0  }
0x9: {  	[smem:$0x3FA8] =	sst s1  }
0xa: {  	[smem:$0x3FA9] =	sst s2  }
0xb: {  	[smem:$0x3FAA] =	sst s3  }
0xc: {  	[smem:$0x3FAB] =	sst s4  }
0xd: {  	[smem:$0x3FAC] =	sst s5  }
0xe: {  	[smem:$0x3FAD] =	sst s6  }
0xf: {  	[smem:$0x3FAE] =	sst s7  }
0x10: {  	[smem:$0x3FAF] =	sst s8  }
0x11: {  	[smem:$0x3FB0] =	sst s9;
	s0 =	simm.s32 @!p0 $0x0  }
0x12: {  	s1 =	sld [smem:$0x3F96];
	s0 =	simm.s32 @p0 $0x1  }
0x13: {  	[smem:$0x3FB1] =	sst s0;
	s0 =	simm.s32 @!p1 $0x0  }
0x14: {  	s2 =	sld [smem:$0x3F95];
	s0 =	simm.s32 @p1 $0x1  }
0x15: {  	[smem:$0x3FB2] =	sst s0;
	s0 =	simm.s32 @!p2 $0x0  }
0x16: {  	s3 =	sld [smem:$0x3FDB];
	s0 =	simm.s32 @p2 $0x1  }
0x17: {  	s4 =	simm.s32 $0x1BF5;
	[smem:$0x3FB4] =	sst s0  }
0x18: {  	s0 =	sld [smem:$0x3F97];
	_ =	swait.ge [sflag:s4], $0x0  }
0x19: {  	s7 =	sld [smem:$0x3F98]  }
0x1a: {  	s8 =	sadd.s32 $0xFFFFE003, lr  }
0x1b: {  	s9 =	sadd.s32 $0xFFFFFEF7, lr;
	s5 =	simm.s32 $0xFFFFFFFF;
	p2 =	slt.u32 s8, $0xFFFFF086  }
0x1c: {  	p1 =	slt.u32 s9, $0xF7A;
	s5 =	simm.s32 @!p2 $0x0  }
0x1d: {  	s5 =	simm.s32 @p1 $0x1;
	p0 =	seq.s32 s7, s2  }
0x1e: {  	s7 =	smul.u32 @!p0 $0xF7A, s2;
	p2 =	seq.s32 @!p0 s5, $0x0  }
0x1f: {  	s9 =	smul.u32 $0xF7A, s1;
	s8 =	simm.s32 @!p0 $0x1BF5;
	p2 =	por !p2, p0  }
0x20: {  	[sflag:s8] =	ssyncset.s32 @!p0 $0xFFFFF086;
	s6 =	sadd.s32 @!p0 s3, s7;
	s7 =	simm.s32 @!p0 $0x108  }
0x21: {  	s3 =	sadd.s32 s3, s9;
	s6 =	sadd.s32 @!p0 $0x88, s6;
	s7 =	simm.s32 @p2 $0x1082  }
0x22: {  	[simem:s7], [sflag:s8] =	dma.local @!p0 [hbm:s6], $0xF7A  }
0x23: {  	s9 =	sor.u32 $0xD0000000, s2;
	s6 =	simm.s32 $0x108;
	_ =	swait.ge @!p0 [sflag:s8], $0x0  }
0x24: {  	s3 =	sadd.s32 $0x88, s3;
	s6 =	simm.s32 @!p1 $0x1082;
	[sflag:s4] =	ssyncset.s32 $0xFFFFF086  }
0x25: {  	[simem:s6], [sflag:s4] =	dma.local [hbm:s3], $0xF7A  }
0x26: {  	[smem:$0x3F98] =	sst s1;
	(tag) =	ssettag s2;
	_ =	strace s9  }
0x27: {  	s1 =	sld [smem:$0x3FA8]  }
0x28: {  	s2 =	sld [smem:$0x3FA9]  }
0x29: {  	s4 =	sld [smem:$0x3FAB]  }
0x2a: {  	p0 =	seq.s32 s5, $0x0;
	s5 =	sld [smem:$0x3FAC]  }
0x2b: {  	s6 =	sld [smem:$0x3FAD]  }
0x2c: {  	s7 =	sld [smem:$0x3FAE]  }
0x2d: {  	s3 =	simm.s32 $0x108;
	s8 =	sld [smem:$0x3FAF]  }
0x2e: {  	s3 =	simm.s32 @!p0 $0x1082;
	s9 =	sld [smem:$0x3FB0]  }
0x2f: {  	lr =	sadd.s32 s0, s3;
	s0 =	sld [smem:$0x3FA7]  }
0x30: {  	s3 =	sld [smem:$0x3FAA]  }
0x31: {  	[smem:$0x3FB3] =	sst s10  }
0x32: {  	s10 =	sld [smem:$0x3FB1];
	_ =	sdelay $0x3  }
0x33: {  	p0 =	seq.s32 s10, $0x1;
	s10 =	sld [smem:$0x3FB3];
	_ =	sdelay $0x3  }
0x34: {  	[smem:$0x3FB3] =	sst s10  }
0x35: {  	s10 =	sld [smem:$0x3FB2];
	_ =	sdelay $0x3  }
0x36: {  	p1 =	seq.s32 s10, $0x1;
	s10 =	sld [smem:$0x3FB3];
	_ =	sdelay $0x3  }
0x37: {  	[smem:$0x3FB3] =	sst s10  }
0x38: {  	s10 =	sld [smem:$0x3FB4]  }
0x39: {  	_ = 	snop;
	(pc) =	sbr.ind lr, $3  }
0x3a: {  	_ = 	snop  }
0x3b: {  	_ = 	snop  }
0x3c: {  	p2 =	seq.s32 s10, $0x1;
	s10 =	sld [smem:$0x3FB3]  }
0x3d: {  	_ =	shalt  }
0x3e: {  	_ =	shalt  }
0x3f: {  	_ =	shalt  }
0x40: {  	_ =	shalt  }
0x41: {  	_ =	shalt  }
0x42: {  	_ =	shalt  }
0x43: {  	_ =	shalt  }
0x44: {  	_ =	shalt  }
0x45: {  	_ =	shalt  }
0x46: {  	_ =	shalt  }
0x47: {  	_ =	shalt  }
0x48: {  	_ =	shalt  }
0x49: {  	_ =	shalt  }
0x4a: {  	_ =	shalt  }
0x4b: {  	_ =	shalt  }
0x4c: {  	_ =	shalt  }
0x4d: {  	_ =	shalt  }
0x4e: {  	_ =	shalt  }
0x4f: {  	_ =	shalt  }
0x50: {  	_ =	shalt  }
0x51: {  	_ =	shalt  }
0x52: {  	_ =	shalt  }
0x53: {  	_ =	shalt  }
0x54: {  	_ =	shalt  }
0x55: {  	_ =	shalt  }
0x56: {  	_ =	shalt  }
0x57: {  	_ =	shalt  }
0x58: {  	_ =	shalt  }
0x59: {  	_ =	shalt  }
0x5a: {  	_ =	shalt  }
0x5b: {  	_ =	shalt  }
0x5c: {  	_ =	shalt  }
0x5d: {  	_ =	shalt  }
0x5e: {  	_ =	shalt  }
0x5f: {  	_ =	shalt  }
0x60: {  	_ =	shalt  }
0x61: {  	_ =	shalt  }
0x62: {  	_ =	shalt  }
0x63: {  	_ =	shalt  }
0x64: {  	_ =	shalt  }
0x65: {  	_ =	shalt  }
0x66: {  	_ =	shalt  }
0x67: {  	_ =	shalt  }
0x68: {  	_ =	shalt  }
0x69: {  	_ =	shalt  }
0x6a: {  	_ =	shalt  }
0x6b: {  	_ =	shalt  }
0x6c: {  	_ =	shalt  }
0x6d: {  	_ =	shalt  }
0x6e: {  	_ =	shalt  }
0x6f: {  	_ =	shalt  }
0x70: {  	_ =	shalt  }
0x71: {  	_ =	shalt  }
0x72: {  	_ =	shalt  }
0x73: {  	_ =	shalt  }
0x74: {  	_ =	shalt  }
0x75: {  	_ =	shalt  }
0x76: {  	_ =	shalt  }
0x77: {  	_ =	shalt  }
0x78: {  	_ =	shalt  }
0x79: {  	_ =	shalt  }
0x7a: {  	_ =	shalt  }
0x7b: {  	_ =	shalt  }
0x7c: {  	_ =	shalt  }
0x7d: {  	_ =	shalt  }
0x7e: {  	_ =	shalt  }
0x7f: {  	_ =	shalt  }
0x80: {  	_ =	shalt  }
0x81: {  	_ =	shalt  }
0x82: {  	_ =	shalt  }
0x83: {  	_ =	shalt  }
0x84: {  	_ =	shalt  }
0x85: {  	_ =	shalt  }
0x86: {  	_ =	shalt  }
0x87: {  	_ =	shalt  }
.Lfunc_end0:
.L_simem_size_0:
called_computation.1_lowered:
.L_overlay_start_0:
0x88: {  	s2 =	sld [smem:$0x3FD9]  }
0x89: {  	s3 =	sld [smem:$0x3FFE];
	_ =	sdelay $0x1  }
0x8a: {  	s1 =	srdreg.scid  }
0x8b: {  	s0 =	sand.u32 $0x1, s1  }
0x8c: {  	s16 =	sshll.u32 s0, $0xA;
	s2 =	sadd.s32 s3, s2  }
0x8d: {  	s2 =	sadd.s32 s2, s16  }
0x8e: {  	[smem:$0x3FBF] =	sst s2  }
0x8f: {  	_ = 	snop  }
0x90: {  	(tm) =	ssettm $0x1  }
0x91: {  	s17 =	sld [smem:$0x3FFB];
	_ =	sdelay $0x3  }
0x92: {  	_ =	strace s17  }
0x93: {  	s2 =	sld [smem:$0x3FFC];
	_ =	sdelay $0x3  }
0x94: {  	_ =	strace s2  }
0x95: {  	s2 =	sld [smem:$0x3FFD];
	_ =	sdelay $0x3  }
0x96: {  	_ =	strace s2  }
0x97: {  	_ =	strace $0x8FFFFFFF  }
0x98: {  	s18 =	sld [smem:$0x3FDB];
	_ =	sdelay $0x1  }
0x99: {  	s19 =	simm.s32 $_scs_section_size  }
0x9a: {  	s4 =	simm.s32 $_size__tile_overlayer_lowered;
	s5 =	simm.s32 $_tile_overlayer_lowered  }
0x9b: {  	s22 =	simm.s32 $0x1BFF;
	s21 =	sshll.u32 s5, $0x1;
	s2 =	sadd.s32 s19, s18  }
0x9c: {  	s6 =	simm.s32 $0x0;
	s20 =	sshll.u32 s4, $0x1;
	s4 =	sadd.s32 s21, s2  }
0x9d: {  	[timem:s6], [sflag:s22] =	dma.local [hbm:s4], s20  }
0x9e: {  	_ =	swait.ge [sflag:s22], s20  }
0x9f: {  	s3 =	ssub.s32 $0x0, s20;
	[sflag:s22] =	ssyncset.done $0x0  }
0xa0: {  	[sflag:s22] =	ssyncadd.s32 s3;
	_ =	sdelay $0x1  }
0xa1: {  	s23 =	simm.s32 $0x1B8B  }
0xa2: {  	_ =	swait.ge [sflag:s23], $0x1  }
0xa3: {  	[sflag:s23] =	ssyncset.done $0x0  }
0xa4: {  	s25 =	simm.s32 $0x1B8E;
	s24 =	sld [smem:$0x3FFE];
	[sflag:s23] =	ssyncadd.s32 $0xFFFFFFFF  }
0xa5: {  	s26 =	simm.s32 $execute0_lowered;
	[smem:$0x3FD2] =	sst s25  }
0xa6: {  	s4 =	sshll.u32 s26, $0x1;
	_ =	strace $0x80000049;
	[dreg:$0x1] =	wrdreg $0xFFFFFFFF  }
0xa7: {  	s28 =	simm.s32 $_size_execute0_lowered;
	s2 =	sadd.s32 s2, s4;
	[dreg:$0x0] =	wrdreg $0x0  }
0xa8: {  	s4 =	sshll.u32 s28, $0x1;
	[dreg:$0x2] =	wrdreg s2  }
0xa9: {  	[dreg:$0x3] =	wrdreg s4  }
0xaa: {  	[dreg:$0x4] =	wrdreg $0xC0  }
0xab: {  	_ =	task [dreg:s6], $0x5FFFF  }
0xac: {  	[dreg:$0x1] =	wrdreg $0xFFFFFFFF  }
0xad: {  	[dreg:$0x0] =	wrdreg $0x60  }
0xae: {  	[dreg:$0x2] =	wrdreg s24  }
0xaf: {  	[dreg:$0x3] =	wrdreg $0xA  }
0xb0: {  	_ =	task.clear_ibuf [dreg:s6], $0x4FFFF;
	_ =	strace $0x90000049  }
0xb1: {  	s29 =	simm.s32 $0xA;
	_ =	strace $0x8000004B  }
0xb2: {  	_ =	swait.ge [sflag:s29], $0x1  }
0xb3: {  	[sflag:s29] =	ssyncadd.s32 $0xFFFFFFFF  }
0xb4: {  	_ =	strace $0x9000004B  }
0xb5: {  	_ =	sfence  }
0xb6: {  	s30 =	sld [smem:$0x0];
	_ =	sdelay $0x2  }
0xb7: {  	s31 =	sshll.u32 s1, $0xD;
	s1 =	sshrl.u32 s1, $0x2  }
0xb8: {  	s3 =	sand.u32 $0x4000, s31;
	s1 =	sadd.s32 s1, s30  }
0xb9: {  	s0 =	sor.u32 s3, s0;
	s1 =	sshll.u32 s1, $0x11  }
0xba: {  	s0 =	sor.u32 s1, s0  }
0xbb: {  	s0 =	sadd.s32 $0x8F2B, s0  }
0xbc: {  	[sflag:s0] =	ssyncadd.remote.s32 $0x1  }
0xbd: {  	_ =	sfence.sel $0xFFFF  }
0xbe: {  	[dreg:$0x0] =	wrdreg $0xFFFFFFFF;
	(pc) =	sbr.abs _section_cstart, $3  }
0xbf: {  	[dreg:$0x1] =	wrdreg $0xFFFFFFFF  }
0xc0: {  	_ =	task.clear_ibuf [dreg:s6], $0x2FFFF;
	_ =	strace $0x9FFFFFFF  }
0xc1: {  	(tm) =	ssettm $0x7FFFFFFF  }
tec
execute0_lowered:
.L_overlay_start_1:
0x0: {  	(tag) =	ssettag $0x1  }
0x1: {  	s7 =	rddreg [dreg:$0x0]  }
0x2: {  	s0 =	rddreg [dreg:$0x1];
	_ =	strace $0x8000004A  }
0x3: {  	s1 =	srdreg.scid;
	s4 =	simm.s32 $0x1;
	s9 =	simm.s32 $0x3  }
0x4: {  	s11 =	simm.s32 $0x0;
	p0 =	por $0x0, $0x0;
	s5 =	sshll.u32 s1, $0x4  }
.Ltmp0:
0x5: {  	s1 =	stileid.u32;
	s5 =	sand.u32 $0x10, s5;
	(pc) =	sbr.rel .LBB2_1-.Ltmp0, $4  }
0x6: {  	s2 =	sadd.s32 $0x7A00, s7;
	s3 =	sadd.s32 $0x3200, s7;
	s6 =	sor.u32 s1, s5  }
0x7: {  	[sflag:s4] =	ssyncpa.u1 $0x0;
	s5 =	simm.s32 $0x2;
	s6 =	sshll.u32 s6, $0x9  }
0x8: {  	s7 =	sadd.s32 $0x90200, s7;
	[sflag:s5] =	ssyncpa.u1 $0x0;
	s8 =	sadd.s32 $0x200, s6  }
0x9: {  	vm0 =	vmmov $0xff;
	vm1 =	vcmask $0x3F20;
	[sflag:s9] =	ssyncpa.u1 $0x0;
	s10 =	smov.u32 s6;
	s9 =	simm.s32 $0x0  }
.LBB2_7:
0xa: {  	p1 =	slt.u32 s9, $0x2;
	s11 =	sadd.s32 $0x100, s10  }
0xb: {  	s13 =	smov.u32 s6;
	s9 =	sadd.s32 $0x1, s9;
	p2 =	slt.s32 s11, s8  }
0xc: {  	s13 =	smov.u32 @p2 s11;
	p2 =	sne.s32 s9, $0x4  }
.Ltmp1:
0xd: {  	_ = 	snop;
	(pc) =	sbr.rel @!p2 .LBB2_8-.Ltmp1, $4  }
0xe: {  	s12 =	simm.s32 @!p1 $0x3  }
0xf: {  	_ =	swait.ge @!p1 [sflag:s12], $0x8000  }
0x10: {  	p0 =	por !p0, !p0;
	[sflag:s12] =	ssyncset.done @!p1 $0x0  }
0x11: {  	s11 =	smov.u32 s10;
	s10 =	smov.u32 s13;
	[sflag:s12] =	ssyncadd.s32 @!p1 $0xFFFF8000  }
.LBB2_1:
0x12: {  	p1 =	sgt.u32 s9, $0x1  }
0x13: {  	s12 =	sshll.u32 @!p1 s9, $0x8;
	s13 =	sshrl.u32 @!p1 s10, $0x3  }
0x14: {  	s14 =	sand.u32 @!p1 $0x7, s10;
	s12 =	sxor.u32 @!p1 $0x100, s12;
	s13 =	sadd.s32 @!p1 s3, s13  }
0x15: {  	[tilespmem:s12], [sflag:$0x2] =	stream.linear.gather @!p1 [hbm4b:s13+s14], $0x100, $0x38;
	[tilespmem:$0x10200] =	vst v63  }
0x16: {  	p1 =	seq.s32 s9, $0x0  }
0x17: {  	p2 =	seq.s32 @!p1 s9, $0x3  }
0x18: {  	p1 =	por p1, p2  }
.Ltmp2:
0x19: {  	_ = 	snop;
	(pc) =	sbr.rel @p1 .LBB2_7-.Ltmp2, $1  }
0x1a: {  	_ =	sdelay $0x3  }
0x1b: {  	s12 =	simm.s32 $0x1  }
0x1c: {  	_ =	swait.ge [sflag:s5], $0x100;
	s12 =	simm.s32 @!p0 $0x0  }
0x1d: {  	[sflag:s5] =	ssyncset.done $0x0;
	s14 =	sshll.u32 s12, $0x8  }
0x1e: {  	[sflag:s5] =	ssyncadd.s32 $0xFFFFFF00;
	s13 =	sadd.s32 $0x0, s14  }
0x1f: {  	v0 =	vld.msk [tilespmem:s13+$0x0 ss:$0x1], $0xffff;
	_ =	sdelay $0x4  }
0x20: {  	v1 =	vshll.u32 v0, $0x6  }
0x21: {  	vm2 =	veq.s32 v0, $0x80000000;
	v0 =	vshll.u32 v0, $0x14;
	v1 =	vand.u32 $0xFFF80, v1  }
0x22: {  	v0 =	vand.u32 $0x100000, v0;
	v1 =	vsel vm2, $0xFFFFFF80, v1  }
0x23: {  	v0 =	vsel vm2, $0xFFF00000, v0;
	v2 =	vand.u32 $0xFFFFFC00, v1  }
0x24: {  	v1 =	vand.u32 $0x380, v1;
	v0 =	vadd.s32 v0, v2  }
0x25: {  	v0 =	vor.u32 v1, v0  }
0x26: {  	v0 =	vshrl.u32 v0, $0x3;
	_ =	sdelay $0x2  }
0x27: {  	s12 =	sshll.u32 s12, $0xF  }
0x28: {  	s12 =	sor.u32 $0x200, s12  }
0x29: {  	[tilespmem:s12], [sflag:$0x1] =	stream.indirect_vreg.gather [hbm:s2], $0x80, v0, vm0, $0x38;
	[tilespmem:$0x10200] =	vst v63  }
0x2a: {  	s15 =	sadd.s32 $0x10, s14;
	s13 =	sadd.s32 $0x400, s12  }
0x2b: {  	[tilespmem:s13], [sflag:$0x1] =	stream.indirect_vreg.gather [hbm:s2], $0x80, v0, vm1, $0x38;
	[tilespmem:$0x10200] =	vst v63  }
0x2c: {  	s16 =	simm.s32 $0x80;
	v0 =	vld.msk [tilespmem:s15+$0x0 ss:$0x1], $0xffff;
	s15 =	smov.u32 s12  }
.LBB2_3:
0x2d: {  	p1 =	sne.s32 s16, $0x3C0;
	_ =	sdelay $0x4  }
0x2e: {  	v1 =	vshll.u32 v0, $0x6  }
0x2f: {  	vm2 =	veq.s32 v0, $0x80000000;
	v0 =	vshll.u32 v0, $0x14;
	v1 =	vand.u32 $0xFFF80, v1  }
0x30: {  	v0 =	vand.u32 $0x100000, v0;
	v1 =	vsel vm2, $0xFFFFFF80, v1  }
0x31: {  	v0 =	vsel vm2, $0xFFF00000, v0;
	v2 =	vand.u32 $0xFFFFFC00, v1  }
0x32: {  	v1 =	vand.u32 $0x380, v1;
	v0 =	vadd.s32 v0, v2  }
0x33: {  	v0 =	vor.u32 v1, v0  }
0x34: {  	v0 =	vshrl.u32 v0, $0x3;
	_ =	sdelay $0x3  }
.Ltmp3:
0x35: {  	s17 =	sshra.s32 s16, $0x2;
	s15 =	sadd.s32 $0x800, s15;
	(pc) =	sbr.rel @p1 .LBB2_3-.Ltmp3, $4  }
0x36: {  	[tilespmem:s15], [sflag:$0x1] =	stream.indirect_vreg.gather [hbm:s2], $0x80, v0, vm0, $0x38;
	[tilespmem:$0x10200] =	vst v63  }
0x37: {  	s17 =	sadd.s32 s17, s14;
	s18 =	sadd.s32 $0x400, s15  }
0x38: {  	[tilespmem:s18], [sflag:$0x1] =	stream.indirect_vreg.gather [hbm:s2], $0x80, v0, vm1, $0x38;
	[tilespmem:$0x10200] =	vst v63  }
0x39: {  	s16 =	sadd.s32 $0x40, s16;
	v0 =	vld.msk [tilespmem:s17+$0x0 ss:$0x1], $0xffff  }
0x3a: {  	_ =	sdelay $0x3  }
0x3b: {  	v1 =	vshll.u32 v0, $0x6  }
0x3c: {  	vm2 =	veq.s32 v0, $0x80000000;
	v63 =	vshll.u32 v0, $0x14;
	v1 =	vand.u32 $0xFFF80, v1  }
0x3d: {  	v0 =	vand.u32 $0x100000, v63;
	v1 =	vsel vm2, $0xFFFFFF80, v1  }
0x3e: {  	v0 =	vsel vm2, $0xFFF00000, v0;
	v2 =	vand.u32 $0xFFFFFC00, v1  }
0x3f: {  	v1 =	vand.u32 $0x380, v1;
	v0 =	vadd.s32 v0, v2  }
0x40: {  	v0 =	vor.u32 v1, v0  }
0x41: {  	v0 =	vshrl.u32 v0, $0x3;
	_ =	sdelay $0x3  }
0x42: {  	s14 =	sadd.s32 $0x800, s15  }
0x43: {  	[tilespmem:s14], [sflag:$0x1] =	stream.indirect_vreg.gather [hbm:s2], $0x80, v0, vm0, $0x38;
	[tilespmem:$0x10200] =	vst v63  }
0x44: {  	s14 =	sadd.s32 $0x400, s14  }
0x45: {  	[tilespmem:s14], [sflag:$0x1] =	stream.indirect_vreg.gather [hbm:s2], $0x80, v0, vm1, $0x38;
	[tilespmem:$0x10200] =	vst v63  }
0x46: {  	s11 =	sshll.u32 s11, $0x4;
	_ =	swait.ge [sflag:s4], $0x8000  }
0x47: {  	s11 =	sadd.s32 s11, s7;
	[sflag:s4] =	ssyncset.done $0x0  }
0x48: {  	s15 =	sadd.s32 $0x0, s11;
	s14 =	simm.s32 $0x80;
	[sflag:s4] =	ssyncadd.s32 $0xFFFF8000  }
.LBB2_5:
0x49: {  	[hbm:s15] =	stream.linear.scatter [tilespmem:s12], [sflag:$0x3], $0x400, $0x38;
	[tilespmem:$0x10200] =	vst v63  }
0x4a: {  	s15 =	smov.u32 s14;
	s12 =	smov.u32 s13;
	p1 =	sne.s32 s14, $0xF80  }
.Ltmp4:
0x4b: {  	s14 =	sadd.s32 $0x80, s14;
	(pc) =	sbr.rel @p1 .LBB2_5-.Ltmp4, $2  }
0x4c: {  	_ =	sdelay $0x2  }
0x4d: {  	s13 =	sadd.s32 $0x400, s13;
	s15 =	sadd.s32 s15, s11  }
.Ltmp5:
0x4e: {  	(pc) =	sbr.rel .LBB2_7-.Ltmp5, $2  }
0x4f: {  	_ =	sdelay $0x2  }
0x50: {  	[hbm:s15] =	stream.linear.scatter [tilespmem:s12], [sflag:$0x3], $0x400, $0x38;
	[tilespmem:$0x10200] =	vst v63  }
.LBB2_8:
0x51: {  	_ =	sfence.sel $0x180000  }
0x52: {  	s2 =	simm.s32 $0x2;
	[bflag:$0x0] =	sbarrier.arrive $0xFFFF  }
0x53: {  	s30 =	simm.s32 $0x3;
	[sflag:s2] =	ssyncpa.u1 $0x1  }
0x54: {  	s31 =	simm.s32 $0x1;
	[sflag:s30] =	ssyncpa.u1 $0x1  }
0x55: {  	[sflag:s31] =	ssyncpa.u1 $0x1  }
0x56: {  	p0 =	sne.s32 s1, $0x0;
	_ =	strace $0x9000004A  }
0x57: {  	s0 =	sadd.s32 @!p0 $0x100000, s0;
	[bflag:$0x2] =	sbarrier.arrive $0xFFFF  }
0x58: {  	[sflag:s0] =	ssyncadd.tile.s32 @!p0 $0x1;
	_ =	shalt  }
.Lfunc_end2:
_tile_overlayer_lowered:
.L_overlay_start_2:
0x59: {  	(tag) =	ssettag $0x2  }
0x5a: {  	s0 =	rddreg [dreg:$0x0];
	s2 =	stileid.u32  }
0x5b: {  	s1 =	rddreg [dreg:$0x1];
	p0 =	sne.s32 s2, $0x0  }
0x5c: {  	s3 =	rddreg [dreg:$0x2];
	[bflag:$0x3] =	sbarrier.arrive $0xFFFF;
	s2 =	simm.s32 @!p0 $0x1C01  }
0x5d: {  	[timem:s3], [sflag:s2] =	dma.local @!p0 [hbm:s0], s1  }
0x5e: {  	s0 =	simm.s32 @!p0 $0x1  }
0x5f: {  	_ =	swait.ge @!p0 [sflag:s0], s1  }
0x60: {  	s1 =	ssub.s32 @!p0 $0x0, s1;
	[sflag:s0] =	ssyncset.done @!p0 $0x0  }
0x61: {  	[sflag:s0] =	ssyncadd.s32 @!p0 s1  }
0x62: {  	[bflag:$0x3] =	sbarrier.arrive $0xFFFF  }
0x63: {  	_ =	shalt  }

// kernel: gather_offload_async_start
scs
__scs_entry_jumppad:
0x0: {  	(pc) =	sbr.rel $0x88, $3  }
0x1: {  	(tag) =	ssettag $0x0;
	lr =	simm.s32 $0x1  }
0x2: {  	[smem:$0x3F98] =	sst lr;
	_ =	strace $0xD0000000  }
0x3: {  	_ = 	snop  }
0x4: {  	_ = 	snop  }
0x5: {  	_ = 	snop  }
0x6: {  	_ = 	snop  }
0x7: {  	_ = 	snop  }
__scs_overlays_trampoline_lowered:
0x8: {  	[smem:$0x3FA7] =	sst s0  }
0x9: {  	[smem:$0x3FA8] =	sst s1  }
0xa: {  	[smem:$0x3FA9] =	sst s2  }
0xb: {  	[smem:$0x3FAA] =	sst s3  }
0xc: {  	[smem:$0x3FAB] =	sst s4  }
0xd: {  	[smem:$0x3FAC] =	sst s5  }
0xe: {  	[smem:$0x3FAD] =	sst s6  }
0xf: {  	[smem:$0x3FAE] =	sst s7  }
0x10: {  	[smem:$0x3FAF] =	sst s8  }
0x11: {  	[smem:$0x3FB0] =	sst s9;
	s0 =	simm.s32 @!p0 $0x0  }
0x12: {  	s1 =	sld [smem:$0x3F96];
	s0 =	simm.s32 @p0 $0x1  }
0x13: {  	[smem:$0x3FB1] =	sst s0;
	s0 =	simm.s32 @!p1 $0x0  }
0x14: {  	s2 =	sld [smem:$0x3F95];
	s0 =	simm.s32 @p1 $0x1  }
0x15: {  	[smem:$0x3FB2] =	sst s0;
	s0 =	simm.s32 @!p2 $0x0  }
0x16: {  	s3 =	sld [smem:$0x3FDB];
	s0 =	simm.s32 @p2 $0x1  }
0x17: {  	s4 =	simm.s32 $0x1BF5;
	[smem:$0x3FB4] =	sst s0  }
0x18: {  	s0 =	sld [smem:$0x3F97];
	_ =	swait.ge [sflag:s4], $0x0  }
0x19: {  	s7 =	sld [smem:$0x3F98]  }
0x1a: {  	s8 =	sadd.s32 $0xFFFFE003, lr  }
0x1b: {  	s9 =	sadd.s32 $0xFFFFFEF7, lr;
	s5 =	simm.s32 $0xFFFFFFFF;
	p2 =	slt.u32 s8, $0xFFFFF086  }
0x1c: {  	p1 =	slt.u32 s9, $0xF7A;
	s5 =	simm.s32 @!p2 $0x0  }
0x1d: {  	s5 =	simm.s32 @p1 $0x1;
	p0 =	seq.s32 s7, s2  }
0x1e: {  	s7 =	smul.u32 @!p0 $0xF7A, s2;
	p2 =	seq.s32 @!p0 s5, $0x0  }
0x1f: {  	s9 =	smul.u32 $0xF7A, s1;
	s8 =	simm.s32 @!p0 $0x1BF5;
	p2 =	por !p2, p0  }
0x20: {  	[sflag:s8] =	ssyncset.s32 @!p0 $0xFFFFF086;
	s6 =	sadd.s32 @!p0 s3, s7;
	s7 =	simm.s32 @!p0 $0x108  }
0x21: {  	s3 =	sadd.s32 s3, s9;
	s6 =	sadd.s32 @!p0 $0x88, s6;
	s7 =	simm.s32 @p2 $0x1082  }
0x22: {  	[simem:s7], [sflag:s8] =	dma.local @!p0 [hbm:s6], $0xF7A  }
0x23: {  	s9 =	sor.u32 $0xD0000000, s2;
	s6 =	simm.s32 $0x108;
	_ =	swait.ge @!p0 [sflag:s8], $0x0  }
0x24: {  	s3 =	sadd.s32 $0x88, s3;
	s6 =	simm.s32 @!p1 $0x1082;
	[sflag:s4] =	ssyncset.s32 $0xFFFFF086  }
0x25: {  	[simem:s6], [sflag:s4] =	dma.local [hbm:s3], $0xF7A  }
0x26: {  	[smem:$0x3F98] =	sst s1;
	(tag) =	ssettag s2;
	_ =	strace s9  }
0x27: {  	s1 =	sld [smem:$0x3FA8]  }
0x28: {  	s2 =	sld [smem:$0x3FA9]  }
0x29: {  	s4 =	sld [smem:$0x3FAB]  }
0x2a: {  	p0 =	seq.s32 s5, $0x0;
	s5 =	sld [smem:$0x3FAC]  }
0x2b: {  	s6 =	sld [smem:$0x3FAD]  }
0x2c: {  	s7 =	sld [smem:$0x3FAE]  }
0x2d: {  	s3 =	simm.s32 $0x108;
	s8 =	sld [smem:$0x3FAF]  }
0x2e: {  	s3 =	simm.s32 @!p0 $0x1082;
	s9 =	sld [smem:$0x3FB0]  }
0x2f: {  	lr =	sadd.s32 s0, s3;
	s0 =	sld [smem:$0x3FA7]  }
0x30: {  	s3 =	sld [smem:$0x3FAA]  }
0x31: {  	[smem:$0x3FB3] =	sst s10  }
0x32: {  	s10 =	sld [smem:$0x3FB1];
	_ =	sdelay $0x3  }
0x33: {  	p0 =	seq.s32 s10, $0x1;
	s10 =	sld [smem:$0x3FB3];
	_ =	sdelay $0x3  }
0x34: {  	[smem:$0x3FB3] =	sst s10  }
0x35: {  	s10 =	sld [smem:$0x3FB2];
	_ =	sdelay $0x3  }
0x36: {  	p1 =	seq.s32 s10, $0x1;
	s10 =	sld [smem:$0x3FB3];
	_ =	sdelay $0x3  }
0x37: {  	[smem:$0x3FB3] =	sst s10  }
0x38: {  	s10 =	sld [smem:$0x3FB4]  }
0x39: {  	_ = 	snop;
	(pc) =	sbr.ind lr, $3  }
0x3a: {  	_ = 	snop  }
0x3b: {  	_ = 	snop  }
0x3c: {  	p2 =	seq.s32 s10, $0x1;
	s10 =	sld [smem:$0x3FB3]  }
0x3d: {  	_ =	shalt  }
0x3e: {  	_ =	shalt  }
0x3f: {  	_ =	shalt  }
0x40: {  	_ =	shalt  }
0x41: {  	_ =	shalt  }
0x42: {  	_ =	shalt  }
0x43: {  	_ =	shalt  }
0x44: {  	_ =	shalt  }
0x45: {  	_ =	shalt  }
0x46: {  	_ =	shalt  }
0x47: {  	_ =	shalt  }
0x48: {  	_ =	shalt  }
0x49: {  	_ =	shalt  }
0x4a: {  	_ =	shalt  }
0x4b: {  	_ =	shalt  }
0x4c: {  	_ =	shalt  }
0x4d: {  	_ =	shalt  }
0x4e: {  	_ =	shalt  }
0x4f: {  	_ =	shalt  }
0x50: {  	_ =	shalt  }
0x51: {  	_ =	shalt  }
0x52: {  	_ =	shalt  }
0x53: {  	_ =	shalt  }
0x54: {  	_ =	shalt  }
0x55: {  	_ =	shalt  }
0x56: {  	_ =	shalt  }
0x57: {  	_ =	shalt  }
0x58: {  	_ =	shalt  }
0x59: {  	_ =	shalt  }
0x5a: {  	_ =	shalt  }
0x5b: {  	_ =	shalt  }
0x5c: {  	_ =	shalt  }
0x5d: {  	_ =	shalt  }
0x5e: {  	_ =	shalt  }
0x5f: {  	_ =	shalt  }
0x60: {  	_ =	shalt  }
0x61: {  	_ =	shalt  }
0x62: {  	_ =	shalt  }
0x63: {  	_ =	shalt  }
0x64: {  	_ =	shalt  }
0x65: {  	_ =	shalt  }
0x66: {  	_ =	shalt  }
0x67: {  	_ =	shalt  }
0x68: {  	_ =	shalt  }
0x69: {  	_ =	shalt  }
0x6a: {  	_ =	shalt  }
0x6b: {  	_ =	shalt  }
0x6c: {  	_ =	shalt  }
0x6d: {  	_ =	shalt  }
0x6e: {  	_ =	shalt  }
0x6f: {  	_ =	shalt  }
0x70: {  	_ =	shalt  }
0x71: {  	_ =	shalt  }
0x72: {  	_ =	shalt  }
0x73: {  	_ =	shalt  }
0x74: {  	_ =	shalt  }
0x75: {  	_ =	shalt  }
0x76: {  	_ =	shalt  }
0x77: {  	_ =	shalt  }
0x78: {  	_ =	shalt  }
0x79: {  	_ =	shalt  }
0x7a: {  	_ =	shalt  }
0x7b: {  	_ =	shalt  }
0x7c: {  	_ =	shalt  }
0x7d: {  	_ =	shalt  }
0x7e: {  	_ =	shalt  }
0x7f: {  	_ =	shalt  }
0x80: {  	_ =	shalt  }
0x81: {  	_ =	shalt  }
0x82: {  	_ =	shalt  }
0x83: {  	_ =	shalt  }
0x84: {  	_ =	shalt  }
0x85: {  	_ =	shalt  }
0x86: {  	_ =	shalt  }
0x87: {  	_ =	shalt  }
.Lfunc_end0:
.L_simem_size_0:
called_computation_lowered:
.L_overlay_start_0:
0x88: {  	s2 =	sld [smem:$0x3FD9]  }
0x89: {  	s3 =	sld [smem:$0x3FFE];
	_ =	sdelay $0x1  }
0x8a: {  	s1 =	srdreg.scid  }
0x8b: {  	s0 =	sand.u32 $0x1, s1  }
0x8c: {  	s15 =	sshll.u32 s0, $0xA;
	s2 =	sadd.s32 s3, s2  }
0x8d: {  	s2 =	sadd.s32 s2, s15  }
0x8e: {  	[smem:$0x3FBF] =	sst s2  }
0x8f: {  	_ = 	snop  }
0x90: {  	s16 =	sld [smem:$0x3FD0];
	_ =	sdelay $0x2  }
0x91: {  	s4 =	simm.s32 $0xB;
	s5 =	simm.s32 $0x10;
	s2 =	sld [smem:$0x3FC9]  }
0x92: {  	[smem:s5], [sflag:s4] =	dma.local [hbm:s16], $0x1  }
0x93: {  	_ =	swait.eq [sflag:s4], $0x1  }
0x94: {  	[sflag:s4] =	ssyncset.done $0x0  }
0x95: {  	[sflag:s4] =	ssyncadd.s32 $0xFFFFFFFF  }
0x96: {  	s17 =	sld [smem:$0x10];
	(tm) =	ssettm $0x1  }
0x97: {  	s18 =	sld [smem:$0x3FFB];
	_ =	sdelay $0x3  }
0x98: {  	_ =	strace s18  }
0x99: {  	s3 =	sld [smem:$0x3FFC];
	_ =	sdelay $0x3  }
0x9a: {  	_ =	strace s3  }
0x9b: {  	s3 =	sld [smem:$0x3FFD];
	_ =	sdelay $0x3  }
0x9c: {  	_ =	strace s3  }
0x9d: {  	_ =	strace $0x8FFFFFFF  }
0x9e: {  	s19 =	sld [smem:$0x3FDB];
	_ =	sdelay $0x1  }
0x9f: {  	s20 =	simm.s32 $_scs_section_size  }
0xa0: {  	s6 =	simm.s32 $_size__tile_overlayer_lowered;
	s7 =	simm.s32 $_tile_overlayer_lowered  }
0xa1: {  	s8 =	simm.s32 $0x1BFF;
	s21 =	sshll.u32 s7, $0x1;
	s5 =	sadd.s32 s20, s19  }
0xa2: {  	s22 =	simm.s32 $0x0;
	s6 =	sshll.u32 s6, $0x1;
	s7 =	sadd.s32 s21, s5  }
0xa3: {  	[timem:s22], [sflag:s8] =	dma.local [hbm:s7], s6  }
0xa4: {  	_ =	swait.ge [sflag:s8], s6  }
0xa5: {  	s6 =	ssub.s32 $0x0, s6;
	[sflag:s8] =	ssyncset.done $0x0  }
0xa6: {  	[sflag:s8] =	ssyncadd.s32 s6;
	_ =	sdelay $0x1  }
0xa7: {  	s23 =	simm.s32 $0x1B8B  }
0xa8: {  	_ =	swait.ge [sflag:s23], $0x1  }
0xa9: {  	[sflag:s23] =	ssyncset.done $0x0  }
0xaa: {  	[sflag:s23] =	ssyncadd.s32 $0xFFFFFFFF  }
0xab: {  	s6 =	sld [smem:$0x0]  }
0xac: {  	s7 =	sand.u32 $0xFFFFFFFE, s1  }
0xad: {  	p0 =	sne.s32 s1, s7  }
0xae: {  	s7 =	sshll.u32 @p0 s7, $0xE  }
0xaf: {  	s7 =	sadd.s32 @p0 $0x11B8D, s7;
	s8 =	sshll.u32 @p0 s6, $0x11  }
0xb0: {  	s7 =	sor.u32 @p0 s8, s7  }
0xb1: {  	[sflag:s7] =	ssyncadd.remote.s32 @p0 $0x1;
	_ =	sdelay $0x1  }
0xb2: {  	s7 =	simm.s32 @p0 $0x1B8D  }
0xb3: {  	_ =	swait.eq @p0 [sflag:s7], $0x1  }
0xb4: {  	[sflag:s7] =	ssyncadd.s32 @p0 $0xFFFFFFFF  }
0xb5: {  	s8 =	sshll.u32 @!p0 s1, $0xE  }
0xb6: {  	s8 =	sor.u32 @!p0 $0x4000, s8;
	s7 =	simm.s32 @!p0 $0x1B8D  }
0xb7: {  	s6 =	sshll.u32 @!p0 s6, $0x11;
	s8 =	sadd.s32 @!p0 $0x11B8D, s8;
	_ =	swait.eq @!p0 [sflag:s7], $0x1  }
0xb8: {  	s6 =	sor.u32 @!p0 s6, s8;
	[sflag:s7] =	ssyncadd.s32 @!p0 $0xFFFFFFFF  }
0xb9: {  	s25 =	simm.s32 $0x1B8E;
	s24 =	sld [smem:$0x3FFE];
	[sflag:s6] =	ssyncadd.remote.s32 @!p0 $0x1  }
0xba: {  	s26 =	simm.s32 $execute0_lowered;
	[smem:$0x3FD2] =	sst s25  }
0xbb: {  	s7 =	sshll.u32 s26, $0x1;
	_ =	strace $0x8000004C;
	[dreg:$0x1] =	wrdreg $0xFFFFFFFF  }
0xbc: {  	s28 =	simm.s32 $_size_execute0_lowered;
	s5 =	sadd.s32 s5, s7;
	[dreg:$0x0] =	wrdreg $0x0  }
0xbd: {  	s7 =	sshll.u32 s28, $0x1;
	[dreg:$0x2] =	wrdreg s5  }
0xbe: {  	[dreg:$0x3] =	wrdreg s7  }
0xbf: {  	[dreg:$0x4] =	wrdreg $0xC0  }
0xc0: {  	_ =	task [dreg:s22], $0x5FFFF  }
0xc1: {  	[dreg:$0x1] =	wrdreg $0xFFFFFFFF  }
0xc2: {  	[dreg:$0x0] =	wrdreg $0x60  }
0xc3: {  	[dreg:$0x2] =	wrdreg s2  }
0xc4: {  	[dreg:$0x3] =	wrdreg s24  }
0xc5: {  	[dreg:$0x4] =	wrdreg s17  }
0xc6: {  	[dreg:$0x5] =	wrdreg $0x9  }
0xc7: {  	_ =	task.clear_ibuf [dreg:s22], $0x6FFFF;
	_ =	strace $0x9000004C  }
0xc8: {  	s29 =	simm.s32 $0x9;
	_ =	strace $0x8000004E  }
0xc9: {  	_ =	swait.ge [sflag:s29], $0x1  }
0xca: {  	[sflag:s29] =	ssyncadd.s32 $0xFFFFFFFF  }
0xcb: {  	_ =	strace $0x9000004E  }
0xcc: {  	_ =	sfence  }
0xcd: {  	s30 =	sld [smem:$0x0];
	_ =	sdelay $0x2  }
0xce: {  	s31 =	sshll.u32 s1, $0xD;
	s1 =	sshrl.u32 s1, $0x2  }
0xcf: {  	s4 =	sand.u32 $0x4000, s31;
	s1 =	sadd.s32 s1, s30  }
0xd0: {  	s0 =	sor.u32 s4, s0;
	s1 =	sshll.u32 s1, $0x11  }
0xd1: {  	s0 =	sor.u32 s1, s0  }
0xd2: {  	s0 =	sadd.s32 $0x8F2B, s0  }
0xd3: {  	[sflag:s0] =	ssyncadd.remote.s32 $0x1  }
0xd4: {  	_ =	sfence.sel $0xFFFF  }
0xd5: {  	[dreg:$0x0] =	wrdreg $0xFFFFFFFF;
	(pc) =	sbr.abs _section_cstart, $3  }
0xd6: {  	[dreg:$0x1] =	wrdreg $0xFFFFFFFF  }
0xd7: {  	_ =	task.clear_ibuf [dreg:s22], $0x2FFFF;
	_ =	strace $0x9FFFFFFF  }
0xd8: {  	(tm) =	ssettm $0x7FFFFFFF  }
0xd9: {  	_ =	shalt  }
tec
execute0_lowered:
.L_overlay_start_1:
0x0: {  	(tag) =	ssettag $0x1  }
0x1: {  	s2 =	rddreg [dreg:$0x0]  }
0x2: {  	s7 =	rddreg [dreg:$0x1]  }
0x3: {  	s3 =	rddreg [dreg:$0x2]  }
0x4: {  	s0 =	rddreg [dreg:$0x3];
	s1 =	srdreg.scid;
	_ =	strace $0x8000004D  }
0x5: {  	s4 =	simm.s32 $0x1;
	s9 =	simm.s32 $0x3;
	s5 =	sshll.u32 s1, $0x4  }
.Ltmp0:
0x6: {  	s1 =	stileid.u32;
	s5 =	sand.u32 $0x10, s5;
	(pc) =	sbr.rel .LBB2_1-.Ltmp0, $4  }
0x7: {  	s11 =	simm.s32 $0x0;
	p0 =	por $0x0, $0x0;
	s6 =	sor.u32 s1, s5  }
0x8: {  	[sflag:s4] =	ssyncpa.u1 $0x0;
	s5 =	simm.s32 $0x2;
	s6 =	sshll.u32 s6, $0x9  }
0x9: {  	s7 =	sadd.s32 $0x3200, s7;
	[sflag:s5] =	ssyncpa.u1 $0x0;
	s8 =	sadd.s32 $0x200, s6  }
0xa: {  	v0 =	vimm.s32 $0x0;
	vm0 =	vmmov $0xff;
	vm1 =	vcmask $0x3F20;
	[sflag:s9] =	ssyncpa.u1 $0x0;
	s10 =	smov.u32 s6;
	s9 =	simm.s32 $0x0  }
.LBB2_9:
0xb: {  	p1 =	slt.u32 s9, $0x2;
	s11 =	sadd.s32 $0x40, s10  }
0xc: {  	s13 =	smov.u32 s6;
	s9 =	sadd.s32 $0x1, s9;
	p2 =	slt.s32 s11, s8  }
0xd: {  	s13 =	smov.u32 @p2 s11;
	p2 =	sne.s32 s9, $0xA  }
.Ltmp1:
0xe: {  	_ = 	snop;
	(pc) =	sbr.rel @!p2 .LBB2_10-.Ltmp1, $4  }
0xf: {  	s12 =	simm.s32 @!p1 $0x3  }
0x10: {  	_ =	swait.ge @!p1 [sflag:s12], $0xC000  }
0x11: {  	p0 =	por !p0, !p0;
	[sflag:s12] =	ssyncset.done @!p1 $0x0  }
0x12: {  	s11 =	smov.u32 s10;
	s10 =	smov.u32 s13;
	[sflag:s12] =	ssyncadd.s32 @!p1 $0xFFFF4000  }
.LBB2_1:
0x13: {  	p1 =	sgt.u32 s9, $0x7  }
0x14: {  	s12 =	sxor.u32 @!p1 $0xFFFFFFFF, s9  }
0x15: {  	s13 =	sshrl.u32 @!p1 s10, $0x3;
	s12 =	sshll.u32 @!p1 s12, $0x6  }
0x16: {  	s14 =	sand.u32 @!p1 $0x7, s10;
	s13 =	sadd.s32 @!p1 s7, s13;
	s12 =	sand.u32 @!p1 $0x40, s12  }
0x17: {  	[tilespmem:s12], [sflag:$0x2] =	stream.linear.gather @!p1 [hbm4b:s13+s14], $0x40, $0x38;
	[tilespmem:$0x18080] =	vst v63  }
0x18: {  	p1 =	seq.s32 s9, $0x0  }
0x19: {  	p2 =	seq.s32 @!p1 s9, $0x9  }
0x1a: {  	p1 =	por p1, p2  }
.Ltmp2:
0x1b: {  	_ = 	snop;
	(pc) =	sbr.rel @p1 .LBB2_9-.Ltmp2, $1  }
0x1c: {  	_ =	sdelay $0x3  }
0x1d: {  	s12 =	simm.s32 $0x1  }
0x1e: {  	s12 =	simm.s32 @!p0 $0x0  }
0x1f: {  	s12 =	smul.u32 $0x30000, s12;
	_ =	sdelay $0x1  }
0x20: {  	_ =	swait.ge [sflag:s5], $0x40;
	s13 =	sand.u32 $0x1, s9;
	s12 =	sshrl.u32 s12, $0x2  }
0x21: {  	s14 =	simm.s32 $0x0;
	[sflag:s5] =	ssyncset.done $0x0;
	s12 =	sor.u32 $0x80, s12  }
0x22: {  	s13 =	sshll.u32 s13, $0x6;
	[sflag:s5] =	ssyncadd.s32 $0xFFFFFFC0;
	s15 =	smov.u32 s12  }
.LBB2_3:
0x23: {  	s16 =	sshll.u32 s14, $0x4  }
0x24: {  	s16 =	sand.u32 $0x3FFFFFF0, s16  }
0x25: {  	s16 =	sadd.s32 s16, s13  }
0x26: {  	v1 =	vld.msk [tilespmem:s16+$0x0 ss:$0x1], $0xffff;
	_ =	sdelay $0x4  }
0x27: {  	v2 =	vshrl.u32 v1, $0x1  }
0x28: {  	vm2 =	veq.s32 v1, $0x80000000;
	v2 =	vand.u32 $0x1FFF, v2  }
0x29: {  	v1 =	vand.u32 $0x1, v1;
	v2 =	vsel vm2, $0xFFFFFFFF, v2  }
0x2a: {  	vm3 =	veq.s32 v1, $0x1;
	v3 =	vshrl.u32 v2, $0x3  }
0x2b: {  	v1 =	vsel vm3, $0x600000, v0;
	v3 =	vmul.u32 $0x1800, v3  }
0x2c: {  	v1 =	vsel vm2, $0xFFA00000, v1;
	v2 =	vshll.u32 v2, $0x7  }
0x2d: {  	v2 =	vand.u32 $0x380, v2;
	v1 =	vadd.s32 v1, v3  }
0x2e: {  	v1 =	vor.u32 v2, v1  }
0x2f: {  	v1 =	vshrl.u32 v1, $0x3;
	_ =	sdelay $0x3  }
0x30: {  	s17 =	sadd.s32 $0x0, s15  }
0x31: {  	[tilespmem:s17], [sflag:$0x1] =	stream.indirect_vreg.gather [hbm:s2], $0x80, v1, vm0, $0x38;
	[tilespmem:$0x18080] =	vst v63  }
0x32: {  	s16 =	simm.s32 $0x1000;
	v2 =	vadd.s32 $0x80, v1;
	s17 =	sadd.s32 $0x1800, s17  }
.LBB2_4:
0x33: {  	[tilespmem:s17], [sflag:$0x1] =	stream.indirect_vreg.gather [hbm:s2], $0x80, v1, vm1, $0x38;
	[tilespmem:$0x18080] =	vst v63  }
0x34: {  	v1 =	vmov v2;
	s17 =	smov.u32 s16;
	p1 =	sne.s32 s16, $0x5000  }
.Ltmp3:
0x35: {  	s16 =	sadd.s32 $0x1000, s16;
	(pc) =	sbr.rel @p1 .LBB2_4-.Ltmp3, $4  }
0x36: {  	s17 =	sshra.s32 s17, $0x2  }
0x37: {  	s17 =	sadd.s32 s17, s15  }
0x38: {  	[tilespmem:s17], [sflag:$0x1] =	stream.indirect_vreg.gather [hbm:s2], $0x80, v2, vm0, $0x38;
	[tilespmem:$0x18080] =	vst v63  }
0x39: {  	s17 =	sadd.s32 $0x1800, s17;
	v2 =	vadd.s32 $0x80, v2  }
0x3a: {  	s14 =	sadd.s32 $0x1, s14  }
0x3b: {  	p1 =	sne.s32 s14, $0x4  }
.Ltmp4:
0x3c: {  	_ = 	snop;
	(pc) =	sbr.rel @p1 .LBB2_3-.Ltmp4, $3  }
0x3d: {  	_ =	sdelay $0x1  }
0x3e: {  	[tilespmem:s17], [sflag:$0x1] =	stream.indirect_vreg.gather [hbm:s2], $0x80, v1, vm1, $0x38;
	[tilespmem:$0x18080] =	vst v63  }
0x3f: {  	s15 =	sadd.s32 $0x3000, s15  }
0x40: {  	s13 =	sshrl.u32 s11, $0x3  }
0x41: {  	s13 =	smul.u32 $0x300, s13  }
0x42: {  	s31 =	sshll.u32 s11, $0x4  }
0x43: {  	_ =	swait.ge [sflag:s4], $0xC000;
	s11 =	sand.u32 $0x70, s31;
	s13 =	sadd.s32 s13, s3  }
0x44: {  	s14 =	sadd.s32 $0x1800, s12;
	[sflag:s4] =	ssyncset.done $0x0;
	s11 =	sadd.s32 s11, s13  }
0x45: {  	[sflag:s4] =	ssyncadd.s32 $0xFFFF4000;
	s13 =	simm.s32 $0x300;
	s15 =	sadd.s32 $0x0, s11  }
.LBB2_7:
0x46: {  	[hbm:s15] =	stream.linear.scatter [tilespmem:s12], [sflag:$0x3], $0x1800, $0x38;
	[tilespmem:$0x18080] =	vst v63  }
0x47: {  	s15 =	smov.u32 s13;
	s12 =	smov.u32 s14;
	p1 =	sne.s32 s13, $0x1500  }
.Ltmp5:
0x48: {  	s13 =	sadd.s32 $0x300, s13;
	(pc) =	sbr.rel @p1 .LBB2_7-.Ltmp5, $2  }
0x49: {  	_ =	sdelay $0x2  }
0x4a: {  	s14 =	sadd.s32 $0x1800, s14;
	s15 =	sadd.s32 s15, s11  }
.Ltmp6:
0x4b: {  	(pc) =	sbr.rel .LBB2_9-.Ltmp6, $2  }
0x4c: {  	_ =	sdelay $0x2  }
0x4d: {  	[hbm:s15] =	stream.linear.scatter [tilespmem:s12], [sflag:$0x3], $0x1800, $0x38;
	[tilespmem:$0x18080] =	vst v63  }
.LBB2_10:
0x4e: {  	_ =	sfence.sel $0x180000  }
0x4f: {  	s2 =	simm.s32 $0x2;
	[bflag:$0x0] =	sbarrier.arrive $0xFFFF  }
0x50: {  	s30 =	simm.s32 $0x3;
	[sflag:s2] =	ssyncpa.u1 $0x1  }
0x51: {  	s31 =	simm.s32 $0x1;
	[sflag:s30] =	ssyncpa.u1 $0x1  }
0x52: {  	[sflag:s31] =	ssyncpa.u1 $0x1  }
0x53: {  	p0 =	sne.s32 s1, $0x0;
	_ =	strace $0x9000004D  }
0x54: {  	s0 =	sadd.s32 @!p0 $0x100000, s0;
	[bflag:$0x2] =	sbarrier.arrive $0xFFFF  }
0x55: {  	[sflag:s0] =	ssyncadd.tile.s32 @!p0 $0x1;
	_ =	shalt  }
.Lfunc_end2:
_tile_overlayer_lowered:
.L_overlay_start_2:
0x56: {  	(tag) =	ssettag $0x2  }
0x57: {  	s0 =	rddreg [dreg:$0x0];
	s2 =	stileid.u32  }
0x58: {  	s1 =	rddreg [dreg:$0x1];
	p0 =	sne.s32 s2, $0x0  }
0x59: {  	s3 =	rddreg [dreg:$0x2];
	[bflag:$0x3] =	sbarrier.arrive $0xFFFF;
	s2 =	simm.s32 @!p0 $0x1C01  }
0x5a: {  	[timem:s3], [sflag:s2] =	dma.local @!p0 [hbm:s0], s1  }
0x5b: {  	s0 =	simm.s32 @!p0 $0x1  }
0x5c: {  	_ =	swait.ge @!p0 [sflag:s0], s1  }
0x5d: {  	s1 =	ssub.s32 @!p0 $0x0, s1;
	[sflag:s0] =	ssyncset.done @!p0 $0x0  }
0x5e: {  	[sflag:s0] =	ssyncadd.s32 @!p0 s1  }
0x5f: {  	[bflag:$0x3] =	sbarrier.arrive $0xFFFF  }
0x60: {  	_ =	shalt  }

// kernel: kernel.7.cloned.1.call-start
scs
__scs_entry_jumppad:
0x0: {  	(pc) =	sbr.rel $0x88, $3  }
0x1: {  	(tag) =	ssettag $0x0;
	lr =	simm.s32 $0x1  }
0x2: {  	[smem:$0x3F98] =	sst lr;
	_ =	strace $0xD0000000  }
0x3: {  	_ = 	snop  }
0x4: {  	_ = 	snop  }
0x5: {  	_ = 	snop  }
0x6: {  	_ = 	snop  }
0x7: {  	_ = 	snop  }
__scs_overlays_trampoline_lowered:
0x8: {  	[smem:$0x3FA7] =	sst s0  }
0x9: {  	[smem:$0x3FA8] =	sst s1  }
0xa: {  	[smem:$0x3FA9] =	sst s2  }
0xb: {  	[smem:$0x3FAA] =	sst s3  }
0xc: {  	[smem:$0x3FAB] =	sst s4  }
0xd: {  	[smem:$0x3FAC] =	sst s5  }
0xe: {  	[smem:$0x3FAD] =	sst s6  }
0xf: {  	[smem:$0x3FAE] =	sst s7  }
0x10: {  	[smem:$0x3FAF] =	sst s8  }
0x11: {  	[smem:$0x3FB0] =	sst s9;
	s0 =	simm.s32 @!p0 $0x0  }
0x12: {  	s1 =	sld [smem:$0x3F96];
	s0 =	simm.s32 @p0 $0x1  }
0x13: {  	[smem:$0x3FB1] =	sst s0;
	s0 =	simm.s32 @!p1 $0x0  }
0x14: {  	s2 =	sld [smem:$0x3F95];
	s0 =	simm.s32 @p1 $0x1  }
0x15: {  	[smem:$0x3FB2] =	sst s0;
	s0 =	simm.s32 @!p2 $0x0  }
0x16: {  	s3 =	sld [smem:$0x3FDB];
	s0 =	simm.s32 @p2 $0x1  }
0x17: {  	s4 =	simm.s32 $0x1BF5;
	[smem:$0x3FB4] =	sst s0  }
0x18: {  	s0 =	sld [smem:$0x3F97];
	_ =	swait.ge [sflag:s4], $0x0  }
0x19: {  	s7 =	sld [smem:$0x3F98]  }
0x1a: {  	s8 =	sadd.s32 $0xFFFFE003, lr  }
0x1b: {  	s9 =	sadd.s32 $0xFFFFFEF7, lr;
	s5 =	simm.s32 $0xFFFFFFFF;
	p2 =	slt.u32 s8, $0xFFFFF086  }
0x1c: {  	p1 =	slt.u32 s9, $0xF7A;
	s5 =	simm.s32 @!p2 $0x0  }
0x1d: {  	s5 =	simm.s32 @p1 $0x1;
	p0 =	seq.s32 s7, s2  }
0x1e: {  	s7 =	smul.u32 @!p0 $0xF7A, s2;
	p2 =	seq.s32 @!p0 s5, $0x0  }
0x1f: {  	s9 =	smul.u32 $0xF7A, s1;
	s8 =	simm.s32 @!p0 $0x1BF5;
	p2 =	por !p2, p0  }
0x20: {  	[sflag:s8] =	ssyncset.s32 @!p0 $0xFFFFF086;
	s6 =	sadd.s32 @!p0 s3, s7;
	s7 =	simm.s32 @!p0 $0x108  }
0x21: {  	s3 =	sadd.s32 s3, s9;
	s6 =	sadd.s32 @!p0 $0x88, s6;
	s7 =	simm.s32 @p2 $0x1082  }
0x22: {  	[simem:s7], [sflag:s8] =	dma.local @!p0 [hbm:s6], $0xF7A  }
0x23: {  	s9 =	sor.u32 $0xD0000000, s2;
	s6 =	simm.s32 $0x108;
	_ =	swait.ge @!p0 [sflag:s8], $0x0  }
0x24: {  	s3 =	sadd.s32 $0x88, s3;
	s6 =	simm.s32 @!p1 $0x1082;
	[sflag:s4] =	ssyncset.s32 $0xFFFFF086  }
0x25: {  	[simem:s6], [sflag:s4] =	dma.local [hbm:s3], $0xF7A  }
0x26: {  	[smem:$0x3F98] =	sst s1;
	(tag) =	ssettag s2;
	_ =	strace s9  }
0x27: {  	s1 =	sld [smem:$0x3FA8]  }
0x28: {  	s2 =	sld [smem:$0x3FA9]  }
0x29: {  	s4 =	sld [smem:$0x3FAB]  }
0x2a: {  	p0 =	seq.s32 s5, $0x0;
	s5 =	sld [smem:$0x3FAC]  }
0x2b: {  	s6 =	sld [smem:$0x3FAD]  }
0x2c: {  	s7 =	sld [smem:$0x3FAE]  }
0x2d: {  	s3 =	simm.s32 $0x108;
	s8 =	sld [smem:$0x3FAF]  }
0x2e: {  	s3 =	simm.s32 @!p0 $0x1082;
	s9 =	sld [smem:$0x3FB0]  }
0x2f: {  	lr =	sadd.s32 s0, s3;
	s0 =	sld [smem:$0x3FA7]  }
0x30: {  	s3 =	sld [smem:$0x3FAA]  }
0x31: {  	[smem:$0x3FB3] =	sst s10  }
0x32: {  	s10 =	sld [smem:$0x3FB1];
	_ =	sdelay $0x3  }
0x33: {  	p0 =	seq.s32 s10, $0x1;
	s10 =	sld [smem:$0x3FB3];
	_ =	sdelay $0x3  }
0x34: {  	[smem:$0x3FB3] =	sst s10  }
0x35: {  	s10 =	sld [smem:$0x3FB2];
	_ =	sdelay $0x3  }
0x36: {  	p1 =	seq.s32 s10, $0x1;
	s10 =	sld [smem:$0x3FB3];
	_ =	sdelay $0x3  }
0x37: {  	[smem:$0x3FB3] =	sst s10  }
0x38: {  	s10 =	sld [smem:$0x3FB4]  }
0x39: {  	_ = 	snop;
	(pc) =	sbr.ind lr, $3  }
0x3a: {  	_ = 	snop  }
0x3b: {  	_ = 	snop  }
0x3c: {  	p2 =	seq.s32 s10, $0x1;
	s10 =	sld [smem:$0x3FB3]  }
0x3d: {  	_ =	shalt  }
0x3e: {  	_ =	shalt  }
0x3f: {  	_ =	shalt  }
0x40: {  	_ =	shalt  }
0x41: {  	_ =	shalt  }
0x42: {  	_ =	shalt  }
0x43: {  	_ =	shalt  }
0x44: {  	_ =	shalt  }
0x45: {  	_ =	shalt  }
0x46: {  	_ =	shalt  }
0x47: {  	_ =	shalt  }
0x48: {  	_ =	shalt  }
0x49: {  	_ =	shalt  }
0x4a: {  	_ =	shalt  }
0x4b: {  	_ =	shalt  }
0x4c: {  	_ =	shalt  }
0x4d: {  	_ =	shalt  }
0x4e: {  	_ =	shalt  }
0x4f: {  	_ =	shalt  }
0x50: {  	_ =	shalt  }
0x51: {  	_ =	shalt  }
0x52: {  	_ =	shalt  }
0x53: {  	_ =	shalt  }
0x54: {  	_ =	shalt  }
0x55: {  	_ =	shalt  }
0x56: {  	_ =	shalt  }
0x57: {  	_ =	shalt  }
0x58: {  	_ =	shalt  }
0x59: {  	_ =	shalt  }
0x5a: {  	_ =	shalt  }
0x5b: {  	_ =	shalt  }
0x5c: {  	_ =	shalt  }
0x5d: {  	_ =	shalt  }
0x5e: {  	_ =	shalt  }
0x5f: {  	_ =	shalt  }
0x60: {  	_ =	shalt  }
0x61: {  	_ =	shalt  }
0x62: {  	_ =	shalt  }
0x63: {  	_ =	shalt  }
0x64: {  	_ =	shalt  }
0x65: {  	_ =	shalt  }
0x66: {  	_ =	shalt  }
0x67: {  	_ =	shalt  }
0x68: {  	_ =	shalt  }
0x69: {  	_ =	shalt  }
0x6a: {  	_ =	shalt  }
0x6b: {  	_ =	shalt  }
0x6c: {  	_ =	shalt  }
0x6d: {  	_ =	shalt  }
0x6e: {  	_ =	shalt  }
0x6f: {  	_ =	shalt  }
0x70: {  	_ =	shalt  }
0x71: {  	_ =	shalt  }
0x72: {  	_ =	shalt  }
0x73: {  	_ =	shalt  }
0x74: {  	_ =	shalt  }
0x75: {  	_ =	shalt  }
0x76: {  	_ =	shalt  }
0x77: {  	_ =	shalt  }
0x78: {  	_ =	shalt  }
0x79: {  	_ =	shalt  }
0x7a: {  	_ =	shalt  }
0x7b: {  	_ =	shalt  }
0x7c: {  	_ =	shalt  }
0x7d: {  	_ =	shalt  }
0x7e: {  	_ =	shalt  }
0x7f: {  	_ =	shalt  }
0x80: {  	_ =	shalt  }
0x81: {  	_ =	shalt  }
0x82: {  	_ =	shalt  }
0x83: {  	_ =	shalt  }
0x84: {  	_ =	shalt  }
0x85: {  	_ =	shalt  }
0x86: {  	_ =	shalt  }
0x87: {  	_ =	shalt  }
.Lfunc_end0:
.L_simem_size_0:
called_computation.2_lowered:
.L_overlay_start_0:
0x88: {  	s2 =	sld [smem:$0x3FD9]  }
0x89: {  	s3 =	sld [smem:$0x3FFE];
	_ =	sdelay $0x1  }
0x8a: {  	s1 =	srdreg.scid  }
0x8b: {  	s0 =	sand.u32 $0x1, s1  }
0x8c: {  	s14 =	sshll.u32 s0, $0xA;
	s2 =	sadd.s32 s3, s2  }
0x8d: {  	s2 =	sadd.s32 s2, s14  }
0x8e: {  	[smem:$0x3FBF] =	sst s2  }
0x8f: {  	_ = 	snop  }
0x90: {  	s2 =	sld [smem:$0x3FD0];
	_ =	sdelay $0x2  }
0x91: {  	s15 =	simm.s32 $0xB;
	s4 =	simm.s32 $0x10  }
0x92: {  	[smem:s4], [sflag:s15] =	dma.local [hbm:s2], $0x1  }
0x93: {  	_ =	swait.eq [sflag:s15], $0x1  }
0x94: {  	[sflag:s15] =	ssyncset.done $0x0  }
0x95: {  	s16 =	sld [smem:$0x10];
	[sflag:s15] =	ssyncadd.s32 $0xFFFFFFFF  }
0x96: {  	s17 =	sld [smem:$0x11];
	(tm) =	ssettm $0x1  }
0x97: {  	s18 =	sld [smem:$0x3FFB];
	_ =	sdelay $0x3  }
0x98: {  	_ =	strace s18  }
0x99: {  	s4 =	sld [smem:$0x3FFC];
	_ =	sdelay $0x3  }
0x9a: {  	_ =	strace s4  }
0x9b: {  	s4 =	sld [smem:$0x3FFD];
	_ =	sdelay $0x3  }
0x9c: {  	_ =	strace s4  }
0x9d: {  	_ =	strace $0x8FFFFFFF  }
0x9e: {  	s19 =	sld [smem:$0x3FDB];
	_ =	sdelay $0x1  }
0x9f: {  	s5 =	simm.s32 $_scs_section_size  }
0xa0: {  	s6 =	simm.s32 $_size__tile_overlayer_lowered;
	s7 =	simm.s32 $_tile_overlayer_lowered  }
0xa1: {  	s22 =	simm.s32 $0x1BFF;
	s21 =	sshll.u32 s7, $0x1;
	s4 =	sadd.s32 s5, s19  }
0xa2: {  	s8 =	simm.s32 $0x0;
	s20 =	sshll.u32 s6, $0x1;
	s6 =	sadd.s32 s21, s4  }
0xa3: {  	[timem:s8], [sflag:s22] =	dma.local [hbm:s6], s20  }
0xa4: {  	_ =	swait.ge [sflag:s22], s20  }
0xa5: {  	s5 =	ssub.s32 $0x0, s20;
	[sflag:s22] =	ssyncset.done $0x0  }
0xa6: {  	[sflag:s22] =	ssyncadd.s32 s5;
	_ =	sdelay $0x1  }
0xa7: {  	s23 =	simm.s32 $0x1B8B  }
0xa8: {  	_ =	swait.ge [sflag:s23], $0x1  }
0xa9: {  	[sflag:s23] =	ssyncset.done $0x0  }
0xaa: {  	s25 =	simm.s32 $0x1B8E;
	s24 =	sld [smem:$0x3FFE];
	[sflag:s23] =	ssyncadd.s32 $0xFFFFFFFF  }
0xab: {  	s26 =	simm.s32 $execute0_lowered;
	[smem:$0x3FD2] =	sst s25  }
0xac: {  	s6 =	sshll.u32 s26, $0x1;
	_ =	strace $0x80000046;
	[dreg:$0x1] =	wrdreg $0xFFFFFFFF  }
0xad: {  	s28 =	simm.s32 $_size_execute0_lowered;
	s4 =	sadd.s32 s4, s6;
	[dreg:$0x0] =	wrdreg $0x0  }
0xae: {  	s6 =	sshll.u32 s28, $0x1;
	[dreg:$0x2] =	wrdreg s4  }
0xaf: {  	[dreg:$0x3] =	wrdreg s6  }
0xb0: {  	[dreg:$0x4] =	wrdreg $0xC0  }
0xb1: {  	_ =	task [dreg:s8], $0x5FFFF  }
0xb2: {  	[dreg:$0x1] =	wrdreg $0xFFFFFFFF  }
0xb3: {  	[dreg:$0x0] =	wrdreg $0x60  }
0xb4: {  	[dreg:$0x2] =	wrdreg s16  }
0xb5: {  	[dreg:$0x3] =	wrdreg s17  }
0xb6: {  	[dreg:$0x4] =	wrdreg s24  }
0xb7: {  	[dreg:$0x5] =	wrdreg $0x9  }
0xb8: {  	_ =	task.clear_ibuf [dreg:s8], $0x6FFFF;
	_ =	strace $0x90000046  }
0xb9: {  	s29 =	simm.s32 $0x9;
	_ =	strace $0x80000048  }
0xba: {  	_ =	swait.ge [sflag:s29], $0x1  }
0xbb: {  	[sflag:s29] =	ssyncadd.s32 $0xFFFFFFFF  }
0xbc: {  	_ =	strace $0x90000048  }
0xbd: {  	_ =	sfence  }
0xbe: {  	s30 =	sld [smem:$0x0];
	_ =	sdelay $0x2  }
0xbf: {  	s31 =	sshll.u32 s1, $0xD;
	s1 =	sshrl.u32 s1, $0x2  }
0xc0: {  	s3 =	sand.u32 $0x4000, s31;
	s1 =	sadd.s32 s1, s30  }
0xc1: {  	s0 =	sor.u32 s3, s0;
	s1 =	sshll.u32 s1, $0x11  }
0xc2: {  	s0 =	sor.u32 s1, s0  }
0xc3: {  	s0 =	sadd.s32 $0x8F2B, s0  }
0xc4: {  	[sflag:s0] =	ssyncadd.remote.s32 $0x1  }
0xc5: {  	_ =	sfence.sel $0xFFFF  }
0xc6: {  	[dreg:$0x0] =	wrdreg $0xFFFFFFFF;
	(pc) =	sbr.abs _section_cstart, $3  }
0xc7: {  	[dreg:$0x1] =	wrdreg $0xFFFFFFFF  }
0xc8: {  	_ =	task.clear_ibuf [dreg:s8], $0x2FFFF;
	_ =	strace $0x9FFFFFFF  }
0xc9: {  	(tm) =	ssettm $0x7FFFFFFF  }
tec
execute0_lowered:
.L_overlay_start_1:
0x0: {  	(tag) =	ssettag $0x1  }
0x1: {  	s4 =	stileid.u32  }
0x2: {  	p0 =	sne.s32 s4, $0x0  }
.Ltmp0:
0x3: {  	_ = 	snop;
	(pc) =	sbr.rel @p0 .LBB2_61-.Ltmp0, $4  }
0x4: {  	s0 =	rddreg [dreg:$0x0]  }
0x5: {  	s2 =	rddreg [dreg:$0x1];
	s1 =	simm.s32 $0x0  }
0x6: {  	[smem:$0x7FF] =	sst s1  }
0x7: {  	s3 =	rddreg [dreg:$0x2];
	_ =	strace $0x80000047  }
0x8: {  	s4 =	srdreg.scid  }
0x9: {  	s4 =	sand.u32 $0x1, s4  }
0xa: {  	s7 =	sadd.s32 $0x3200, s3;
	s5 =	sshll.u32 s4, $0xA  }
0xb: {  	s6 =	sshll.u32 s4, $0xD;
	s4 =	ssub.s32 $0x2, s4;
	s3 =	sadd.s32 s5, s3  }
0xc: {  	s26 =	sor.u32 $0x10, s6;
	s8 =	sadd.s32 s2, s6;
	s11 =	sor.u32 $0x20, s6  }
0xd: {  	s15 =	sor.u32 $0x30, s6;
	[dreg:$0x4] =	wrdreg s8;
	s10 =	sadd.s32 s0, s26  }
0xe: {  	s18 =	sor.u32 $0x40, s6;
	s9 =	sadd.s32 s2, s26;
	[dreg:$0x5] =	wrdreg s10  }
0xf: {  	s20 =	sor.u32 $0x50, s6;
	s5 =	sadd.s32 s7, s26;
	[dreg:$0x6] =	wrdreg s9  }
0x10: {  	s24 =	sor.u32 $0x60, s6;
	s12 =	sadd.s32 s0, s11;
	[dreg:$0x7] =	wrdreg s5  }
0x11: {  	s25 =	sshrl.u32 s4, $0x1;
	s13 =	sadd.s32 s2, s11;
	[dreg:$0x8] =	wrdreg s12  }
0x12: {  	s14 =	sadd.s32 s7, s11;
	s16 =	sadd.s32 s0, s15;
	[dreg:$0x9] =	wrdreg s13  }
0x13: {  	s17 =	sadd.s32 s2, s15;
	s19 =	sadd.s32 s0, s18;
	[dreg:$0xa] =	wrdreg s14  }
0x14: {  	s21 =	sadd.s32 s2, s18;
	s8 =	sadd.s32 s7, s18;
	[dreg:$0xb] =	wrdreg s16  }
0x15: {  	s22 =	sadd.s32 s0, s20;
	s23 =	sadd.s32 s2, s20;
	[dreg:$0xc] =	wrdreg s17  }
0x16: {  	s18 =	sadd.s32 s0, s24;
	s4 =	ssub.s32 s4, s25;
	[dreg:$0xe] =	wrdreg s19  }
0x17: {  	s26 =	sor.u32 $0x70, s6;
	s25 =	sadd.s32 s0, s6;
	[dreg:$0xf] =	wrdreg s21  }
0x18: {  	s28 =	sadd.s32 $0x7210, s3;
	s29 =	sadd.s32 $0x7220, s3;
	[dreg:$0x10] =	wrdreg s8  }
0x19: {  	s30 =	sadd.s32 $0x7230, s3;
	s31 =	sadd.s32 $0x7240, s3;
	[dreg:$0x11] =	wrdreg s22  }
0x1a: {  	s5 =	sadd.s32 s7, s15;
	[dreg:$0x12] =	wrdreg s23;
	s17 =	sadd.s32 s7, s20  }
0x1b: {  	s19 =	sadd.s32 s2, s24;
	s20 =	sadd.s32 s7, s24;
	s21 =	sadd.s32 s2, s26  }
0x1c: {  	s22 =	sadd.s32 s7, s6;
	s23 =	sadd.s32 s7, s26;
	s24 =	sadd.s32 s0, s26  }
0x1d: {  	v0 =	vimm.s32 $0x0;
	s26 =	sadd.s32 $0x7200, s3;
	s0 =	sadd.s32 $0x7250, s3;
	s2 =	sadd.s32 $0x7260, s3  }
0x1e: {  	v1 =	vlaneseq.u32;
	v2 =	vimm.s32 $0x1;
	v3 =	vimm.s32 $0x2;
	s3 =	sadd.s32 $0x7270, s3;
	s4 =	smax.u32 s4, $0x1;
	s6 =	simm.s32 $0x400  }
0x1f: {  	v4 =	vimm.s32 $0x3;
	v5 =	vimm.s32 $0x4;
	v6 =	vimm.s32 $0x5;
	s7 =	simm.s32 $0x1;
	s8 =	simm.s32 $0x4000;
	s9 =	simm.s32 $0x6000  }
0x20: {  	v7 =	vimm.s32 $0x6;
	v8 =	vimm.s32 $0x7;
	v9 =	vimm.s32 $0x8;
	s10 =	simm.s32 $0x8000;
	[dreg:$0xd] =	wrdreg s5;
	s5 =	simm.s32 $0x80  }
.LBB2_2:
0x21: {  	s11 =	simm.s32 $0x40;
	s12 =	simm.s32 $0x0  }
.LBB2_3:
0x22: {  	p1 =	sne.s32 s11, $0x7FC0;
	[tilespmem:s12+$0x6000] =	vst v0;
	s12 =	smov.u32 s11;
	s11 =	sadd.s32 $0x40, s11  }
.Ltmp1:
0x23: {  	(pc) =	sbr.rel @p1 .LBB2_3-.Ltmp1, $2  }
0x24: {  	_ =	sdelay $0x2  }
0x25: {  	s12 =	sshra.s32 s12, $0x2  }
0x26: {  	[tilespmem:s12+$0x6000] =	vst v0;
	s12 =	simm.s32 $0x0  }
0x27: {  	[tilespmem:s12], [sflag:$0x1] =	stream.strided.gather [hbm4b:s25+s5], $0x2000, s6, s5, $0x38;
	[tilespmem:$0x8480] =	vst v63  }
0x28: {  	_ =	swait.ge [sflag:s7], $0x2000  }
0x29: {  	[sflag:s7] =	ssyncset.done $0x0  }
0x2a: {  	s13 =	simm.s32 $0x2000;
	s11 =	rddreg [dreg:$0x4];
	[sflag:s7] =	ssyncadd.s32 $0xFFFFE000  }
0x2b: {  	[tilespmem:s13], [sflag:$0x1] =	stream.strided.gather [hbm4b:s11+s5], $0x2000, s6, s5, $0x38;
	[tilespmem:$0x8480] =	vst v63  }
0x2c: {  	_ =	swait.ge [sflag:s7], $0x2000  }
0x2d: {  	[sflag:s7] =	ssyncset.done $0x0  }
0x2e: {  	[sflag:s7] =	ssyncadd.s32 $0xFFFFE000  }
0x2f: {  	[tilespmem:s8], [sflag:$0x1] =	stream.strided.gather [hbm4b:s22+s5], $0x2000, s6, s5, $0x38;
	[tilespmem:$0x8480] =	vst v63  }
0x30: {  	_ =	swait.ge [sflag:s7], $0x2000  }
0x31: {  	[sflag:s7] =	ssyncset.done $0x0  }
0x32: {  	s14 =	simm.s32 $0x0;
	s11 =	simm.s32 $0x0;
	[sflag:s7] =	ssyncadd.s32 $0xFFFFE000  }
.LBB2_5:
0x33: {  	v10 =	vld [tilespmem:s14+$0x0];
	_ =	sdelay $0x6  }
0x34: {  	v11 =	vld [tilespmem:s13+$0x0]  }
0x35: {  	v12 =	vld.idx.msk [tilespmem:v10+s9+$0x0], $0xffff;
	_ =	sdelay $0x4  }
0x36: {  	vm1 =	vlt.s32 v11, $0x0;
	vm0 =	veq.s32 v12, $0x0  }
0x37: {  	vm0 =	vmand vm1, vm0  }
0x38: {  	v11 =	vmpcnt.ones.xlane vm0;
	_ =	sdelay $0x1  }
0x39: {  	(v2sf) =	vpush v11, $0x0;
	_ =	sdelay $0xe  }
0x3a: {  	s15 =	spop (v2sf)  }
0x3b: {  	[tilespmem:s11+$0x8000] =	vst.msk vm0, v10;
	s11 =	sadd.s32 s11, s15  }
0x3c: {  	p1 =	sgt.s32 s11, $0x3FF  }
0x3d: {  	p2 =	slt.u32 @!p1 s12, $0x1FF  }
0x3e: {  	p1 =	por p1, !p2  }
.Ltmp2:
0x3f: {  	_ = 	snop;
	(pc) =	sbr.rel @!p1 .LBB2_5-.Ltmp2, $2  }
0x40: {  	_ =	sdelay $0x2  }
0x41: {  	s14 =	sadd.s32 $0x10, s14;
	s13 =	sadd.s32 $0x10, s13;
	s12 =	sadd.s32 $0x1, s12  }
0x42: {  	p1 =	slt.s32 s11, $0x400  }
.Ltmp3:
0x43: {  	_ = 	snop;
	(pc) =	sbr.rel @!p1 .LBB2_9-.Ltmp3, $1  }
0x44: {  	_ =	sdelay $0x3  }
0x45: {  	s12 =	simm.s32 $0x4000  }
0x46: {  	s13 =	simm.s32 $0x6000;
	s15 =	simm.s32 $0x0;
	s14 =	simm.s32 $0x0  }
.LBB2_8:
0x47: {  	v10 =	vld [tilespmem:s12+$0x0]  }
0x48: {  	v11 =	vld [tilespmem:s13+$0x0];
	_ =	sdelay $0x4  }
0x49: {  	v10 =	vor.u32 v10, v11  }
0x4a: {  	vm0 =	veq.s32 v10, $0x0  }
0x4b: {  	v10 =	vmpcnt.ones.xlane vm0;
	_ =	sdelay $0x1  }
0x4c: {  	(v2sf) =	vpush v10, $0x0;
	_ =	sdelay $0xe  }
0x4d: {  	v10 =	vor.u32 s14, v1;
	s16 =	spop (v2sf)  }
0x4e: {  	[tilespmem:s11+$0x8000] =	vst.msk vm0, v10;
	s11 =	sadd.s32 s11, s16  }
0x4f: {  	p1 =	sgt.s32 s11, $0x3FF  }
0x50: {  	p2 =	slt.u32 @!p1 s15, $0x1FF  }
0x51: {  	p1 =	por p1, !p2  }
.Ltmp4:
0x52: {  	_ = 	snop;
	(pc) =	sbr.rel @!p1 .LBB2_8-.Ltmp4, $3  }
0x53: {  	_ =	sdelay $0x1  }
0x54: {  	s12 =	sadd.s32 $0x10, s12  }
0x55: {  	s13 =	sadd.s32 $0x10, s13;
	s14 =	sadd.s32 $0x10, s14;
	s15 =	sadd.s32 $0x1, s15  }
.LBB2_9:
0x56: {  	s12 =	simm.s32 $0x0;
	s11 =	simm.s32 $0x40  }
.LBB2_10:
0x57: {  	p1 =	sne.s32 s11, $0xFC0;
	v10 =	vld [tilespmem:s12+$0x8000];
	_ =	sdelay $0x3  }
.Ltmp5:
0x58: {  	(pc) =	sbr.rel @p1 .LBB2_10-.Ltmp5, $2  }
0x59: {  	_ =	sdelay $0x2  }
0x5a: {  	s12 =	sshra.s32 s11, $0x2;
	s11 =	sadd.s32 $0x40, s11;
	[tilespmem:v10+s9+$0x0] =	vst.idx.msk $0xffff, v2  }
0x5b: {  	v10 =	vld [tilespmem:s12+$0x8000];
	_ =	sdelay $0x7  }
0x5c: {  	[tilespmem:v10+s9+$0x0] =	vst.idx.msk $0xffff, v2  }
0x5d: {  	[hbm4b:s26+s5] =	stream.strided.scatter [tilespmem:s10], [sflag:$0x1], $0x400, s6, s5, $0x38;
	[tilespmem:$0x8480] =	vst v63  }
0x5e: {  	_ =	swait.ge [sflag:s7], $0x400  }
0x5f: {  	[sflag:s7] =	ssyncset.done $0x0  }
0x60: {  	s12 =	simm.s32 $0x0;
	s11 =	rddreg [dreg:$0x5];
	[sflag:s7] =	ssyncadd.s32 $0xFFFFFC00  }
0x61: {  	[tilespmem:s12], [sflag:$0x1] =	stream.strided.gather [hbm4b:s11+s5], $0x2000, s6, s5, $0x38;
	[tilespmem:$0x8480] =	vst v63  }
0x62: {  	_ =	swait.ge [sflag:s7], $0x2000  }
0x63: {  	[sflag:s7] =	ssyncset.done $0x0  }
0x64: {  	s13 =	simm.s32 $0x2000;
	s15 =	rddreg [dreg:$0x6];
	[sflag:s7] =	ssyncadd.s32 $0xFFFFE000  }
0x65: {  	[tilespmem:s13], [sflag:$0x1] =	stream.strided.gather [hbm4b:s15+s5], $0x2000, s6, s5, $0x38;
	[tilespmem:$0x8480] =	vst v63  }
0x66: {  	_ =	swait.ge [sflag:s7], $0x2000  }
0x67: {  	[sflag:s7] =	ssyncset.done $0x0  }
0x68: {  	s16 =	rddreg [dreg:$0x7];
	[sflag:s7] =	ssyncadd.s32 $0xFFFFE000  }
0x69: {  	[tilespmem:s8], [sflag:$0x1] =	stream.strided.gather [hbm4b:s16+s5], $0x2000, s6, s5, $0x38;
	[tilespmem:$0x8480] =	vst v63  }
0x6a: {  	_ =	swait.ge [sflag:s7], $0x2000  }
0x6b: {  	[sflag:s7] =	ssyncset.done $0x0  }
0x6c: {  	s14 =	simm.s32 $0x0;
	s11 =	simm.s32 $0x0;
	[sflag:s7] =	ssyncadd.s32 $0xFFFFE000  }
.LBB2_12:
0x6d: {  	v10 =	vld [tilespmem:s14+$0x0];
	_ =	sdelay $0x6  }
0x6e: {  	v11 =	vld [tilespmem:s13+$0x0]  }
0x6f: {  	v12 =	vld.idx.msk [tilespmem:v10+s9+$0x0], $0xffff;
	_ =	sdelay $0x4  }
0x70: {  	vm1 =	vlt.s32 v11, $0x0;
	vm0 =	veq.s32 v12, $0x0  }
0x71: {  	vm0 =	vmand vm1, vm0  }
0x72: {  	v11 =	vmpcnt.ones.xlane vm0;
	_ =	sdelay $0x1  }
0x73: {  	(v2sf) =	vpush v11, $0x0;
	_ =	sdelay $0xe  }
0x74: {  	s15 =	spop (v2sf)  }
0x75: {  	[tilespmem:s11+$0x8000] =	vst.msk vm0, v10;
	s11 =	sadd.s32 s11, s15  }
0x76: {  	p1 =	sgt.s32 s11, $0x3FF  }
0x77: {  	p2 =	slt.u32 @!p1 s12, $0x1FF  }
0x78: {  	p1 =	por p1, !p2  }
.Ltmp6:
0x79: {  	_ = 	snop;
	(pc) =	sbr.rel @!p1 .LBB2_12-.Ltmp6, $2  }
0x7a: {  	_ =	sdelay $0x2  }
0x7b: {  	s14 =	sadd.s32 $0x10, s14;
	s13 =	sadd.s32 $0x10, s13;
	s12 =	sadd.s32 $0x1, s12  }
0x7c: {  	p1 =	slt.s32 s11, $0x400  }
.Ltmp7:
0x7d: {  	_ = 	snop;
	(pc) =	sbr.rel @!p1 .LBB2_16-.Ltmp7, $1  }
0x7e: {  	_ =	sdelay $0x3  }
0x7f: {  	s12 =	simm.s32 $0x4000  }
0x80: {  	s13 =	simm.s32 $0x6000;
	s15 =	simm.s32 $0x0;
	s14 =	simm.s32 $0x0  }
.LBB2_15:
0x81: {  	v10 =	vld [tilespmem:s12+$0x0]  }
0x82: {  	v11 =	vld [tilespmem:s13+$0x0];
	_ =	sdelay $0x4  }
0x83: {  	v10 =	vor.u32 v10, v11  }
0x84: {  	vm0 =	veq.s32 v11, $0x1;
	vm1 =	veq.s32 v10, $0x0  }
0x85: {  	vm0 =	vmor vm0, vm1  }
0x86: {  	v10 =	vmpcnt.ones.xlane vm0;
	_ =	sdelay $0x1  }
0x87: {  	(v2sf) =	vpush v10, $0x0;
	_ =	sdelay $0xe  }
0x88: {  	v10 =	vor.u32 s14, v1;
	s16 =	spop (v2sf)  }
0x89: {  	[tilespmem:s11+$0x8000] =	vst.msk vm0, v10;
	s11 =	sadd.s32 s11, s16  }
0x8a: {  	p1 =	sgt.s32 s11, $0x3FF  }
0x8b: {  	p2 =	slt.u32 @!p1 s15, $0x1FF  }
0x8c: {  	p1 =	por p1, !p2  }
.Ltmp8:
0x8d: {  	_ = 	snop;
	(pc) =	sbr.rel @!p1 .LBB2_15-.Ltmp8, $3  }
0x8e: {  	_ =	sdelay $0x1  }
0x8f: {  	s12 =	sadd.s32 $0x10, s12  }
0x90: {  	s13 =	sadd.s32 $0x10, s13;
	s14 =	sadd.s32 $0x10, s14;
	s15 =	sadd.s32 $0x1, s15  }
.LBB2_16:
0x91: {  	s12 =	simm.s32 $0x0;
	s11 =	simm.s32 $0x40  }
.LBB2_17:
0x92: {  	p1 =	sne.s32 s11, $0xFC0;
	v10 =	vld [tilespmem:s12+$0x8000];
	_ =	sdelay $0x3  }
.Ltmp9:
0x93: {  	(pc) =	sbr.rel @p1 .LBB2_17-.Ltmp9, $2  }
0x94: {  	_ =	sdelay $0x2  }
0x95: {  	s12 =	sshra.s32 s11, $0x2;
	s11 =	sadd.s32 $0x40, s11;
	[tilespmem:v10+s9+$0x0] =	vst.idx.msk $0xffff, v3  }
0x96: {  	v10 =	vld [tilespmem:s12+$0x8000];
	_ =	sdelay $0x7  }
0x97: {  	[tilespmem:v10+s9+$0x0] =	vst.idx.msk $0xffff, v3  }
0x98: {  	[hbm4b:s28+s5] =	stream.strided.scatter [tilespmem:s10], [sflag:$0x1], $0x400, s6, s5, $0x38;
	[tilespmem:$0x8480] =	vst v63  }
0x99: {  	_ =	swait.ge [sflag:s7], $0x400  }
0x9a: {  	[sflag:s7] =	ssyncset.done $0x0  }
0x9b: {  	s12 =	simm.s32 $0x0;
	s11 =	rddreg [dreg:$0x8];
	[sflag:s7] =	ssyncadd.s32 $0xFFFFFC00  }
0x9c: {  	[tilespmem:s12], [sflag:$0x1] =	stream.strided.gather [hbm4b:s11+s5], $0x2000, s6, s5, $0x38;
	[tilespmem:$0x8480] =	vst v63  }
0x9d: {  	_ =	swait.ge [sflag:s7], $0x2000  }
0x9e: {  	[sflag:s7] =	ssyncset.done $0x0  }
0x9f: {  	s13 =	simm.s32 $0x2000;
	s15 =	rddreg [dreg:$0x9];
	[sflag:s7] =	ssyncadd.s32 $0xFFFFE000  }
0xa0: {  	[tilespmem:s13], [sflag:$0x1] =	stream.strided.gather [hbm4b:s15+s5], $0x2000, s6, s5, $0x38;
	[tilespmem:$0x8480] =	vst v63  }
0xa1: {  	_ =	swait.ge [sflag:s7], $0x2000  }
0xa2: {  	[sflag:s7] =	ssyncset.done $0x0  }
0xa3: {  	s16 =	rddreg [dreg:$0xa];
	[sflag:s7] =	ssyncadd.s32 $0xFFFFE000  }
0xa4: {  	[tilespmem:s8], [sflag:$0x1] =	stream.strided.gather [hbm4b:s16+s5], $0x2000, s6, s5, $0x38;
	[tilespmem:$0x8480] =	vst v63  }
0xa5: {  	_ =	swait.ge [sflag:s7], $0x2000  }
0xa6: {  	[sflag:s7] =	ssyncset.done $0x0  }
0xa7: {  	s14 =	simm.s32 $0x0;
	s11 =	simm.s32 $0x0;
	[sflag:s7] =	ssyncadd.s32 $0xFFFFE000  }
.LBB2_19:
0xa8: {  	v10 =	vld [tilespmem:s14+$0x0];
	_ =	sdelay $0x6  }
0xa9: {  	v11 =	vld [tilespmem:s13+$0x0]  }
0xaa: {  	v12 =	vld.idx.msk [tilespmem:v10+s9+$0x0], $0xffff;
	_ =	sdelay $0x4  }
0xab: {  	vm1 =	vlt.s32 v11, $0x0;
	vm0 =	veq.s32 v12, $0x0  }
0xac: {  	vm0 =	vmand vm1, vm0  }
0xad: {  	v11 =	vmpcnt.ones.xlane vm0;
	_ =	sdelay $0x1  }
0xae: {  	(v2sf) =	vpush v11, $0x0;
	_ =	sdelay $0xe  }
0xaf: {  	s15 =	spop (v2sf)  }
0xb0: {  	[tilespmem:s11+$0x8000] =	vst.msk vm0, v10;
	s11 =	sadd.s32 s11, s15  }
0xb1: {  	p1 =	sgt.s32 s11, $0x3FF  }
0xb2: {  	p2 =	slt.u32 @!p1 s12, $0x1FF  }
0xb3: {  	p1 =	por p1, !p2  }
.Ltmp10:
0xb4: {  	_ = 	snop;
	(pc) =	sbr.rel @!p1 .LBB2_19-.Ltmp10, $2  }
0xb5: {  	_ =	sdelay $0x2  }
0xb6: {  	s14 =	sadd.s32 $0x10, s14;
	s13 =	sadd.s32 $0x10, s13;
	s12 =	sadd.s32 $0x1, s12  }
0xb7: {  	p1 =	slt.s32 s11, $0x400  }
.Ltmp11:
0xb8: {  	_ = 	snop;
	(pc) =	sbr.rel @!p1 .LBB2_23-.Ltmp11, $1  }
0xb9: {  	_ =	sdelay $0x3  }
0xba: {  	s12 =	simm.s32 $0x4000  }
0xbb: {  	s13 =	simm.s32 $0x6000;
	s15 =	simm.s32 $0x0;
	s14 =	simm.s32 $0x0  }
.LBB2_22:
0xbc: {  	v10 =	vld [tilespmem:s12+$0x0]  }
0xbd: {  	v11 =	vld [tilespmem:s13+$0x0];
	_ =	sdelay $0x4  }
0xbe: {  	v12 =	vadd.s32 $0xFFFFFFFF, v11;
	v10 =	vor.u32 v10, v11  }
0xbf: {  	vm0 =	vlt.u32 v12, $0x2;
	vm1 =	veq.s32 v10, $0x0  }
0xc0: {  	vm0 =	vmor vm0, vm1  }
0xc1: {  	v10 =	vmpcnt.ones.xlane vm0;
	_ =	sdelay $0x1  }
0xc2: {  	(v2sf) =	vpush v10, $0x0;
	_ =	sdelay $0xe  }
0xc3: {  	v10 =	vor.u32 s14, v1;
	s16 =	spop (v2sf)  }
0xc4: {  	[tilespmem:s11+$0x8000] =	vst.msk vm0, v10;
	s11 =	sadd.s32 s11, s16  }
0xc5: {  	p1 =	sgt.s32 s11, $0x3FF  }
0xc6: {  	p2 =	slt.u32 @!p1 s15, $0x1FF  }
0xc7: {  	p1 =	por p1, !p2  }
.Ltmp12:
0xc8: {  	_ = 	snop;
	(pc) =	sbr.rel @!p1 .LBB2_22-.Ltmp12, $3  }
0xc9: {  	_ =	sdelay $0x1  }
0xca: {  	s12 =	sadd.s32 $0x10, s12  }
0xcb: {  	s13 =	sadd.s32 $0x10, s13;
	s14 =	sadd.s32 $0x10, s14;
	s15 =	sadd.s32 $0x1, s15  }
.LBB2_23:
0xcc: {  	s12 =	simm.s32 $0x0;
	s11 =	simm.s32 $0x40  }
.LBB2_24:
0xcd: {  	p1 =	sne.s32 s11, $0xFC0;
	v10 =	vld [tilespmem:s12+$0x8000];
	_ =	sdelay $0x3  }
.Ltmp13:
0xce: {  	(pc) =	sbr.rel @p1 .LBB2_24-.Ltmp13, $2  }
0xcf: {  	_ =	sdelay $0x2  }
0xd0: {  	s12 =	sshra.s32 s11, $0x2;
	s11 =	sadd.s32 $0x40, s11;
	[tilespmem:v10+s9+$0x0] =	vst.idx.msk $0xffff, v4  }
0xd1: {  	v10 =	vld [tilespmem:s12+$0x8000];
	_ =	sdelay $0x7  }
0xd2: {  	[tilespmem:v10+s9+$0x0] =	vst.idx.msk $0xffff, v4  }
0xd3: {  	[hbm4b:s29+s5] =	stream.strided.scatter [tilespmem:s10], [sflag:$0x1], $0x400, s6, s5, $0x38;
	[tilespmem:$0x8480] =	vst v63  }
0xd4: {  	_ =	swait.ge [sflag:s7], $0x400  }
0xd5: {  	[sflag:s7] =	ssyncset.done $0x0  }
0xd6: {  	s12 =	simm.s32 $0x0;
	s11 =	rddreg [dreg:$0xb];
	[sflag:s7] =	ssyncadd.s32 $0xFFFFFC00  }
0xd7: {  	[tilespmem:s12], [sflag:$0x1] =	stream.strided.gather [hbm4b:s11+s5], $0x2000, s6, s5, $0x38;
	[tilespmem:$0x8480] =	vst v63  }
0xd8: {  	_ =	swait.ge [sflag:s7], $0x2000  }
0xd9: {  	[sflag:s7] =	ssyncset.done $0x0  }
0xda: {  	s13 =	simm.s32 $0x2000;
	s15 =	rddreg [dreg:$0xc];
	[sflag:s7] =	ssyncadd.s32 $0xFFFFE000  }
0xdb: {  	[tilespmem:s13], [sflag:$0x1] =	stream.strided.gather [hbm4b:s15+s5], $0x2000, s6, s5, $0x38;
	[tilespmem:$0x8480] =	vst v63  }
0xdc: {  	_ =	swait.ge [sflag:s7], $0x2000  }
0xdd: {  	[sflag:s7] =	ssyncset.done $0x0  }
0xde: {  	s16 =	rddreg [dreg:$0xd];
	[sflag:s7] =	ssyncadd.s32 $0xFFFFE000  }
0xdf: {  	[tilespmem:s8], [sflag:$0x1] =	stream.strided.gather [hbm4b:s16+s5], $0x2000, s6, s5, $0x38;
	[tilespmem:$0x8480] =	vst v63  }
0xe0: {  	_ =	swait.ge [sflag:s7], $0x2000  }
0xe1: {  	[sflag:s7] =	ssyncset.done $0x0  }
0xe2: {  	s14 =	simm.s32 $0x0;
	s11 =	simm.s32 $0x0;
	[sflag:s7] =	ssyncadd.s32 $0xFFFFE000  }
.LBB2_26:
0xe3: {  	v10 =	vld [tilespmem:s14+$0x0];
	_ =	sdelay $0x6  }
0xe4: {  	v11 =	vld [tilespmem:s13+$0x0]  }
0xe5: {  	v12 =	vld.idx.msk [tilespmem:v10+s9+$0x0], $0xffff;
	_ =	sdelay $0x4  }
0xe6: {  	vm1 =	vlt.s32 v11, $0x0;
	vm0 =	veq.s32 v12, $0x0  }
0xe7: {  	vm0 =	vmand vm1, vm0  }
0xe8: {  	v11 =	vmpcnt.ones.xlane vm0;
	_ =	sdelay $0x1  }
0xe9: {  	(v2sf) =	vpush v11, $0x0;
	_ =	sdelay $0xe  }
0xea: {  	s15 =	spop (v2sf)  }
0xeb: {  	[tilespmem:s11+$0x8000] =	vst.msk vm0, v10;
	s11 =	sadd.s32 s11, s15  }
0xec: {  	p1 =	sgt.s32 s11, $0x3FF  }
0xed: {  	p2 =	slt.u32 @!p1 s12, $0x1FF  }
0xee: {  	p1 =	por p1, !p2  }
.Ltmp14:
0xef: {  	_ = 	snop;
	(pc) =	sbr.rel @!p1 .LBB2_26-.Ltmp14, $2  }
0xf0: {  	_ =	sdelay $0x2  }
0xf1: {  	s14 =	sadd.s32 $0x10, s14;
	s13 =	sadd.s32 $0x10, s13;
	s12 =	sadd.s32 $0x1, s12  }
0xf2: {  	p1 =	slt.s32 s11, $0x400  }
.Ltmp15:
0xf3: {  	_ = 	snop;
	(pc) =	sbr.rel @!p1 .LBB2_30-.Ltmp15, $1  }
0xf4: {  	_ =	sdelay $0x3  }
0xf5: {  	s12 =	simm.s32 $0x4000  }
0xf6: {  	s13 =	simm.s32 $0x6000;
	s15 =	simm.s32 $0x0;
	s14 =	simm.s32 $0x0  }
.LBB2_29:
0xf7: {  	v10 =	vld [tilespmem:s12+$0x0]  }
0xf8: {  	v11 =	vld [tilespmem:s13+$0x0];
	_ =	sdelay $0x4  }
0xf9: {  	v12 =	vadd.s32 $0xFFFFFFFF, v11;
	v10 =	vor.u32 v10, v11  }
0xfa: {  	vm0 =	vlt.u32 v12, $0x3;
	vm1 =	veq.s32 v10, $0x0  }
0xfb: {  	vm0 =	vmor vm0, vm1  }
0xfc: {  	v10 =	vmpcnt.ones.xlane vm0;
	_ =	sdelay $0x1  }
0xfd: {  	(v2sf) =	vpush v10, $0x0;
	_ =	sdelay $0xe  }
0xfe: {  	v10 =	vor.u32 s14, v1;
	s16 =	spop (v2sf)  }
0xff: {  	[tilespmem:s11+$0x8000] =	vst.msk vm0, v10;
	s11 =	sadd.s32 s11, s16  }
0x100: {  	p1 =	sgt.s32 s11, $0x3FF  }
0x101: {  	p2 =	slt.u32 @!p1 s15, $0x1FF  }
0x102: {  	p1 =	por p1, !p2  }
.Ltmp16:
0x103: {  	_ = 	snop;
	(pc) =	sbr.rel @!p1 .LBB2_29-.Ltmp16, $3  }
0x104: {  	_ =	sdelay $0x1  }
0x105: {  	s12 =	sadd.s32 $0x10, s12  }
0x106: {  	s13 =	sadd.s32 $0x10, s13;
	s14 =	sadd.s32 $0x10, s14;
	s15 =	sadd.s32 $0x1, s15  }
.LBB2_30:
0x107: {  	s12 =	simm.s32 $0x0;
	s11 =	simm.s32 $0x40  }
.LBB2_31:
0x108: {  	p1 =	sne.s32 s11, $0xFC0;
	v10 =	vld [tilespmem:s12+$0x8000];
	_ =	sdelay $0x3  }
.Ltmp17:
0x109: {  	(pc) =	sbr.rel @p1 .LBB2_31-.Ltmp17, $2  }
0x10a: {  	_ =	sdelay $0x2  }
0x10b: {  	s12 =	sshra.s32 s11, $0x2;
	s11 =	sadd.s32 $0x40, s11;
	[tilespmem:v10+s9+$0x0] =	vst.idx.msk $0xffff, v5  }
0x10c: {  	v10 =	vld [tilespmem:s12+$0x8000];
	_ =	sdelay $0x7  }
0x10d: {  	[tilespmem:v10+s9+$0x0] =	vst.idx.msk $0xffff, v5  }
0x10e: {  	[hbm4b:s30+s5] =	stream.strided.scatter [tilespmem:s10], [sflag:$0x1], $0x400, s6, s5, $0x38;
	[tilespmem:$0x8480] =	vst v63  }
0x10f: {  	_ =	swait.ge [sflag:s7], $0x400  }
0x110: {  	[sflag:s7] =	ssyncset.done $0x0  }
0x111: {  	s12 =	simm.s32 $0x0;
	s11 =	rddreg [dreg:$0xe];
	[sflag:s7] =	ssyncadd.s32 $0xFFFFFC00  }
0x112: {  	[tilespmem:s12], [sflag:$0x1] =	stream.strided.gather [hbm4b:s11+s5], $0x2000, s6, s5, $0x38;
	[tilespmem:$0x8480] =	vst v63  }
0x113: {  	_ =	swait.ge [sflag:s7], $0x2000  }
0x114: {  	[sflag:s7] =	ssyncset.done $0x0  }
0x115: {  	s13 =	simm.s32 $0x2000;
	s15 =	rddreg [dreg:$0xf];
	[sflag:s7] =	ssyncadd.s32 $0xFFFFE000  }
0x116: {  	[tilespmem:s13], [sflag:$0x1] =	stream.strided.gather [hbm4b:s15+s5], $0x2000, s6, s5, $0x38;
	[tilespmem:$0x8480] =	vst v63  }
0x117: {  	_ =	swait.ge [sflag:s7], $0x2000  }
0x118: {  	[sflag:s7] =	ssyncset.done $0x0  }
0x119: {  	s16 =	rddreg [dreg:$0x10];
	[sflag:s7] =	ssyncadd.s32 $0xFFFFE000  }
0x11a: {  	[tilespmem:s8], [sflag:$0x1] =	stream.strided.gather [hbm4b:s16+s5], $0x2000, s6, s5, $0x38;
	[tilespmem:$0x8480] =	vst v63  }
0x11b: {  	_ =	swait.ge [sflag:s7], $0x2000  }
0x11c: {  	[sflag:s7] =	ssyncset.done $0x0  }
0x11d: {  	s14 =	simm.s32 $0x0;
	s11 =	simm.s32 $0x0;
	[sflag:s7] =	ssyncadd.s32 $0xFFFFE000  }
.LBB2_33:
0x11e: {  	v10 =	vld [tilespmem:s14+$0x0];
	_ =	sdelay $0x6  }
0x11f: {  	v11 =	vld [tilespmem:s13+$0x0]  }
0x120: {  	v12 =	vld.idx.msk [tilespmem:v10+s9+$0x0], $0xffff;
	_ =	sdelay $0x4  }
0x121: {  	vm1 =	vlt.s32 v11, $0x0;
	vm0 =	veq.s32 v12, $0x0  }
0x122: {  	vm0 =	vmand vm1, vm0  }
0x123: {  	v11 =	vmpcnt.ones.xlane vm0;
	_ =	sdelay $0x1  }
0x124: {  	(v2sf) =	vpush v11, $0x0;
	_ =	sdelay $0xe  }
0x125: {  	s15 =	spop (v2sf)  }
0x126: {  	[tilespmem:s11+$0x8000] =	vst.msk vm0, v10;
	s11 =	sadd.s32 s11, s15  }
0x127: {  	p1 =	sgt.s32 s11, $0x3FF  }
0x128: {  	p2 =	slt.u32 @!p1 s12, $0x1FF  }
0x129: {  	p1 =	por p1, !p2  }
.Ltmp18:
0x12a: {  	_ = 	snop;
	(pc) =	sbr.rel @!p1 .LBB2_33-.Ltmp18, $2  }
0x12b: {  	_ =	sdelay $0x2  }
0x12c: {  	s14 =	sadd.s32 $0x10, s14;
	s13 =	sadd.s32 $0x10, s13;
	s12 =	sadd.s32 $0x1, s12  }
0x12d: {  	p1 =	slt.s32 s11, $0x400  }
.Ltmp19:
0x12e: {  	_ = 	snop;
	(pc) =	sbr.rel @!p1 .LBB2_37-.Ltmp19, $1  }
0x12f: {  	_ =	sdelay $0x3  }
0x130: {  	s12 =	simm.s32 $0x4000  }
0x131: {  	s13 =	simm.s32 $0x6000;
	s15 =	simm.s32 $0x0;
	s14 =	simm.s32 $0x0  }
.LBB2_36:
0x132: {  	v10 =	vld [tilespmem:s12+$0x0]  }
0x133: {  	v11 =	vld [tilespmem:s13+$0x0];
	_ =	sdelay $0x4  }
0x134: {  	v12 =	vadd.s32 $0xFFFFFFFF, v11;
	v10 =	vor.u32 v10, v11  }
0x135: {  	vm0 =	vlt.u32 v12, $0x4;
	vm1 =	veq.s32 v10, $0x0  }
0x136: {  	vm0 =	vmor vm0, vm1  }
0x137: {  	v10 =	vmpcnt.ones.xlane vm0;
	_ =	sdelay $0x1  }
0x138: {  	(v2sf) =	vpush v10, $0x0;
	_ =	sdelay $0xe  }
0x139: {  	v10 =	vor.u32 s14, v1;
	s16 =	spop (v2sf)  }
0x13a: {  	[tilespmem:s11+$0x8000] =	vst.msk vm0, v10;
	s11 =	sadd.s32 s11, s16  }
0x13b: {  	p1 =	sgt.s32 s11, $0x3FF  }
0x13c: {  	p2 =	slt.u32 @!p1 s15, $0x1FF  }
0x13d: {  	p1 =	por p1, !p2  }
.Ltmp20:
0x13e: {  	_ = 	snop;
	(pc) =	sbr.rel @!p1 .LBB2_36-.Ltmp20, $3  }
0x13f: {  	_ =	sdelay $0x1  }
0x140: {  	s12 =	sadd.s32 $0x10, s12  }
0x141: {  	s13 =	sadd.s32 $0x10, s13;
	s14 =	sadd.s32 $0x10, s14;
	s15 =	sadd.s32 $0x1, s15  }
.LBB2_37:
0x142: {  	s12 =	simm.s32 $0x0;
	s11 =	simm.s32 $0x40  }
.LBB2_38:
0x143: {  	p1 =	sne.s32 s11, $0xFC0;
	v10 =	vld [tilespmem:s12+$0x8000];
	_ =	sdelay $0x3  }
.Ltmp21:
0x144: {  	(pc) =	sbr.rel @p1 .LBB2_38-.Ltmp21, $2  }
0x145: {  	_ =	sdelay $0x2  }
0x146: {  	s12 =	sshra.s32 s11, $0x2;
	s11 =	sadd.s32 $0x40, s11;
	[tilespmem:v10+s9+$0x0] =	vst.idx.msk $0xffff, v6  }
0x147: {  	v10 =	vld [tilespmem:s12+$0x8000];
	_ =	sdelay $0x7  }
0x148: {  	[tilespmem:v10+s9+$0x0] =	vst.idx.msk $0xffff, v6  }
0x149: {  	[hbm4b:s31+s5] =	stream.strided.scatter [tilespmem:s10], [sflag:$0x1], $0x400, s6, s5, $0x38;
	[tilespmem:$0x8480] =	vst v63  }
0x14a: {  	_ =	swait.ge [sflag:s7], $0x400  }
0x14b: {  	[sflag:s7] =	ssyncset.done $0x0  }
0x14c: {  	s12 =	simm.s32 $0x0;
	s11 =	rddreg [dreg:$0x11];
	[sflag:s7] =	ssyncadd.s32 $0xFFFFFC00  }
0x14d: {  	[tilespmem:s12], [sflag:$0x1] =	stream.strided.gather [hbm4b:s11+s5], $0x2000, s6, s5, $0x38;
	[tilespmem:$0x8480] =	vst v63  }
0x14e: {  	_ =	swait.ge [sflag:s7], $0x2000  }
0x14f: {  	[sflag:s7] =	ssyncset.done $0x0  }
0x150: {  	s13 =	simm.s32 $0x2000;
	s16 =	rddreg [dreg:$0x12];
	[sflag:s7] =	ssyncadd.s32 $0xFFFFE000  }
0x151: {  	[tilespmem:s13], [sflag:$0x1] =	stream.strided.gather [hbm4b:s16+s5], $0x2000, s6, s5, $0x38;
	[tilespmem:$0x8480] =	vst v63  }
0x152: {  	_ =	swait.ge [sflag:s7], $0x2000  }
0x153: {  	[sflag:s7] =	ssyncset.done $0x0  }
0x154: {  	[sflag:s7] =	ssyncadd.s32 $0xFFFFE000  }
0x155: {  	[tilespmem:s8], [sflag:$0x1] =	stream.strided.gather [hbm4b:s17+s5], $0x2000, s6, s5, $0x38;
	[tilespmem:$0x8480] =	vst v63  }
0x156: {  	_ =	swait.ge [sflag:s7], $0x2000  }
0x157: {  	[sflag:s7] =	ssyncset.done $0x0  }
0x158: {  	s14 =	simm.s32 $0x0;
	s11 =	simm.s32 $0x0;
	[sflag:s7] =	ssyncadd.s32 $0xFFFFE000  }
.LBB2_40:
0x159: {  	v10 =	vld [tilespmem:s14+$0x0];
	_ =	sdelay $0x6  }
0x15a: {  	v11 =	vld [tilespmem:s13+$0x0]  }
0x15b: {  	v12 =	vld.idx.msk [tilespmem:v10+s9+$0x0], $0xffff;
	_ =	sdelay $0x4  }
0x15c: {  	vm1 =	vlt.s32 v11, $0x0;
	vm0 =	veq.s32 v12, $0x0  }
0x15d: {  	vm0 =	vmand vm1, vm0  }
0x15e: {  	v11 =	vmpcnt.ones.xlane vm0;
	_ =	sdelay $0x1  }
0x15f: {  	(v2sf) =	vpush v11, $0x0;
	_ =	sdelay $0xe  }
0x160: {  	s15 =	spop (v2sf)  }
0x161: {  	[tilespmem:s11+$0x8000] =	vst.msk vm0, v10;
	s11 =	sadd.s32 s11, s15  }
0x162: {  	p1 =	sgt.s32 s11, $0x3FF  }
0x163: {  	p2 =	slt.u32 @!p1 s12, $0x1FF  }
0x164: {  	p1 =	por p1, !p2  }
.Ltmp22:
0x165: {  	_ = 	snop;
	(pc) =	sbr.rel @!p1 .LBB2_40-.Ltmp22, $2  }
0x166: {  	_ =	sdelay $0x2  }
0x167: {  	s14 =	sadd.s32 $0x10, s14;
	s13 =	sadd.s32 $0x10, s13;
	s12 =	sadd.s32 $0x1, s12  }
0x168: {  	p1 =	slt.s32 s11, $0x400  }
.Ltmp23:
0x169: {  	_ = 	snop;
	(pc) =	sbr.rel @!p1 .LBB2_44-.Ltmp23, $1  }
0x16a: {  	_ =	sdelay $0x3  }
0x16b: {  	s12 =	simm.s32 $0x4000  }
0x16c: {  	s13 =	simm.s32 $0x6000;
	s15 =	simm.s32 $0x0;
	s14 =	simm.s32 $0x0  }
.LBB2_43:
0x16d: {  	v10 =	vld [tilespmem:s12+$0x0]  }
0x16e: {  	v11 =	vld [tilespmem:s13+$0x0];
	_ =	sdelay $0x4  }
0x16f: {  	v12 =	vadd.s32 $0xFFFFFFFF, v11;
	v10 =	vor.u32 v10, v11  }
0x170: {  	vm0 =	vlt.u32 v12, $0x5;
	vm1 =	veq.s32 v10, $0x0  }
0x171: {  	vm0 =	vmor vm0, vm1  }
0x172: {  	v10 =	vmpcnt.ones.xlane vm0;
	_ =	sdelay $0x1  }
0x173: {  	(v2sf) =	vpush v10, $0x0;
	_ =	sdelay $0xe  }
0x174: {  	v10 =	vor.u32 s14, v1;
	s16 =	spop (v2sf)  }
0x175: {  	[tilespmem:s11+$0x8000] =	vst.msk vm0, v10;
	s11 =	sadd.s32 s11, s16  }
0x176: {  	p1 =	sgt.s32 s11, $0x3FF  }
0x177: {  	p2 =	slt.u32 @!p1 s15, $0x1FF  }
0x178: {  	p1 =	por p1, !p2  }
.Ltmp24:
0x179: {  	_ = 	snop;
	(pc) =	sbr.rel @!p1 .LBB2_43-.Ltmp24, $3  }
0x17a: {  	_ =	sdelay $0x1  }
0x17b: {  	s12 =	sadd.s32 $0x10, s12  }
0x17c: {  	s13 =	sadd.s32 $0x10, s13;
	s14 =	sadd.s32 $0x10, s14;
	s15 =	sadd.s32 $0x1, s15  }
.LBB2_44:
0x17d: {  	s12 =	simm.s32 $0x0;
	s11 =	simm.s32 $0x40  }
.LBB2_45:
0x17e: {  	p1 =	sne.s32 s11, $0xFC0;
	v10 =	vld [tilespmem:s12+$0x8000];
	_ =	sdelay $0x3  }
.Ltmp25:
0x17f: {  	(pc) =	sbr.rel @p1 .LBB2_45-.Ltmp25, $2  }
0x180: {  	_ =	sdelay $0x2  }
0x181: {  	s12 =	sshra.s32 s11, $0x2;
	s11 =	sadd.s32 $0x40, s11;
	[tilespmem:v10+s9+$0x0] =	vst.idx.msk $0xffff, v7  }
0x182: {  	v10 =	vld [tilespmem:s12+$0x8000];
	_ =	sdelay $0x7  }
0x183: {  	[tilespmem:v10+s9+$0x0] =	vst.idx.msk $0xffff, v7  }
0x184: {  	[hbm4b:s0+s5] =	stream.strided.scatter [tilespmem:s10], [sflag:$0x1], $0x400, s6, s5, $0x38;
	[tilespmem:$0x8480] =	vst v63  }
0x185: {  	_ =	swait.ge [sflag:s7], $0x400  }
0x186: {  	[sflag:s7] =	ssyncset.done $0x0  }
0x187: {  	s12 =	simm.s32 $0x0;
	[sflag:s7] =	ssyncadd.s32 $0xFFFFFC00  }
0x188: {  	[tilespmem:s12], [sflag:$0x1] =	stream.strided.gather [hbm4b:s18+s5], $0x2000, s6, s5, $0x38;
	[tilespmem:$0x8480] =	vst v63  }
0x189: {  	_ =	swait.ge [sflag:s7], $0x2000  }
0x18a: {  	[sflag:s7] =	ssyncset.done $0x0  }
0x18b: {  	s13 =	simm.s32 $0x2000;
	[sflag:s7] =	ssyncadd.s32 $0xFFFFE000  }
0x18c: {  	[tilespmem:s13], [sflag:$0x1] =	stream.strided.gather [hbm4b:s19+s5], $0x2000, s6, s5, $0x38;
	[tilespmem:$0x8480] =	vst v63  }
0x18d: {  	_ =	swait.ge [sflag:s7], $0x2000  }
0x18e: {  	[sflag:s7] =	ssyncset.done $0x0  }
0x18f: {  	[sflag:s7] =	ssyncadd.s32 $0xFFFFE000  }
0x190: {  	[tilespmem:s8], [sflag:$0x1] =	stream.strided.gather [hbm4b:s20+s5], $0x2000, s6, s5, $0x38;
	[tilespmem:$0x8480] =	vst v63  }
0x191: {  	_ =	swait.ge [sflag:s7], $0x2000  }
0x192: {  	[sflag:s7] =	ssyncset.done $0x0  }
0x193: {  	s14 =	simm.s32 $0x0;
	s11 =	simm.s32 $0x0;
	[sflag:s7] =	ssyncadd.s32 $0xFFFFE000  }
.LBB2_47:
0x194: {  	v10 =	vld [tilespmem:s14+$0x0];
	_ =	sdelay $0x6  }
0x195: {  	v11 =	vld [tilespmem:s13+$0x0]  }
0x196: {  	v12 =	vld.idx.msk [tilespmem:v10+s9+$0x0], $0xffff;
	_ =	sdelay $0x4  }
0x197: {  	vm1 =	vlt.s32 v11, $0x0;
	vm0 =	veq.s32 v12, $0x0  }
0x198: {  	vm0 =	vmand vm1, vm0  }
0x199: {  	v11 =	vmpcnt.ones.xlane vm0;
	_ =	sdelay $0x1  }
0x19a: {  	(v2sf) =	vpush v11, $0x0;
	_ =	sdelay $0xe  }
0x19b: {  	s15 =	spop (v2sf)  }
0x19c: {  	[tilespmem:s11+$0x8000] =	vst.msk vm0, v10;
	s11 =	sadd.s32 s11, s15  }
0x19d: {  	p1 =	sgt.s32 s11, $0x3FF  }
0x19e: {  	p2 =	slt.u32 @!p1 s12, $0x1FF  }
0x19f: {  	p1 =	por p1, !p2  }
.Ltmp26:
0x1a0: {  	_ = 	snop;
	(pc) =	sbr.rel @!p1 .LBB2_47-.Ltmp26, $2  }
0x1a1: {  	_ =	sdelay $0x2  }
0x1a2: {  	s14 =	sadd.s32 $0x10, s14;
	s13 =	sadd.s32 $0x10, s13;
	s12 =	sadd.s32 $0x1, s12  }
0x1a3: {  	p1 =	slt.s32 s11, $0x400  }
.Ltmp27:
0x1a4: {  	_ = 	snop;
	(pc) =	sbr.rel @!p1 .LBB2_51-.Ltmp27, $1  }
0x1a5: {  	_ =	sdelay $0x3  }
0x1a6: {  	s12 =	simm.s32 $0x4000  }
0x1a7: {  	s13 =	simm.s32 $0x6000;
	s15 =	simm.s32 $0x0;
	s14 =	simm.s32 $0x0  }
.LBB2_50:
0x1a8: {  	v10 =	vld [tilespmem:s12+$0x0]  }
0x1a9: {  	v11 =	vld [tilespmem:s13+$0x0];
	_ =	sdelay $0x4  }
0x1aa: {  	v12 =	vadd.s32 $0xFFFFFFFF, v11;
	v10 =	vor.u32 v10, v11  }
0x1ab: {  	vm0 =	vlt.u32 v12, $0x6;
	vm1 =	veq.s32 v10, $0x0  }
0x1ac: {  	vm0 =	vmor vm0, vm1  }
0x1ad: {  	v10 =	vmpcnt.ones.xlane vm0;
	_ =	sdelay $0x1  }
0x1ae: {  	(v2sf) =	vpush v10, $0x0;
	_ =	sdelay $0xe  }
0x1af: {  	v10 =	vor.u32 s14, v1;
	s16 =	spop (v2sf)  }
0x1b0: {  	[tilespmem:s11+$0x8000] =	vst.msk vm0, v10;
	s11 =	sadd.s32 s11, s16  }
0x1b1: {  	p1 =	sgt.s32 s11, $0x3FF  }
0x1b2: {  	p2 =	slt.u32 @!p1 s15, $0x1FF  }
0x1b3: {  	p1 =	por p1, !p2  }
.Ltmp28:
0x1b4: {  	_ = 	snop;
	(pc) =	sbr.rel @!p1 .LBB2_50-.Ltmp28, $3  }
0x1b5: {  	_ =	sdelay $0x1  }
0x1b6: {  	s12 =	sadd.s32 $0x10, s12  }
0x1b7: {  	s13 =	sadd.s32 $0x10, s13;
	s14 =	sadd.s32 $0x10, s14;
	s15 =	sadd.s32 $0x1, s15  }
.LBB2_51:
0x1b8: {  	s12 =	simm.s32 $0x0;
	s11 =	simm.s32 $0x40  }
.LBB2_52:
0x1b9: {  	p1 =	sne.s32 s11, $0xFC0;
	v10 =	vld [tilespmem:s12+$0x8000];
	_ =	sdelay $0x3  }
.Ltmp29:
0x1ba: {  	(pc) =	sbr.rel @p1 .LBB2_52-.Ltmp29, $2  }
0x1bb: {  	_ =	sdelay $0x2  }
0x1bc: {  	s12 =	sshra.s32 s11, $0x2;
	s11 =	sadd.s32 $0x40, s11;
	[tilespmem:v10+s9+$0x0] =	vst.idx.msk $0xffff, v8  }
0x1bd: {  	v10 =	vld [tilespmem:s12+$0x8000];
	_ =	sdelay $0x7  }
0x1be: {  	[tilespmem:v10+s9+$0x0] =	vst.idx.msk $0xffff, v8  }
0x1bf: {  	[hbm4b:s2+s5] =	stream.strided.scatter [tilespmem:s10], [sflag:$0x1], $0x400, s6, s5, $0x38;
	[tilespmem:$0x8480] =	vst v63  }
0x1c0: {  	_ =	swait.ge [sflag:s7], $0x400  }
0x1c1: {  	[sflag:s7] =	ssyncset.done $0x0  }
0x1c2: {  	s12 =	simm.s32 $0x0;
	[sflag:s7] =	ssyncadd.s32 $0xFFFFFC00  }
0x1c3: {  	[tilespmem:s12], [sflag:$0x1] =	stream.strided.gather [hbm4b:s24+s5], $0x2000, s6, s5, $0x38;
	[tilespmem:$0x8480] =	vst v63  }
0x1c4: {  	_ =	swait.ge [sflag:s7], $0x2000  }
0x1c5: {  	[sflag:s7] =	ssyncset.done $0x0  }
0x1c6: {  	s13 =	simm.s32 $0x2000;
	[sflag:s7] =	ssyncadd.s32 $0xFFFFE000  }
0x1c7: {  	[tilespmem:s13], [sflag:$0x1] =	stream.strided.gather [hbm4b:s21+s5], $0x2000, s6, s5, $0x38;
	[tilespmem:$0x8480] =	vst v63  }
0x1c8: {  	_ =	swait.ge [sflag:s7], $0x2000  }
0x1c9: {  	[sflag:s7] =	ssyncset.done $0x0  }
0x1ca: {  	[sflag:s7] =	ssyncadd.s32 $0xFFFFE000  }
0x1cb: {  	[tilespmem:s8], [sflag:$0x1] =	stream.strided.gather [hbm4b:s23+s5], $0x2000, s6, s5, $0x38;
	[tilespmem:$0x8480] =	vst v63  }
0x1cc: {  	_ =	swait.ge [sflag:s7], $0x2000  }
0x1cd: {  	[sflag:s7] =	ssyncset.done $0x0  }
0x1ce: {  	s14 =	simm.s32 $0x0;
	s11 =	simm.s32 $0x0;
	[sflag:s7] =	ssyncadd.s32 $0xFFFFE000  }
.LBB2_54:
0x1cf: {  	v10 =	vld [tilespmem:s14+$0x0];
	_ =	sdelay $0x6  }
0x1d0: {  	v11 =	vld [tilespmem:s13+$0x0]  }
0x1d1: {  	v12 =	vld.idx.msk [tilespmem:v10+s9+$0x0], $0xffff;
	_ =	sdelay $0x4  }
0x1d2: {  	vm1 =	vlt.s32 v11, $0x0;
	vm0 =	veq.s32 v12, $0x0  }
0x1d3: {  	vm0 =	vmand vm1, vm0  }
0x1d4: {  	v11 =	vmpcnt.ones.xlane vm0;
	_ =	sdelay $0x1  }
0x1d5: {  	(v2sf) =	vpush v11, $0x0;
	_ =	sdelay $0xe  }
0x1d6: {  	s15 =	spop (v2sf)  }
0x1d7: {  	[tilespmem:s11+$0x8000] =	vst.msk vm0, v10;
	s11 =	sadd.s32 s11, s15  }
0x1d8: {  	p1 =	sgt.s32 s11, $0x3FF  }
0x1d9: {  	p2 =	slt.u32 @!p1 s12, $0x1FF  }
0x1da: {  	p1 =	por p1, !p2  }
.Ltmp30:
0x1db: {  	_ = 	snop;
	(pc) =	sbr.rel @!p1 .LBB2_54-.Ltmp30, $2  }
0x1dc: {  	_ =	sdelay $0x2  }
0x1dd: {  	s14 =	sadd.s32 $0x10, s14;
	s13 =	sadd.s32 $0x10, s13;
	s12 =	sadd.s32 $0x1, s12  }
0x1de: {  	p1 =	slt.s32 s11, $0x400  }
.Ltmp31:
0x1df: {  	_ = 	snop;
	(pc) =	sbr.rel @!p1 .LBB2_58-.Ltmp31, $1  }
0x1e0: {  	_ =	sdelay $0x3  }
0x1e1: {  	s12 =	simm.s32 $0x4000  }
0x1e2: {  	s13 =	simm.s32 $0x6000;
	s15 =	simm.s32 $0x0;
	s14 =	simm.s32 $0x0  }
.LBB2_57:
0x1e3: {  	v10 =	vld [tilespmem:s12+$0x0]  }
0x1e4: {  	v11 =	vld [tilespmem:s13+$0x0];
	_ =	sdelay $0x4  }
0x1e5: {  	v12 =	vadd.s32 $0xFFFFFFFF, v11;
	v10 =	vor.u32 v10, v11  }
0x1e6: {  	vm0 =	vlt.u32 v12, $0x7;
	vm1 =	veq.s32 v10, $0x0  }
0x1e7: {  	vm0 =	vmor vm0, vm1  }
0x1e8: {  	v10 =	vmpcnt.ones.xlane vm0;
	_ =	sdelay $0x1  }
0x1e9: {  	(v2sf) =	vpush v10, $0x0;
	_ =	sdelay $0xe  }
0x1ea: {  	v10 =	vor.u32 s14, v1;
	s16 =	spop (v2sf)  }
0x1eb: {  	[tilespmem:s11+$0x8000] =	vst.msk vm0, v10;
	s11 =	sadd.s32 s11, s16  }
0x1ec: {  	p1 =	sgt.s32 s11, $0x3FF  }
0x1ed: {  	p2 =	slt.u32 @!p1 s15, $0x1FF  }
0x1ee: {  	p1 =	por p1, !p2  }
.Ltmp32:
0x1ef: {  	_ = 	snop;
	(pc) =	sbr.rel @!p1 .LBB2_57-.Ltmp32, $3  }
0x1f0: {  	_ =	sdelay $0x1  }
0x1f1: {  	s12 =	sadd.s32 $0x10, s12  }
0x1f2: {  	s13 =	sadd.s32 $0x10, s13;
	s14 =	sadd.s32 $0x10, s14;
	s15 =	sadd.s32 $0x1, s15  }
.LBB2_58:
0x1f3: {  	s12 =	simm.s32 $0x0;
	s11 =	simm.s32 $0x40  }
.LBB2_59:
0x1f4: {  	p1 =	sne.s32 s11, $0xFC0;
	v10 =	vld [tilespmem:s12+$0x8000];
	_ =	sdelay $0x3  }
.Ltmp33:
0x1f5: {  	(pc) =	sbr.rel @p1 .LBB2_59-.Ltmp33, $2  }
0x1f6: {  	_ =	sdelay $0x2  }
0x1f7: {  	s12 =	sshra.s32 s11, $0x2;
	s11 =	sadd.s32 $0x40, s11;
	[tilespmem:v10+s9+$0x0] =	vst.idx.msk $0xffff, v9  }
0x1f8: {  	v10 =	vld [tilespmem:s12+$0x8000];
	_ =	sdelay $0x5  }
0x1f9: {  	s1 =	sadd.s32 $0x1, s1  }
0x1fa: {  	p1 =	sne.s32 s1, s4  }
.Ltmp34:
0x1fb: {  	[tilespmem:v10+s9+$0x0] =	vst.idx.msk $0xffff, v9;
	(pc) =	sbr.rel @p1 .LBB2_2-.Ltmp34, $4  }
0x1fc: {  	[hbm4b:s3+s5] =	stream.strided.scatter [tilespmem:s10], [sflag:$0x1], $0x400, s6, s5, $0x38;
	[tilespmem:$0x8480] =	vst v63  }
0x1fd: {  	_ =	swait.ge [sflag:s7], $0x400  }
0x1fe: {  	[sflag:s7] =	ssyncset.done $0x0  }
0x1ff: {  	[sflag:s7] =	ssyncadd.s32 $0xFFFFFC00  }
.LBB2_61:
0x200: {  	_ =	sfence.sel $0x180000  }
0x201: {  	[bflag:$0x0] =	sbarrier.arrive $0xFFFF  }
0x202: {  	_ =	strace $0x90000047  }
0x203: {  	[bflag:$0x2] =	sbarrier.arrive $0xFFFF  }
0x204: {  	s0 =	rddreg [dreg:$0x3]  }
0x205: {  	s0 =	sadd.s32 @!p0 $0x100000, s0  }
0x206: {  	[sflag:s0] =	ssyncadd.tile.s32 @!p0 $0x1;
	_ =	shalt  }
.Lfunc_end2:
_tile_overlayer_lowered:
.L_overlay_start_2:
0x207: {  	(tag) =	ssettag $0x2  }
0x208: {  	s0 =	rddreg [dreg:$0x0];
	s2 =	stileid.u32  }
0x209: {  	s1 =	rddreg [dreg:$0x1];
	p0 =	sne.s32 s2, $0x0  }
0x20a: {  	s3 =	rddreg [dreg:$0x2];
	[bflag:$0x3] =	sbarrier.arrive $0xFFFF;
	s2 =	simm.s32 @!p0 $0x1C01  }
0x20b: {  	[timem:s3], [sflag:s2] =	dma.local @!p0 [hbm:s0], s1  }
0x20c: {  	s0 =	simm.s32 @!p0 $0x1  }
0x20d: {  	_ =	swait.ge @!p0 [sflag:s0], s1  }
0x20e: {  	s1 =	ssub.s32 @!p0 $0x0, s1;
	[sflag:s0] =	ssyncset.done @!p0 $0x0  }
0x20f: {  	[sflag:s0] =	ssyncadd.s32 @!p0 s1  }
0x210: {  	[bflag:$0x3] =	sbarrier.arrive $0xFFFF  }
0x211: {  	_ =	shalt  }

</sc_bundles>
